<compile_context>
chip_gen: v7x
topology: tpu7x:2x2x1
jax: 0.10.2.dev20260603
libtpu: 0.0.44.dev20260713+nightly
codegen_flags: <defaults>
</compile_context>

<pallas_src>
import functools

import jax
import jax.numpy as jnp
from jax import lax
from jax.experimental import pallas as pl
from jax.experimental.pallas import tpu as pltpu
from jax.experimental.pallas import tpu_sc as plsc

BASE_VOCAB = 100000
N_SPECIAL = 16
HIDDEN = 64

N_TOKENS = 16384 * 50

NW = 32
GATHER = 128
GPC = 4
CHUNK = GATHER * GPC
PER_W = N_TOKENS // NW
N_CHUNK = PER_W // CHUNK
N_GROUP = CHUNK // 16

_mesh = plsc.VectorSubcoreMesh(core_axis_name="c", subcore_axis_name="s")


@functools.partial(
    pl.kernel,
    out_type=jax.ShapeDtypeStruct((N_TOKENS, HIDDEN), jnp.float32),
    mesh=_mesh,
    compiler_params=pltpu.CompilerParams(use_tc_tiling_on_sc=False,
                                         needs_layout_passes=False),
    scratch_types=[
        pltpu.VMEM((N_SPECIAL, HIDDEN), jnp.float32),
        pltpu.VMEM((2, CHUNK), jnp.int32),
        pltpu.VMEM((2, CHUNK), jnp.int32),
        pltpu.VMEM((2, CHUNK, HIDDEN), jnp.float32),
        pltpu.SemaphoreType.DMA,
        pltpu.SemaphoreType.DMA,
        pltpu.SemaphoreType.DMA,
        pltpu.SemaphoreType.DMA,
    ],
)
def _lookup_kernel(base_hbm, special_hbm, idx_hbm, out_hbm,
                   spec_v, idx_v, gidx_v, rows_v, sg0, sg1, so0, so1):
    wid = lax.axis_index("s") * 2 + lax.axis_index("c")
    tok_base = wid * PER_W
    sgs = (sg0, sg1)
    sos = (so0, so1)

    pltpu.sync_copy(special_hbm, spec_v)
    lanes = lax.iota(jnp.int32, 16)

    def do_chunk(g, b, first):
        @pl.when(jnp.logical_not(first))
        def _():
            pltpu.make_async_copy(
                rows_v.at[b], out_hbm.at[pl.ds(tok_base, CHUNK)], sos[b]
            ).wait()

        start = tok_base + g * CHUNK
        pltpu.sync_copy(idx_hbm.at[pl.ds(start, CHUNK)], idx_v.at[b])

        acc = jnp.zeros((16,), jnp.int32)
        for k in range(N_GROUP):
            v = idx_v.at[b][pl.ds(k * 16, 16)]
            m = v >= BASE_VOCAB
            gidx_v.at[b][pl.ds(k * 16, 16)] = jnp.where(m, 0, v)
            acc = acc + m.astype(jnp.int32)
        has_special = plsc.cumsum(acc)[15] > 0

        copies = []
        for j in range(GPC):
            copies.append(pltpu.async_copy(
                base_hbm.at[gidx_v.at[b, pl.ds(j * GATHER, GATHER)]],
                rows_v.at[b, pl.ds(j * GATHER, GATHER)],
                sgs[b]))
        for cp in copies:
            cp.wait()

        rows_chunk = rows_v.at[b]

        @pl.when(has_special)
        def _():
            def fix_group(k, carry):
                v = idx_v.at[b][pl.ds(k * 16, 16)]
                m = v >= BASE_VOCAB
                anyg = plsc.cumsum(m.astype(jnp.int32))[15] > 0

                @pl.when(anyg)
                def _():
                    sid = jnp.where(m, v - BASE_VOCAB, 0)
                    rowi = k * 16 + lanes

                    def fix_col(col, carry2):
                        colv = jnp.full((16,), col, jnp.int32)
                        vals = plsc.load_gather(spec_v, [sid, colv])
                        plsc.store_scatter(rows_chunk, [rowi, colv], vals,
                                           mask=m)
                        return carry2

                    lax.fori_loop(0, HIDDEN, fix_col, 0)

                return carry

            lax.fori_loop(0, N_GROUP, fix_group, 0)

        pltpu.async_copy(rows_v.at[b],
                         out_hbm.at[pl.ds(start, CHUNK)],
                         sos[b])

    def body(i, carry):
        do_chunk(2 * i, 0, i == 0)
        do_chunk(2 * i + 1, 1, i == 0)
        return carry

    lax.fori_loop(0, N_CHUNK // 2, body, 0)

    for b in range(2):
        pltpu.make_async_copy(
            rows_v.at[b], out_hbm.at[pl.ds(tok_base, CHUNK)], sos[b]
        ).wait()


def kernel(token_ids, base_table, special_table):
    idx = token_ids.reshape(N_TOKENS).astype(jnp.int32)
    out = _lookup_kernel(base_table, special_table, idx)
    return out.reshape(16384, 50, HIDDEN)

# --- scband reference (transcript-rebuilt; emitter-appended) ---
"""Pipeline reference for scband-special-tokens-embeddings-21809843929952 (READ-ONLY COPY).

The authoritative reference and input builder live on the scoring server;
editing this copy changes nothing except your own understanding.
"""

import jax, jax.numpy as jnp
import numpy as np

BASE_VOCAB = 100000
N_SPECIAL = 16
HIDDEN = 64
PAD_ID = 0

def setup_inputs(seed: int = 0) -> dict:
    key = jax.random.key(seed)
    k1, k2, k3 = jax.random.split(key, 3)
    token_ids = jax.random.randint(k1, (16384, 50), 0, BASE_VOCAB + N_SPECIAL, dtype=jnp.int64 if jax.config.jax_enable_x64 else jnp.int32)
    base_table = jax.random.normal(k2, (BASE_VOCAB, HIDDEN), dtype=jnp.float32) * 0.02
    special_table = jax.random.normal(k3, (N_SPECIAL, HIDDEN), dtype=jnp.float32) * 0.02
    return {"token_ids": token_ids, "base_table": base_table, "special_table": special_table}

def reference(token_ids, base_table, special_table):
    # mask of special tokens (ids >= base vocab size)
    special_tokens_mask = token_ids >= BASE_VOCAB
    # ids into the small special-token embedding table (clip keeps gather in-range; masked out below)
    special_ids = jnp.clip(token_ids - BASE_VOCAB, 0, N_SPECIAL - 1)
    special_embeds = jnp.take(special_table, special_ids, axis=0)
    # replace special ids with pad id before base-table lookup
    safe_ids = jnp.where(special_tokens_mask, PAD_ID, token_ids)
    base_embeds = jnp.take(base_table, safe_ids, axis=0)
    # overwrite rows at special positions with special-token embeddings
    embeddings = jnp.where(special_tokens_mask[..., None], special_embeds, base_embeds)
    return embeddings

if __name__ == "__main__":
    import jax
    _d = setup_inputs()
    print(jax.jit(kernel)(*tuple(_d.values())))

</pallas_src>

<mosaic_0001>
#map = affine_map<(d0, d1) -> (0, 0)>
#map1 = affine_map<(d0, d1) -> (0)>
module attributes {stable_mosaic.version = 14 : i64} {
  func.func @_lookup_kernel(%arg0: i32, %arg1: i32, %arg2: memref<100000x64xf32, #tpu.memory_space<hbm>>, %arg3: memref<16x64xf32, #tpu.memory_space<hbm>>, %arg4: memref<819200xi32, #tpu.memory_space<hbm>>, %arg5: memref<819200x64xf32, #tpu.memory_space<hbm>>, %arg6: memref<16x64xf32, #tpu.memory_space<vmem>>, %arg7: memref<2x512xi32, #tpu.memory_space<vmem>>, %arg8: memref<2x512xi32, #tpu.memory_space<vmem>>, %arg9: memref<2x512x64xf32, #tpu.memory_space<vmem>>, %arg10: memref<!tpu.dma_semaphore, #tpu.memory_space<semaphore_mem>>, %arg11: memref<!tpu.dma_semaphore, #tpu.memory_space<semaphore_mem>>, %arg12: memref<!tpu.dma_semaphore, #tpu.memory_space<semaphore_mem>>, %arg13: memref<!tpu.dma_semaphore, #tpu.memory_space<semaphore_mem>>) attributes {dimension_semantics = [#tpu.dimension_semantics<core_parallel>, #tpu.dimension_semantics<subcore_parallel>], iteration_bounds = array<i64: 2, 16>, scalar_prefetch = 0 : i64, scratch_operands = 8 : i64, tpu.core_type = #tpu.core_type<sc_vector_subcore>, window_params = [{transform_indices = #map}, {transform_indices = #map}, {transform_indices = #map1}, {transform_indices = #map}]} {
    %mul3A = arith.constant 2 : i32
    %mul3A_0 = arith.muli %arg1, %mul3A : i32
    %add3A = arith.addi %mul3A_0, %arg0 : i32
    %mul3A_1 = arith.constant 25600 : i32
    %mul3A_2 = arith.muli %add3A, %mul3A_1 : i32
    "tpu.region"() ({
      %run_scoped3A = tpu.sem_alloc : memref<!tpu.dma_semaphore, #tpu.memory_space<semaphore_mem>>
      tpu.enqueue_dma source(%arg3 : memref<16x64xf32, #tpu.memory_space<hbm>>) target(%arg6 : memref<16x64xf32, #tpu.memory_space<vmem>>) target_semaphore(%run_scoped3A : memref<!tpu.dma_semaphore, #tpu.memory_space<semaphore_mem>>)
      tpu.wait_dma2 semaphore(%run_scoped3A : memref<!tpu.dma_semaphore, #tpu.memory_space<semaphore_mem>>) src(%arg3 : memref<16x64xf32, #tpu.memory_space<hbm>>) dst(%arg6 : memref<16x64xf32, #tpu.memory_space<vmem>>)
      tpu.yield
    }) : () -> ()
    %iota3A = tpu.iota {dimensions = array<i32: 0>} : vector<16xi32>
    %scan3A = arith.constant 0 : i32
    %scan3A_3 = arith.constant 0 : i32
    %scan3A_4 = arith.constant 25 : i32
    %scan3A_5 = arith.addi %scan3A_3, %scan3A_4 : i32
    %scan3A_6 = arith.constant 1 : i32
    scf.for %scan3A_33 = %scan3A_3 to %scan3A_5 step %scan3A_6  : i32 {
      %mul3A_34 = arith.constant 2 : i32
      %mul3A_35 = arith.muli %mul3A_34, %scan3A_33 : i32
      %eq3A = arith.constant 0 : i32
      %eq3A_36 = arith.cmpi eq, %scan3A_33, %eq3A : i32
      %not3A = arith.constant true
      %not3A_37 = arith.xori %eq3A_36, %not3A : i1
      %convert_element_type3A = arith.extui %not3A_37 : i1 to i32
      %cond3A = arith.constant 0 : i32
      %cond3A_38 = arith.cmpi ne, %convert_element_type3A, %cond3A : i32
      scf.if %cond3A_38 {
        %dma_wait3A_1570 = arith.constant 0 : i32
        %dma_wait3A_1571 = arith.constant 0 : i32
        %dma_wait3A_1572 = arith.constant 0 : i32
        %dma_wait3A_1573 = tpu.memref_slice %arg9[%dma_wait3A_1570, %dma_wait3A_1571, %dma_wait3A_1572] : memref<2x512x64xf32, #tpu.memory_space<vmem>> -> memref<1x512x64xf32, #tpu.memory_space<vmem>>
        %dma_wait3A_1574 = tpu.memref_squeeze %dma_wait3A_1573 : memref<1x512x64xf32, #tpu.memory_space<vmem>> -> memref<512x64xf32, #tpu.memory_space<vmem>>
        %dma_wait3A_1575 = arith.constant 0 : i32
        %dma_wait3A_1576 = tpu.memref_slice %arg5[%mul3A_2, %dma_wait3A_1575] : memref<819200x64xf32, #tpu.memory_space<hbm>> -> memref<512x64xf32, #tpu.memory_space<hbm>>
        %dma_wait3A_1577 = arith.constant 0 : i32
        %dma_wait3A_1578 = tpu.memref_slice %arg5[%mul3A_2, %dma_wait3A_1577] : memref<819200x64xf32, #tpu.memory_space<hbm>> -> memref<512x64xf32, #tpu.memory_space<hbm>>
        %dma_wait3A_1579 = arith.constant 0 : i32
        %dma_wait3A_1580 = arith.constant 0 : i32
        %dma_wait3A_1581 = tpu.memref_slice %arg9[%dma_wait3A_1570, %dma_wait3A_1579, %dma_wait3A_1580] : memref<2x512x64xf32, #tpu.memory_space<vmem>> -> memref<1x512x64xf32, #tpu.memory_space<vmem>>
        %dma_wait3A_1582 = tpu.memref_squeeze %dma_wait3A_1581 : memref<1x512x64xf32, #tpu.memory_space<vmem>> -> memref<512x64xf32, #tpu.memory_space<vmem>>
        tpu.wait_dma2 semaphore(%arg12 : memref<!tpu.dma_semaphore, #tpu.memory_space<semaphore_mem>>) src(%dma_wait3A_1582 : memref<512x64xf32, #tpu.memory_space<vmem>>) dst(%dma_wait3A_1578 : memref<512x64xf32, #tpu.memory_space<hbm>>)
      } else {
      }
      %mul3A_39 = arith.constant 512 : i32
      %mul3A_40 = arith.muli %mul3A_35, %mul3A_39 : i32
      %add3A_41 = arith.addi %mul3A_2, %mul3A_40 : i32
      %run_scoped3A = arith.constant 0 : i32
      "tpu.region"() ({
        %run_scoped3A_1570 = tpu.sem_alloc : memref<!tpu.dma_semaphore, #tpu.memory_space<semaphore_mem>>
        %dma_start3A_1571 = arith.constant 0 : i32
        %dma_start3A_1572 = tpu.memref_slice %arg7[%run_scoped3A, %dma_start3A_1571] : memref<2x512xi32, #tpu.memory_space<vmem>> -> memref<1x512xi32, #tpu.memory_space<vmem>>
        %dma_start3A_1573 = tpu.memref_squeeze %dma_start3A_1572 : memref<1x512xi32, #tpu.memory_space<vmem>> -> memref<512xi32, #tpu.memory_space<vmem>>
        %dma_start3A_1574 = tpu.memref_slice %arg4[%add3A_41] : memref<819200xi32, #tpu.memory_space<hbm>> -> memref<512xi32, #tpu.memory_space<hbm>>
        %dma_start3A_1575 = arith.constant 0 : i32
        %dma_start3A_1576 = tpu.memref_slice %arg7[%run_scoped3A, %dma_start3A_1575] : memref<2x512xi32, #tpu.memory_space<vmem>> -> memref<1x512xi32, #tpu.memory_space<vmem>>
        %dma_start3A_1577 = tpu.memref_squeeze %dma_start3A_1576 : memref<1x512xi32, #tpu.memory_space<vmem>> -> memref<512xi32, #tpu.memory_space<vmem>>
        %dma_start3A_1578 = tpu.memref_slice %arg4[%add3A_41] : memref<819200xi32, #tpu.memory_space<hbm>> -> memref<512xi32, #tpu.memory_space<hbm>>
        tpu.enqueue_dma source(%dma_start3A_1578 : memref<512xi32, #tpu.memory_space<hbm>>) target(%dma_start3A_1577 : memref<512xi32, #tpu.memory_space<vmem>>) target_semaphore(%run_scoped3A_1570 : memref<!tpu.dma_semaphore, #tpu.memory_space<semaphore_mem>>)
        %dma_wait3A_1579 = arith.constant 0 : i32
        %dma_wait3A_1580 = tpu.memref_slice %arg7[%run_scoped3A, %dma_wait3A_1579] : memref<2x512xi32, #tpu.memory_space<vmem>> -> memref<1x512xi32, #tpu.memory_space<vmem>>
        %dma_wait3A_1581 = tpu.memref_squeeze %dma_wait3A_1580 : memref<1x512xi32, #tpu.memory_space<vmem>> -> memref<512xi32, #tpu.memory_space<vmem>>
        %dma_wait3A_1582 = tpu.memref_slice %arg4[%add3A_41] : memref<819200xi32, #tpu.memory_space<hbm>> -> memref<512xi32, #tpu.memory_space<hbm>>
        %dma_wait3A_1583 = arith.constant 0 : i32
        %dma_wait3A_1584 = tpu.memref_slice %arg7[%run_scoped3A, %dma_wait3A_1583] : memref<2x512xi32, #tpu.memory_space<vmem>> -> memref<1x512xi32, #tpu.memory_space<vmem>>
        %dma_wait3A_1585 = tpu.memref_squeeze %dma_wait3A_1584 : memref<1x512xi32, #tpu.memory_space<vmem>> -> memref<512xi32, #tpu.memory_space<vmem>>
        %dma_wait3A_1586 = tpu.memref_slice %arg4[%add3A_41] : memref<819200xi32, #tpu.memory_space<hbm>> -> memref<512xi32, #tpu.memory_space<hbm>>
        tpu.wait_dma2 semaphore(%run_scoped3A_1570 : memref<!tpu.dma_semaphore, #tpu.memory_space<semaphore_mem>>) src(%dma_wait3A_1586 : memref<512xi32, #tpu.memory_space<hbm>>) dst(%dma_wait3A_1585 : memref<512xi32, #tpu.memory_space<vmem>>)
        tpu.yield
      }) : () -> ()
      %broadcast_in_dim3A = arith.constant 0 : i32
      %broadcast_in_dim3A_42 = vector.broadcast %broadcast_in_dim3A : i32 to vector<16xi32>
      %get3A = arith.constant 0 : i32
      %get3A_43 = arith.constant 0 : i32
      %get3A_44 = tpu.memref_slice %arg7[%get3A, %get3A_43] : memref<2x512xi32, #tpu.memory_space<vmem>> -> memref<1x512xi32, #tpu.memory_space<vmem>>
      %get3A_45 = tpu.memref_squeeze %get3A_44 : memref<1x512xi32, #tpu.memory_space<vmem>> -> memref<512xi32, #tpu.memory_space<vmem>>
      %get3A_46 = arith.constant 0 : index
      %get3A_47 = tpu.vector_load %get3A_45[%get3A_46] {strides = array<i32>} : memref<512xi32, #tpu.memory_space<vmem>>, vector<16xi32>,
      %ge3A = arith.constant 100000 : i32
      %ge3A_48 = vector.broadcast %ge3A : i32 to vector<16xi32>
      %ge3A_49 = arith.cmpi sge, %get3A_47, %ge3A_48 : vector<16xi32>
      %jit3A = arith.constant 0 : i32
      %broadcast_in_dim3A_50 = vector.broadcast %jit3A : i32 to vector<16xi32>
      %select_n3A = arith.select %ge3A_49, %broadcast_in_dim3A_50, %get3A_47 : vector<16xi1>, vector<16xi32>
      %swap3A = arith.constant 0 : i32
      %swap3A_51 = arith.constant 0 : i32
      %swap3A_52 = tpu.memref_slice %arg8[%swap3A, %swap3A_51] : memref<2x512xi32, #tpu.memory_space<vmem>> -> memref<1x512xi32, #tpu.memory_space<vmem>>
      %swap3A_53 = tpu.memref_squeeze %swap3A_52 : memref<1x512xi32, #tpu.memory_space<vmem>> -> memref<512xi32, #tpu.memory_space<vmem>>
      %swap3A_54 = arith.constant 0 : index
      %swap3A_55 = tpu.vector_load %swap3A_53[%swap3A_54] {strides = array<i32>} : memref<512xi32, #tpu.memory_space<vmem>>, vector<16xi32>,
      tpu.vector_store %swap3A_53[%swap3A_54], %select_n3A {strides = array<i32>} : memref<512xi32, #tpu.memory_space<vmem>>, vector<16xi32>,
      %convert_element_type3A_56 = arith.extui %ge3A_49 : vector<16xi1> to vector<16xi32>
      %add3A_57 = arith.addi %broadcast_in_dim3A_42, %convert_element_type3A_56 : vector<16xi32>
      %get3A_58 = arith.constant 0 : i32
      %get3A_59 = arith.constant 0 : i32
      %get3A_60 = tpu.memref_slice %arg7[%get3A_58, %get3A_59] : memref<2x512xi32, #tpu.memory_space<vmem>> -> memref<1x512xi32, #tpu.memory_space<vmem>>
      %get3A_61 = tpu.memref_squeeze %get3A_60 : memref<1x512xi32, #tpu.memory_space<vmem>> -> memref<512xi32, #tpu.memory_space<vmem>>
      %get3A_62 = arith.constant 16 : index
      %get3A_63 = tpu.vector_load %get3A_61[%get3A_62] {strides = array<i32>} : memref<512xi32, #tpu.memory_space<vmem>>, vector<16xi32>,
      %ge3A_64 = arith.constant 100000 : i32
      %ge3A_65 = vector.broadcast %ge3A_64 : i32 to vector<16xi32>
      %ge3A_66 = arith.cmpi sge, %get3A_63, %ge3A_65 : vector<16xi32>
      %jit3A_67 = arith.constant 0 : i32
      %broadcast_in_dim3A_68 = vector.broadcast %jit3A_67 : i32 to vector<16xi32>
      %select_n3A_69 = arith.select %ge3A_66, %broadcast_in_dim3A_68, %get3A_63 : vector<16xi1>, vector<16xi32>
      %swap3A_70 = arith.constant 0 : i32
      %swap3A_71 = arith.constant 0 : i32
      %swap3A_72 = tpu.memref_slice %arg8[%swap3A_70, %swap3A_71] : memref<2x512xi32, #tpu.memory_space<vmem>> -> memref<1x512xi32, #tpu.memory_space<vmem>>
      %swap3A_73 = tpu.memref_squeeze %swap3A_72 : memref<1x512xi32, #tpu.memory_space<vmem>> -> memref<512xi32, #tpu.memory_space<vmem>>
      %swap3A_74 = arith.constant 16 : index
      %swap3A_75 = tpu.vector_load %swap3A_73[%swap3A_74] {strides = array<i32>} : memref<512xi32, #tpu.memory_space<vmem>>, vector<16xi32>,
      tpu.vector_store %swap3A_73[%swap3A_74], %select_n3A_69 {strides = array<i32>} : memref<512xi32, #tpu.memory_space<vmem>>, vector<16xi32>,
      %convert_element_type3A_76 = arith.extui %ge3A_66 : vector<16xi1> to vector<16xi32>
      %add3A_77 = arith.addi %add3A_57, %convert_element_type3A_76 : vector<16xi32>
      %get3A_78 = arith.constant 0 : i32
      %get3A_79 = arith.constant 0 : i32
      %get3A_80 = tpu.memref_slice %arg7[%get3A_78, %get3A_79] : memref<2x512xi32, #tpu.memory_space<vmem>> -> memref<1x512xi32, #tpu.memory_space<vmem>>
      %get3A_81 = tpu.memref_squeeze %get3A_80 : memref<1x512xi32, #tpu.memory_space<vmem>> -> memref<512xi32, #tpu.memory_space<vmem>>
      %get3A_82 = arith.constant 32 : index
      %get3A_83 = tpu.vector_load %get3A_81[%get3A_82] {strides = array<i32>} : memref<512xi32, #tpu.memory_space<vmem>>, vector<16xi32>,
      %ge3A_84 = arith.constant 100000 : i32
      %ge3A_85 = vector.broadcast %ge3A_84 : i32 to vector<16xi32>
      %ge3A_86 = arith.cmpi sge, %get3A_83, %ge3A_85 : vector<16xi32>
      %jit3A_87 = arith.constant 0 : i32
      %broadcast_in_dim3A_88 = vector.broadcast %jit3A_87 : i32 to vector<16xi32>
      %select_n3A_89 = arith.select %ge3A_86, %broadcast_in_dim3A_88, %get3A_83 : vector<16xi1>, vector<16xi32>
      %swap3A_90 = arith.constant 0 : i32
      %swap3A_91 = arith.constant 0 : i32
      %swap3A_92 = tpu.memref_slice %arg8[%swap3A_90, %swap3A_91] : memref<2x512xi32, #tpu.memory_space<vmem>> -> memref<1x512xi32, #tpu.memory_space<vmem>>
      %swap3A_93 = tpu.memref_squeeze %swap3A_92 : memref<1x512xi32, #tpu.memory_space<vmem>> -> memref<512xi32, #tpu.memory_space<vmem>>
      %swap3A_94 = arith.constant 32 : index
      %swap3A_95 = tpu.vector_load %swap3A_93[%swap3A_94] {strides = array<i32>} : memref<512xi32, #tpu.memory_space<vmem>>, vector<16xi32>,
      tpu.vector_store %swap3A_93[%swap3A_94], %select_n3A_89 {strides = array<i32>} : memref<512xi32, #tpu.memory_space<vmem>>, vector<16xi32>,
      %convert_element_type3A_96 = arith.extui %ge3A_86 : vector<16xi1> to vector<16xi32>
      %add3A_97 = arith.addi %add3A_77, %convert_element_type3A_96 : vector<16xi32>
      %get3A_98 = arith.constant 0 : i32
      %get3A_99 = arith.constant 0 : i32
      %get3A_100 = tpu.memref_slice %arg7[%get3A_98, %get3A_99] : memref<2x512xi32, #tpu.memory_space<vmem>> -> memref<1x512xi32, #tpu.memory_space<vmem>>
      %get3A_101 = tpu.memref_squeeze %get3A_100 : memref<1x512xi32, #tpu.memory_space<vmem>> -> memref<512xi32, #tpu.memory_space<vmem>>
      %get3A_102 = arith.constant 48 : index
      %get3A_103 = tpu.vector_load %get3A_101[%get3A_102] {strides = array<i32>} : memref<512xi32, #tpu.memory_space<vmem>>, vector<16xi32>,
      %ge3A_104 = arith.constant 100000 : i32
      %ge3A_105 = vector.broadcast %ge3A_104 : i32 to vector<16xi32>
      %ge3A_106 = arith.cmpi sge, %get3A_103, %ge3A_105 : vector<16xi32>
      %jit3A_107 = arith.constant 0 : i32
      %broadcast_in_dim3A_108 = vector.broadcast %jit3A_107 : i32 to vector<16xi32>
      %select_n3A_109 = arith.select %ge3A_106, %broadcast_in_dim3A_108, %get3A_103 : vector<16xi1>, vector<16xi32>
      %swap3A_110 = arith.constant 0 : i32
      %swap3A_111 = arith.constant 0 : i32
      %swap3A_112 = tpu.memref_slice %arg8[%swap3A_110, %swap3A_111] : memref<2x512xi32, #tpu.memory_space<vmem>> -> memref<1x512xi32, #tpu.memory_space<vmem>>
      %swap3A_113 = tpu.memref_squeeze %swap3A_112 : memref<1x512xi32, #tpu.memory_space<vmem>> -> memref<512xi32, #tpu.memory_space<vmem>>
      %swap3A_114 = arith.constant 48 : index
      %swap3A_115 = tpu.vector_load %swap3A_113[%swap3A_114] {strides = array<i32>} : memref<512xi32, #tpu.memory_space<vmem>>, vector<16xi32>,
      tpu.vector_store %swap3A_113[%swap3A_114], %select_n3A_109 {strides = array<i32>} : memref<512xi32, #tpu.memory_space<vmem>>, vector<16xi32>,
      %convert_element_type3A_116 = arith.extui %ge3A_106 : vector<16xi1> to vector<16xi32>
      %add3A_117 = arith.addi %add3A_97, %convert_element_type3A_116 : vector<16xi32>
      %get3A_118 = arith.constant 0 : i32
      %get3A_119 = arith.constant 0 : i32
      %get3A_120 = tpu.memref_slice %arg7[%get3A_118, %get3A_119] : memref<2x512xi32, #tpu.memory_space<vmem>> -> memref<1x512xi32, #tpu.memory_space<vmem>>
      %get3A_121 = tpu.memref_squeeze %get3A_120 : memref<1x512xi32, #tpu.memory_space<vmem>> -> memref<512xi32, #tpu.memory_space<vmem>>
      %get3A_122 = arith.constant 64 : index
      %get3A_123 = tpu.vector_load %get3A_121[%get3A_122] {strides = array<i32>} : memref<512xi32, #tpu.memory_space<vmem>>, vector<16xi32>,
      %ge3A_124 = arith.constant 100000 : i32
      %ge3A_125 = vector.broadcast %ge3A_124 : i32 to vector<16xi32>
      %ge3A_126 = arith.cmpi sge, %get3A_123, %ge3A_125 : vector<16xi32>
      %jit3A_127 = arith.constant 0 : i32
      %broadcast_in_dim3A_128 = vector.broadcast %jit3A_127 : i32 to vector<16xi32>
      %select_n3A_129 = arith.select %ge3A_126, %broadcast_in_dim3A_128, %get3A_123 : vector<16xi1>, vector<16xi32>
      %swap3A_130 = arith.constant 0 : i32
      %swap3A_131 = arith.constant 0 : i32
      %swap3A_132 = tpu.memref_slice %arg8[%swap3A_130, %swap3A_131] : memref<2x512xi32, #tpu.memory_space<vmem>> -> memref<1x512xi32, #tpu.memory_space<vmem>>
      %swap3A_133 = tpu.memref_squeeze %swap3A_132 : memref<1x512xi32, #tpu.memory_space<vmem>> -> memref<512xi32, #tpu.memory_space<vmem>>
      %swap3A_134 = arith.constant 64 : index
      %swap3A_135 = tpu.vector_load %swap3A_133[%swap3A_134] {strides = array<i32>} : memref<512xi32, #tpu.memory_space<vmem>>, vector<16xi32>,
      tpu.vector_store %swap3A_133[%swap3A_134], %select_n3A_129 {strides = array<i32>} : memref<512xi32, #tpu.memory_space<vmem>>, vector<16xi32>,
      %convert_element_type3A_136 = arith.extui %ge3A_126 : vector<16xi1> to vector<16xi32>
      %add3A_137 = arith.addi %add3A_117, %convert_element_type3A_136 : vector<16xi32>
      %get3A_138 = arith.constant 0 : i32
      %get3A_139 = arith.constant 0 : i32
      %get3A_140 = tpu.memref_slice %arg7[%get3A_138, %get3A_139] : memref<2x512xi32, #tpu.memory_space<vmem>> -> memref<1x512xi32, #tpu.memory_space<vmem>>
      %get3A_141 = tpu.memref_squeeze %get3A_140 : memref<1x512xi32, #tpu.memory_space<vmem>> -> memref<512xi32, #tpu.memory_space<vmem>>
      %get3A_142 = arith.constant 80 : index
      %get3A_143 = tpu.vector_load %get3A_141[%get3A_142] {strides = array<i32>} : memref<512xi32, #tpu.memory_space<vmem>>, vector<16xi32>,
      %ge3A_144 = arith.constant 100000 : i32
      %ge3A_145 = vector.broadcast %ge3A_144 : i32 to vector<16xi32>
      %ge3A_146 = arith.cmpi sge, %get3A_143, %ge3A_145 : vector<16xi32>
      %jit3A_147 = arith.constant 0 : i32
      %broadcast_in_dim3A_148 = vector.broadcast %jit3A_147 : i32 to vector<16xi32>
      %select_n3A_149 = arith.select %ge3A_146, %broadcast_in_dim3A_148, %get3A_143 : vector<16xi1>, vector<16xi32>
      %swap3A_150 = arith.constant 0 : i32
      %swap3A_151 = arith.constant 0 : i32
      %swap3A_152 = tpu.memref_slice %arg8[%swap3A_150, %swap3A_151] : memref<2x512xi32, #tpu.memory_space<vmem>> -> memref<1x512xi32, #tpu.memory_space<vmem>>
      %swap3A_153 = tpu.memref_squeeze %swap3A_152 : memref<1x512xi32, #tpu.memory_space<vmem>> -> memref<512xi32, #tpu.memory_space<vmem>>
      %swap3A_154 = arith.constant 80 : index
      %swap3A_155 = tpu.vector_load %swap3A_153[%swap3A_154] {strides = array<i32>} : memref<512xi32, #tpu.memory_space<vmem>>, vector<16xi32>,
      tpu.vector_store %swap3A_153[%swap3A_154], %select_n3A_149 {strides = array<i32>} : memref<512xi32, #tpu.memory_space<vmem>>, vector<16xi32>,
      %convert_element_type3A_156 = arith.extui %ge3A_146 : vector<16xi1> to vector<16xi32>
      %add3A_157 = arith.addi %add3A_137, %convert_element_type3A_156 : vector<16xi32>
      %get3A_158 = arith.constant 0 : i32
      %get3A_159 = arith.constant 0 : i32
      %get3A_160 = tpu.memref_slice %arg7[%get3A_158, %get3A_159] : memref<2x512xi32, #tpu.memory_space<vmem>> -> memref<1x512xi32, #tpu.memory_space<vmem>>
      %get3A_161 = tpu.memref_squeeze %get3A_160 : memref<1x512xi32, #tpu.memory_space<vmem>> -> memref<512xi32, #tpu.memory_space<vmem>>
      %get3A_162 = arith.constant 96 : index
      %get3A_163 = tpu.vector_load %get3A_161[%get3A_162] {strides = array<i32>} : memref<512xi32, #tpu.memory_space<vmem>>, vector<16xi32>,
      %ge3A_164 = arith.constant 100000 : i32
      %ge3A_165 = vector.broadcast %ge3A_164 : i32 to vector<16xi32>
      %ge3A_166 = arith.cmpi sge, %get3A_163, %ge3A_165 : vector<16xi32>
      %jit3A_167 = arith.constant 0 : i32
      %broadcast_in_dim3A_168 = vector.broadcast %jit3A_167 : i32 to vector<16xi32>
      %select_n3A_169 = arith.select %ge3A_166, %broadcast_in_dim3A_168, %get3A_163 : vector<16xi1>, vector<16xi32>
      %swap3A_170 = arith.constant 0 : i32
      %swap3A_171 = arith.constant 0 : i32
      %swap3A_172 = tpu.memref_slice %arg8[%swap3A_170, %swap3A_171] : memref<2x512xi32, #tpu.memory_space<vmem>> -> memref<1x512xi32, #tpu.memory_space<vmem>>
      %swap3A_173 = tpu.memref_squeeze %swap3A_172 : memref<1x512xi32, #tpu.memory_space<vmem>> -> memref<512xi32, #tpu.memory_space<vmem>>
      %swap3A_174 = arith.constant 96 : index
      %swap3A_175 = tpu.vector_load %swap3A_173[%swap3A_174] {strides = array<i32>} : memref<512xi32, #tpu.memory_space<vmem>>, vector<16xi32>,
      tpu.vector_store %swap3A_173[%swap3A_174], %select_n3A_169 {strides = array<i32>} : memref<512xi32, #tpu.memory_space<vmem>>, vector<16xi32>,
      %convert_element_type3A_176 = arith.extui %ge3A_166 : vector<16xi1> to vector<16xi32>
      %add3A_177 = arith.addi %add3A_157, %convert_element_type3A_176 : vector<16xi32>
      %get3A_178 = arith.constant 0 : i32
      %get3A_179 = arith.constant 0 : i32
      %get3A_180 = tpu.memref_slice %arg7[%get3A_178, %get3A_179] : memref<2x512xi32, #tpu.memory_space<vmem>> -> memref<1x512xi32, #tpu.memory_space<vmem>>
      %get3A_181 = tpu.memref_squeeze %get3A_180 : memref<1x512xi32, #tpu.memory_space<vmem>> -> memref<512xi32, #tpu.memory_space<vmem>>
      %get3A_182 = arith.constant 112 : index
      %get3A_183 = tpu.vector_load %get3A_181[%get3A_182] {strides = array<i32>} : memref<512xi32, #tpu.memory_space<vmem>>, vector<16xi32>,
      %ge3A_184 = arith.constant 100000 : i32
      %ge3A_185 = vector.broadcast %ge3A_184 : i32 to vector<16xi32>
      %ge3A_186 = arith.cmpi sge, %get3A_183, %ge3A_185 : vector<16xi32>
      %jit3A_187 = arith.constant 0 : i32
      %broadcast_in_dim3A_188 = vector.broadcast %jit3A_187 : i32 to vector<16xi32>
      %select_n3A_189 = arith.select %ge3A_186, %broadcast_in_dim3A_188, %get3A_183 : vector<16xi1>, vector<16xi32>
      %swap3A_190 = arith.constant 0 : i32
      %swap3A_191 = arith.constant 0 : i32
      %swap3A_192 = tpu.memref_slice %arg8[%swap3A_190, %swap3A_191] : memref<2x512xi32, #tpu.memory_space<vmem>> -> memref<1x512xi32, #tpu.memory_space<vmem>>
      %swap3A_193 = tpu.memref_squeeze %swap3A_192 : memref<1x512xi32, #tpu.memory_space<vmem>> -> memref<512xi32, #tpu.memory_space<vmem>>
      %swap3A_194 = arith.constant 112 : index
      %swap3A_195 = tpu.vector_load %swap3A_193[%swap3A_194] {strides = array<i32>} : memref<512xi32, #tpu.memory_space<vmem>>, vector<16xi32>,
      tpu.vector_store %swap3A_193[%swap3A_194], %select_n3A_189 {strides = array<i32>} : memref<512xi32, #tpu.memory_space<vmem>>, vector<16xi32>,
      %convert_element_type3A_196 = arith.extui %ge3A_186 : vector<16xi1> to vector<16xi32>
      %add3A_197 = arith.addi %add3A_177, %convert_element_type3A_196 : vector<16xi32>
      %get3A_198 = arith.constant 0 : i32
      %get3A_199 = arith.constant 0 : i32
      %get3A_200 = tpu.memref_slice %arg7[%get3A_198, %get3A_199] : memref<2x512xi32, #tpu.memory_space<vmem>> -> memref<1x512xi32, #tpu.memory_space<vmem>>
      %get3A_201 = tpu.memref_squeeze %get3A_200 : memref<1x512xi32, #tpu.memory_space<vmem>> -> memref<512xi32, #tpu.memory_space<vmem>>
      %get3A_202 = arith.constant 128 : index
      %get3A_203 = tpu.vector_load %get3A_201[%get3A_202] {strides = array<i32>} : memref<512xi32, #tpu.memory_space<vmem>>, vector<16xi32>,
      %ge3A_204 = arith.constant 100000 : i32
      %ge3A_205 = vector.broadcast %ge3A_204 : i32 to vector<16xi32>
      %ge3A_206 = arith.cmpi sge, %get3A_203, %ge3A_205 : vector<16xi32>
      %jit3A_207 = arith.constant 0 : i32
      %broadcast_in_dim3A_208 = vector.broadcast %jit3A_207 : i32 to vector<16xi32>
      %select_n3A_209 = arith.select %ge3A_206, %broadcast_in_dim3A_208, %get3A_203 : vector<16xi1>, vector<16xi32>
      %swap3A_210 = arith.constant 0 : i32
      %swap3A_211 = arith.constant 0 : i32
      %swap3A_212 = tpu.memref_slice %arg8[%swap3A_210, %swap3A_211] : memref<2x512xi32, #tpu.memory_space<vmem>> -> memref<1x512xi32, #tpu.memory_space<vmem>>
      %swap3A_213 = tpu.memref_squeeze %swap3A_212 : memref<1x512xi32, #tpu.memory_space<vmem>> -> memref<512xi32, #tpu.memory_space<vmem>>
      %swap3A_214 = arith.constant 128 : index
      %swap3A_215 = tpu.vector_load %swap3A_213[%swap3A_214] {strides = array<i32>} : memref<512xi32, #tpu.memory_space<vmem>>, vector<16xi32>,
      tpu.vector_store %swap3A_213[%swap3A_214], %select_n3A_209 {strides = array<i32>} : memref<512xi32, #tpu.memory_space<vmem>>, vector<16xi32>,
      %convert_element_type3A_216 = arith.extui %ge3A_206 : vector<16xi1> to vector<16xi32>
      %add3A_217 = arith.addi %add3A_197, %convert_element_type3A_216 : vector<16xi32>
      %get3A_218 = arith.constant 0 : i32
      %get3A_219 = arith.constant 0 : i32
      %get3A_220 = tpu.memref_slice %arg7[%get3A_218, %get3A_219] : memref<2x512xi32, #tpu.memory_space<vmem>> -> memref<1x512xi32, #tpu.memory_space<vmem>>
      %get3A_221 = tpu.memref_squeeze %get3A_220 : memref<1x512xi32, #tpu.memory_space<vmem>> -> memref<512xi32, #tpu.memory_space<vmem>>
      %get3A_222 = arith.constant 144 : index
      %get3A_223 = tpu.vector_load %get3A_221[%get3A_222] {strides = array<i32>} : memref<512xi32, #tpu.memory_space<vmem>>, vector<16xi32>,
      %ge3A_224 = arith.constant 100000 : i32
      %ge3A_225 = vector.broadcast %ge3A_224 : i32 to vector<16xi32>
      %ge3A_226 = arith.cmpi sge, %get3A_223, %ge3A_225 : vector<16xi32>
      %jit3A_227 = arith.constant 0 : i32
      %broadcast_in_dim3A_228 = vector.broadcast %jit3A_227 : i32 to vector<16xi32>
      %select_n3A_229 = arith.select %ge3A_226, %broadcast_in_dim3A_228, %get3A_223 : vector<16xi1>, vector<16xi32>
      %swap3A_230 = arith.constant 0 : i32
      %swap3A_231 = arith.constant 0 : i32
      %swap3A_232 = tpu.memref_slice %arg8[%swap3A_230, %swap3A_231] : memref<2x512xi32, #tpu.memory_space<vmem>> -> memref<1x512xi32, #tpu.memory_space<vmem>>
      %swap3A_233 = tpu.memref_squeeze %swap3A_232 : memref<1x512xi32, #tpu.memory_space<vmem>> -> memref<512xi32, #tpu.memory_space<vmem>>
      %swap3A_234 = arith.constant 144 : index
      %swap3A_235 = tpu.vector_load %swap3A_233[%swap3A_234] {strides = array<i32>} : memref<512xi32, #tpu.memory_space<vmem>>, vector<16xi32>,
      tpu.vector_store %swap3A_233[%swap3A_234], %select_n3A_229 {strides = array<i32>} : memref<512xi32, #tpu.memory_space<vmem>>, vector<16xi32>,
      %convert_element_type3A_236 = arith.extui %ge3A_226 : vector<16xi1> to vector<16xi32>
      %add3A_237 = arith.addi %add3A_217, %convert_element_type3A_236 : vector<16xi32>
      %get3A_238 = arith.constant 0 : i32
      %get3A_239 = arith.constant 0 : i32
      %get3A_240 = tpu.memref_slice %arg7[%get3A_238, %get3A_239] : memref<2x512xi32, #tpu.memory_space<vmem>> -> memref<1x512xi32, #tpu.memory_space<vmem>>
      %get3A_241 = tpu.memref_squeeze %get3A_240 : memref<1x512xi32, #tpu.memory_space<vmem>> -> memref<512xi32, #tpu.memory_space<vmem>>
      %get3A_242 = arith.constant 160 : index
      %get3A_243 = tpu.vector_load %get3A_241[%get3A_242] {strides = array<i32>} : memref<512xi32, #tpu.memory_space<vmem>>, vector<16xi32>,
      %ge3A_244 = arith.constant 100000 : i32
      %ge3A_245 = vector.broadcast %ge3A_244 : i32 to vector<16xi32>
      %ge3A_246 = arith.cmpi sge, %get3A_243, %ge3A_245 : vector<16xi32>
      %jit3A_247 = arith.constant 0 : i32
      %broadcast_in_dim3A_248 = vector.broadcast %jit3A_247 : i32 to vector<16xi32>
      %select_n3A_249 = arith.select %ge3A_246, %broadcast_in_dim3A_248, %get3A_243 : vector<16xi1>, vector<16xi32>
      %swap3A_250 = arith.constant 0 : i32
      %swap3A_251 = arith.constant 0 : i32
      %swap3A_252 = tpu.memref_slice %arg8[%swap3A_250, %swap3A_251] : memref<2x512xi32, #tpu.memory_space<vmem>> -> memref<1x512xi32, #tpu.memory_space<vmem>>
      %swap3A_253 = tpu.memref_squeeze %swap3A_252 : memref<1x512xi32, #tpu.memory_space<vmem>> -> memref<512xi32, #tpu.memory_space<vmem>>
      %swap3A_254 = arith.constant 160 : index
      %swap3A_255 = tpu.vector_load %swap3A_253[%swap3A_254] {strides = array<i32>} : memref<512xi32, #tpu.memory_space<vmem>>, vector<16xi32>,
      tpu.vector_store %swap3A_253[%swap3A_254], %select_n3A_249 {strides = array<i32>} : memref<512xi32, #tpu.memory_space<vmem>>, vector<16xi32>,
      %convert_element_type3A_256 = arith.extui %ge3A_246 : vector<16xi1> to vector<16xi32>
      %add3A_257 = arith.addi %add3A_237, %convert_element_type3A_256 : vector<16xi32>
      %get3A_258 = arith.constant 0 : i32
      %get3A_259 = arith.constant 0 : i32
      %get3A_260 = tpu.memref_slice %arg7[%get3A_258, %get3A_259] : memref<2x512xi32, #tpu.memory_space<vmem>> -> memref<1x512xi32, #tpu.memory_space<vmem>>
      %get3A_261 = tpu.memref_squeeze %get3A_260 : memref<1x512xi32, #tpu.memory_space<vmem>> -> memref<512xi32, #tpu.memory_space<vmem>>
      %get3A_262 = arith.constant 176 : index
      %get3A_263 = tpu.vector_load %get3A_261[%get3A_262] {strides = array<i32>} : memref<512xi32, #tpu.memory_space<vmem>>, vector<16xi32>,
      %ge3A_264 = arith.constant 100000 : i32
      %ge3A_265 = vector.broadcast %ge3A_264 : i32 to vector<16xi32>
      %ge3A_266 = arith.cmpi sge, %get3A_263, %ge3A_265 : vector<16xi32>
      %jit3A_267 = arith.constant 0 : i32
      %broadcast_in_dim3A_268 = vector.broadcast %jit3A_267 : i32 to vector<16xi32>
      %select_n3A_269 = arith.select %ge3A_266, %broadcast_in_dim3A_268, %get3A_263 : vector<16xi1>, vector<16xi32>
      %swap3A_270 = arith.constant 0 : i32
      %swap3A_271 = arith.constant 0 : i32
      %swap3A_272 = tpu.memref_slice %arg8[%swap3A_270, %swap3A_271] : memref<2x512xi32, #tpu.memory_space<vmem>> -> memref<1x512xi32, #tpu.memory_space<vmem>>
      %swap3A_273 = tpu.memref_squeeze %swap3A_272 : memref<1x512xi32, #tpu.memory_space<vmem>> -> memref<512xi32, #tpu.memory_space<vmem>>
      %swap3A_274 = arith.constant 176 : index
      %swap3A_275 = tpu.vector_load %swap3A_273[%swap3A_274] {strides = array<i32>} : memref<512xi32, #tpu.memory_space<vmem>>, vector<16xi32>,
      tpu.vector_store %swap3A_273[%swap3A_274], %select_n3A_269 {strides = array<i32>} : memref<512xi32, #tpu.memory_space<vmem>>, vector<16xi32>,
      %convert_element_type3A_276 = arith.extui %ge3A_266 : vector<16xi1> to vector<16xi32>
      %add3A_277 = arith.addi %add3A_257, %convert_element_type3A_276 : vector<16xi32>
      %get3A_278 = arith.constant 0 : i32
      %get3A_279 = arith.constant 0 : i32
      %get3A_280 = tpu.memref_slice %arg7[%get3A_278, %get3A_279] : memref<2x512xi32, #tpu.memory_space<vmem>> -> memref<1x512xi32, #tpu.memory_space<vmem>>
      %get3A_281 = tpu.memref_squeeze %get3A_280 : memref<1x512xi32, #tpu.memory_space<vmem>> -> memref<512xi32, #tpu.memory_space<vmem>>
      %get3A_282 = arith.constant 192 : index
      %get3A_283 = tpu.vector_load %get3A_281[%get3A_282] {strides = array<i32>} : memref<512xi32, #tpu.memory_space<vmem>>, vector<16xi32>,
      %ge3A_284 = arith.constant 100000 : i32
      %ge3A_285 = vector.broadcast %ge3A_284 : i32 to vector<16xi32>
      %ge3A_286 = arith.cmpi sge, %get3A_283, %ge3A_285 : vector<16xi32>
      %jit3A_287 = arith.constant 0 : i32
      %broadcast_in_dim3A_288 = vector.broadcast %jit3A_287 : i32 to vector<16xi32>
      %select_n3A_289 = arith.select %ge3A_286, %broadcast_in_dim3A_288, %get3A_283 : vector<16xi1>, vector<16xi32>
      %swap3A_290 = arith.constant 0 : i32
      %swap3A_291 = arith.constant 0 : i32
      %swap3A_292 = tpu.memref_slice %arg8[%swap3A_290, %swap3A_291] : memref<2x512xi32, #tpu.memory_space<vmem>> -> memref<1x512xi32, #tpu.memory_space<vmem>>
      %swap3A_293 = tpu.memref_squeeze %swap3A_292 : memref<1x512xi32, #tpu.memory_space<vmem>> -> memref<512xi32, #tpu.memory_space<vmem>>
      %swap3A_294 = arith.constant 192 : index
      %swap3A_295 = tpu.vector_load %swap3A_293[%swap3A_294] {strides = array<i32>} : memref<512xi32, #tpu.memory_space<vmem>>, vector<16xi32>,
      tpu.vector_store %swap3A_293[%swap3A_294], %select_n3A_289 {strides = array<i32>} : memref<512xi32, #tpu.memory_space<vmem>>, vector<16xi32>,
      %convert_element_type3A_296 = arith.extui %ge3A_286 : vector<16xi1> to vector<16xi32>
      %add3A_297 = arith.addi %add3A_277, %convert_element_type3A_296 : vector<16xi32>
      %get3A_298 = arith.constant 0 : i32
      %get3A_299 = arith.constant 0 : i32
      %get3A_300 = tpu.memref_slice %arg7[%get3A_298, %get3A_299] : memref<2x512xi32, #tpu.memory_space<vmem>> -> memref<1x512xi32, #tpu.memory_space<vmem>>
      %get3A_301 = tpu.memref_squeeze %get3A_300 : memref<1x512xi32, #tpu.memory_space<vmem>> -> memref<512xi32, #tpu.memory_space<vmem>>
      %get3A_302 = arith.constant 208 : index
      %get3A_303 = tpu.vector_load %get3A_301[%get3A_302] {strides = array<i32>} : memref<512xi32, #tpu.memory_space<vmem>>, vector<16xi32>,
      %ge3A_304 = arith.constant 100000 : i32
      %ge3A_305 = vector.broadcast %ge3A_304 : i32 to vector<16xi32>
      %ge3A_306 = arith.cmpi sge, %get3A_303, %ge3A_305 : vector<16xi32>
      %jit3A_307 = arith.constant 0 : i32
      %broadcast_in_dim3A_308 = vector.broadcast %jit3A_307 : i32 to vector<16xi32>
      %select_n3A_309 = arith.select %ge3A_306, %broadcast_in_dim3A_308, %get3A_303 : vector<16xi1>, vector<16xi32>
      %swap3A_310 = arith.constant 0 : i32
      %swap3A_311 = arith.constant 0 : i32
      %swap3A_312 = tpu.memref_slice %arg8[%swap3A_310, %swap3A_311] : memref<2x512xi32, #tpu.memory_space<vmem>> -> memref<1x512xi32, #tpu.memory_space<vmem>>
      %swap3A_313 = tpu.memref_squeeze %swap3A_312 : memref<1x512xi32, #tpu.memory_space<vmem>> -> memref<512xi32, #tpu.memory_space<vmem>>
      %swap3A_314 = arith.constant 208 : index
      %swap3A_315 = tpu.vector_load %swap3A_313[%swap3A_314] {strides = array<i32>} : memref<512xi32, #tpu.memory_space<vmem>>, vector<16xi32>,
      tpu.vector_store %swap3A_313[%swap3A_314], %select_n3A_309 {strides = array<i32>} : memref<512xi32, #tpu.memory_space<vmem>>, vector<16xi32>,
      %convert_element_type3A_316 = arith.extui %ge3A_306 : vector<16xi1> to vector<16xi32>
      %add3A_317 = arith.addi %add3A_297, %convert_element_type3A_316 : vector<16xi32>
      %get3A_318 = arith.constant 0 : i32
      %get3A_319 = arith.constant 0 : i32
      %get3A_320 = tpu.memref_slice %arg7[%get3A_318, %get3A_319] : memref<2x512xi32, #tpu.memory_space<vmem>> -> memref<1x512xi32, #tpu.memory_space<vmem>>
      %get3A_321 = tpu.memref_squeeze %get3A_320 : memref<1x512xi32, #tpu.memory_space<vmem>> -> memref<512xi32, #tpu.memory_space<vmem>>
      %get3A_322 = arith.constant 224 : index
      %get3A_323 = tpu.vector_load %get3A_321[%get3A_322] {strides = array<i32>} : memref<512xi32, #tpu.memory_space<vmem>>, vector<16xi32>,
      %ge3A_324 = arith.constant 100000 : i32
      %ge3A_325 = vector.broadcast %ge3A_324 : i32 to vector<16xi32>
      %ge3A_326 = arith.cmpi sge, %get3A_323, %ge3A_325 : vector<16xi32>
      %jit3A_327 = arith.constant 0 : i32
      %broadcast_in_dim3A_328 = vector.broadcast %jit3A_327 : i32 to vector<16xi32>
      %select_n3A_329 = arith.select %ge3A_326, %broadcast_in_dim3A_328, %get3A_323 : vector<16xi1>, vector<16xi32>
      %swap3A_330 = arith.constant 0 : i32
      %swap3A_331 = arith.constant 0 : i32
      %swap3A_332 = tpu.memref_slice %arg8[%swap3A_330, %swap3A_331] : memref<2x512xi32, #tpu.memory_space<vmem>> -> memref<1x512xi32, #tpu.memory_space<vmem>>
      %swap3A_333 = tpu.memref_squeeze %swap3A_332 : memref<1x512xi32, #tpu.memory_space<vmem>> -> memref<512xi32, #tpu.memory_space<vmem>>
      %swap3A_334 = arith.constant 224 : index
      %swap3A_335 = tpu.vector_load %swap3A_333[%swap3A_334] {strides = array<i32>} : memref<512xi32, #tpu.memory_space<vmem>>, vector<16xi32>,
      tpu.vector_store %swap3A_333[%swap3A_334], %select_n3A_329 {strides = array<i32>} : memref<512xi32, #tpu.memory_space<vmem>>, vector<16xi32>,
      %convert_element_type3A_336 = arith.extui %ge3A_326 : vector<16xi1> to vector<16xi32>
      %add3A_337 = arith.addi %add3A_317, %convert_element_type3A_336 : vector<16xi32>
      %get3A_338 = arith.constant 0 : i32
      %get3A_339 = arith.constant 0 : i32
      %get3A_340 = tpu.memref_slice %arg7[%get3A_338, %get3A_339] : memref<2x512xi32, #tpu.memory_space<vmem>> -> memref<1x512xi32, #tpu.memory_space<vmem>>
      %get3A_341 = tpu.memref_squeeze %get3A_340 : memref<1x512xi32, #tpu.memory_space<vmem>> -> memref<512xi32, #tpu.memory_space<vmem>>
      %get3A_342 = arith.constant 240 : index
      %get3A_343 = tpu.vector_load %get3A_341[%get3A_342] {strides = array<i32>} : memref<512xi32, #tpu.memory_space<vmem>>, vector<16xi32>,
      %ge3A_344 = arith.constant 100000 : i32
      %ge3A_345 = vector.broadcast %ge3A_344 : i32 to vector<16xi32>
      %ge3A_346 = arith.cmpi sge, %get3A_343, %ge3A_345 : vector<16xi32>
      %jit3A_347 = arith.constant 0 : i32
      %broadcast_in_dim3A_348 = vector.broadcast %jit3A_347 : i32 to vector<16xi32>
      %select_n3A_349 = arith.select %ge3A_346, %broadcast_in_dim3A_348, %get3A_343 : vector<16xi1>, vector<16xi32>
      %swap3A_350 = arith.constant 0 : i32
      %swap3A_351 = arith.constant 0 : i32
      %swap3A_352 = tpu.memref_slice %arg8[%swap3A_350, %swap3A_351] : memref<2x512xi32, #tpu.memory_space<vmem>> -> memref<1x512xi32, #tpu.memory_space<vmem>>
      %swap3A_353 = tpu.memref_squeeze %swap3A_352 : memref<1x512xi32, #tpu.memory_space<vmem>> -> memref<512xi32, #tpu.memory_space<vmem>>
      %swap3A_354 = arith.constant 240 : index
      %swap3A_355 = tpu.vector_load %swap3A_353[%swap3A_354] {strides = array<i32>} : memref<512xi32, #tpu.memory_space<vmem>>, vector<16xi32>,
      tpu.vector_store %swap3A_353[%swap3A_354], %select_n3A_349 {strides = array<i32>} : memref<512xi32, #tpu.memory_space<vmem>>, vector<16xi32>,
      %convert_element_type3A_356 = arith.extui %ge3A_346 : vector<16xi1> to vector<16xi32>
      %add3A_357 = arith.addi %add3A_337, %convert_element_type3A_356 : vector<16xi32>
      %get3A_358 = arith.constant 0 : i32
      %get3A_359 = arith.constant 0 : i32
      %get3A_360 = tpu.memref_slice %arg7[%get3A_358, %get3A_359] : memref<2x512xi32, #tpu.memory_space<vmem>> -> memref<1x512xi32, #tpu.memory_space<vmem>>
      %get3A_361 = tpu.memref_squeeze %get3A_360 : memref<1x512xi32, #tpu.memory_space<vmem>> -> memref<512xi32, #tpu.memory_space<vmem>>
      %get3A_362 = arith.constant 256 : index
      %get3A_363 = tpu.vector_load %get3A_361[%get3A_362] {strides = array<i32>} : memref<512xi32, #tpu.memory_space<vmem>>, vector<16xi32>,
      %ge3A_364 = arith.constant 100000 : i32
      %ge3A_365 = vector.broadcast %ge3A_364 : i32 to vector<16xi32>
      %ge3A_366 = arith.cmpi sge, %get3A_363, %ge3A_365 : vector<16xi32>
      %jit3A_367 = arith.constant 0 : i32
      %broadcast_in_dim3A_368 = vector.broadcast %jit3A_367 : i32 to vector<16xi32>
      %select_n3A_369 = arith.select %ge3A_366, %broadcast_in_dim3A_368, %get3A_363 : vector<16xi1>, vector<16xi32>
      %swap3A_370 = arith.constant 0 : i32
      %swap3A_371 = arith.constant 0 : i32
      %swap3A_372 = tpu.memref_slice %arg8[%swap3A_370, %swap3A_371] : memref<2x512xi32, #tpu.memory_space<vmem>> -> memref<1x512xi32, #tpu.memory_space<vmem>>
      %swap3A_373 = tpu.memref_squeeze %swap3A_372 : memref<1x512xi32, #tpu.memory_space<vmem>> -> memref<512xi32, #tpu.memory_space<vmem>>
      %swap3A_374 = arith.constant 256 : index
      %swap3A_375 = tpu.vector_load %swap3A_373[%swap3A_374] {strides = array<i32>} : memref<512xi32, #tpu.memory_space<vmem>>, vector<16xi32>,
      tpu.vector_store %swap3A_373[%swap3A_374], %select_n3A_369 {strides = array<i32>} : memref<512xi32, #tpu.memory_space<vmem>>, vector<16xi32>,
      %convert_element_type3A_376 = arith.extui %ge3A_366 : vector<16xi1> to vector<16xi32>
      %add3A_377 = arith.addi %add3A_357, %convert_element_type3A_376 : vector<16xi32>
      %get3A_378 = arith.constant 0 : i32
      %get3A_379 = arith.constant 0 : i32
      %get3A_380 = tpu.memref_slice %arg7[%get3A_378, %get3A_379] : memref<2x512xi32, #tpu.memory_space<vmem>> -> memref<1x512xi32, #tpu.memory_space<vmem>>
      %get3A_381 = tpu.memref_squeeze %get3A_380 : memref<1x512xi32, #tpu.memory_space<vmem>> -> memref<512xi32, #tpu.memory_space<vmem>>
      %get3A_382 = arith.constant 272 : index
      %get3A_383 = tpu.vector_load %get3A_381[%get3A_382] {strides = array<i32>} : memref<512xi32, #tpu.memory_space<vmem>>, vector<16xi32>,
      %ge3A_384 = arith.constant 100000 : i32
      %ge3A_385 = vector.broadcast %ge3A_384 : i32 to vector<16xi32>
      %ge3A_386 = arith.cmpi sge, %get3A_383, %ge3A_385 : vector<16xi32>
      %jit3A_387 = arith.constant 0 : i32
      %broadcast_in_dim3A_388 = vector.broadcast %jit3A_387 : i32 to vector<16xi32>
      %select_n3A_389 = arith.select %ge3A_386, %broadcast_in_dim3A_388, %get3A_383 : vector<16xi1>, vector<16xi32>
      %swap3A_390 = arith.constant 0 : i32
      %swap3A_391 = arith.constant 0 : i32
      %swap3A_392 = tpu.memref_slice %arg8[%swap3A_390, %swap3A_391] : memref<2x512xi32, #tpu.memory_space<vmem>> -> memref<1x512xi32, #tpu.memory_space<vmem>>
      %swap3A_393 = tpu.memref_squeeze %swap3A_392 : memref<1x512xi32, #tpu.memory_space<vmem>> -> memref<512xi32, #tpu.memory_space<vmem>>
      %swap3A_394 = arith.constant 272 : index
      %swap3A_395 = tpu.vector_load %swap3A_393[%swap3A_394] {strides = array<i32>} : memref<512xi32, #tpu.memory_space<vmem>>, vector<16xi32>,
      tpu.vector_store %swap3A_393[%swap3A_394], %select_n3A_389 {strides = array<i32>} : memref<512xi32, #tpu.memory_space<vmem>>, vector<16xi32>,
      %convert_element_type3A_396 = arith.extui %ge3A_386 : vector<16xi1> to vector<16xi32>
      %add3A_397 = arith.addi %add3A_377, %convert_element_type3A_396 : vector<16xi32>
      %get3A_398 = arith.constant 0 : i32
      %get3A_399 = arith.constant 0 : i32
      %get3A_400 = tpu.memref_slice %arg7[%get3A_398, %get3A_399] : memref<2x512xi32, #tpu.memory_space<vmem>> -> memref<1x512xi32, #tpu.memory_space<vmem>>
      %get3A_401 = tpu.memref_squeeze %get3A_400 : memref<1x512xi32, #tpu.memory_space<vmem>> -> memref<512xi32, #tpu.memory_space<vmem>>
      %get3A_402 = arith.constant 288 : index
      %get3A_403 = tpu.vector_load %get3A_401[%get3A_402] {strides = array<i32>} : memref<512xi32, #tpu.memory_space<vmem>>, vector<16xi32>,
      %ge3A_404 = arith.constant 100000 : i32
      %ge3A_405 = vector.broadcast %ge3A_404 : i32 to vector<16xi32>
      %ge3A_406 = arith.cmpi sge, %get3A_403, %ge3A_405 : vector<16xi32>
      %jit3A_407 = arith.constant 0 : i32
      %broadcast_in_dim3A_408 = vector.broadcast %jit3A_407 : i32 to vector<16xi32>
      %select_n3A_409 = arith.select %ge3A_406, %broadcast_in_dim3A_408, %get3A_403 : vector<16xi1>, vector<16xi32>
      %swap3A_410 = arith.constant 0 : i32
      %swap3A_411 = arith.constant 0 : i32
      %swap3A_412 = tpu.memref_slice %arg8[%swap3A_410, %swap3A_411] : memref<2x512xi32, #tpu.memory_space<vmem>> -> memref<1x512xi32, #tpu.memory_space<vmem>>
      %swap3A_413 = tpu.memref_squeeze %swap3A_412 : memref<1x512xi32, #tpu.memory_space<vmem>> -> memref<512xi32, #tpu.memory_space<vmem>>
      %swap3A_414 = arith.constant 288 : index
      %swap3A_415 = tpu.vector_load %swap3A_413[%swap3A_414] {strides = array<i32>} : memref<512xi32, #tpu.memory_space<vmem>>, vector<16xi32>,
      tpu.vector_store %swap3A_413[%swap3A_414], %select_n3A_409 {strides = array<i32>} : memref<512xi32, #tpu.memory_space<vmem>>, vector<16xi32>,
      %convert_element_type3A_416 = arith.extui %ge3A_406 : vector<16xi1> to vector<16xi32>
      %add3A_417 = arith.addi %add3A_397, %convert_element_type3A_416 : vector<16xi32>
      %get3A_418 = arith.constant 0 : i32
      %get3A_419 = arith.constant 0 : i32
      %get3A_420 = tpu.memref_slice %arg7[%get3A_418, %get3A_419] : memref<2x512xi32, #tpu.memory_space<vmem>> -> memref<1x512xi32, #tpu.memory_space<vmem>>
      %get3A_421 = tpu.memref_squeeze %get3A_420 : memref<1x512xi32, #tpu.memory_space<vmem>> -> memref<512xi32, #tpu.memory_space<vmem>>
      %get3A_422 = arith.constant 304 : index
      %get3A_423 = tpu.vector_load %get3A_421[%get3A_422] {strides = array<i32>} : memref<512xi32, #tpu.memory_space<vmem>>, vector<16xi32>,
      %ge3A_424 = arith.constant 100000 : i32
      %ge3A_425 = vector.broadcast %ge3A_424 : i32 to vector<16xi32>
      %ge3A_426 = arith.cmpi sge, %get3A_423, %ge3A_425 : vector<16xi32>
      %jit3A_427 = arith.constant 0 : i32
      %broadcast_in_dim3A_428 = vector.broadcast %jit3A_427 : i32 to vector<16xi32>
      %select_n3A_429 = arith.select %ge3A_426, %broadcast_in_dim3A_428, %get3A_423 : vector<16xi1>, vector<16xi32>
      %swap3A_430 = arith.constant 0 : i32
      %swap3A_431 = arith.constant 0 : i32
      %swap3A_432 = tpu.memref_slice %arg8[%swap3A_430, %swap3A_431] : memref<2x512xi32, #tpu.memory_space<vmem>> -> memref<1x512xi32, #tpu.memory_space<vmem>>
      %swap3A_433 = tpu.memref_squeeze %swap3A_432 : memref<1x512xi32, #tpu.memory_space<vmem>> -> memref<512xi32, #tpu.memory_space<vmem>>
      %swap3A_434 = arith.constant 304 : index
      %swap3A_435 = tpu.vector_load %swap3A_433[%swap3A_434] {strides = array<i32>} : memref<512xi32, #tpu.memory_space<vmem>>, vector<16xi32>,
      tpu.vector_store %swap3A_433[%swap3A_434], %select_n3A_429 {strides = array<i32>} : memref<512xi32, #tpu.memory_space<vmem>>, vector<16xi32>,
      %convert_element_type3A_436 = arith.extui %ge3A_426 : vector<16xi1> to vector<16xi32>
      %add3A_437 = arith.addi %add3A_417, %convert_element_type3A_436 : vector<16xi32>
      %get3A_438 = arith.constant 0 : i32
      %get3A_439 = arith.constant 0 : i32
      %get3A_440 = tpu.memref_slice %arg7[%get3A_438, %get3A_439] : memref<2x512xi32, #tpu.memory_space<vmem>> -> memref<1x512xi32, #tpu.memory_space<vmem>>
      %get3A_441 = tpu.memref_squeeze %get3A_440 : memref<1x512xi32, #tpu.memory_space<vmem>> -> memref<512xi32, #tpu.memory_space<vmem>>
      %get3A_442 = arith.constant 320 : index
      %get3A_443 = tpu.vector_load %get3A_441[%get3A_442] {strides = array<i32>} : memref<512xi32, #tpu.memory_space<vmem>>, vector<16xi32>,
      %ge3A_444 = arith.constant 100000 : i32
      %ge3A_445 = vector.broadcast %ge3A_444 : i32 to vector<16xi32>
      %ge3A_446 = arith.cmpi sge, %get3A_443, %ge3A_445 : vector<16xi32>
      %jit3A_447 = arith.constant 0 : i32
      %broadcast_in_dim3A_448 = vector.broadcast %jit3A_447 : i32 to vector<16xi32>
      %select_n3A_449 = arith.select %ge3A_446, %broadcast_in_dim3A_448, %get3A_443 : vector<16xi1>, vector<16xi32>
      %swap3A_450 = arith.constant 0 : i32
      %swap3A_451 = arith.constant 0 : i32
      %swap3A_452 = tpu.memref_slice %arg8[%swap3A_450, %swap3A_451] : memref<2x512xi32, #tpu.memory_space<vmem>> -> memref<1x512xi32, #tpu.memory_space<vmem>>
      %swap3A_453 = tpu.memref_squeeze %swap3A_452 : memref<1x512xi32, #tpu.memory_space<vmem>> -> memref<512xi32, #tpu.memory_space<vmem>>
      %swap3A_454 = arith.constant 320 : index
      %swap3A_455 = tpu.vector_load %swap3A_453[%swap3A_454] {strides = array<i32>} : memref<512xi32, #tpu.memory_space<vmem>>, vector<16xi32>,
      tpu.vector_store %swap3A_453[%swap3A_454], %select_n3A_449 {strides = array<i32>} : memref<512xi32, #tpu.memory_space<vmem>>, vector<16xi32>,
      %convert_element_type3A_456 = arith.extui %ge3A_446 : vector<16xi1> to vector<16xi32>
      %add3A_457 = arith.addi %add3A_437, %convert_element_type3A_456 : vector<16xi32>
      %get3A_458 = arith.constant 0 : i32
      %get3A_459 = arith.constant 0 : i32
      %get3A_460 = tpu.memref_slice %arg7[%get3A_458, %get3A_459] : memref<2x512xi32, #tpu.memory_space<vmem>> -> memref<1x512xi32, #tpu.memory_space<vmem>>
      %get3A_461 = tpu.memref_squeeze %get3A_460 : memref<1x512xi32, #tpu.memory_space<vmem>> -> memref<512xi32, #tpu.memory_space<vmem>>
      %get3A_462 = arith.constant 336 : index
      %get3A_463 = tpu.vector_load %get3A_461[%get3A_462] {strides = array<i32>} : memref<512xi32, #tpu.memory_space<vmem>>, vector<16xi32>,
      %ge3A_464 = arith.constant 100000 : i32
      %ge3A_465 = vector.broadcast %ge3A_464 : i32 to vector<16xi32>
      %ge3A_466 = arith.cmpi sge, %get3A_463, %ge3A_465 : vector<16xi32>
      %jit3A_467 = arith.constant 0 : i32
      %broadcast_in_dim3A_468 = vector.broadcast %jit3A_467 : i32 to vector<16xi32>
      %select_n3A_469 = arith.select %ge3A_466, %broadcast_in_dim3A_468, %get3A_463 : vector<16xi1>, vector<16xi32>
      %swap3A_470 = arith.constant 0 : i32
      %swap3A_471 = arith.constant 0 : i32
      %swap3A_472 = tpu.memref_slice %arg8[%swap3A_470, %swap3A_471] : memref<2x512xi32, #tpu.memory_space<vmem>> -> memref<1x512xi32, #tpu.memory_space<vmem>>
      %swap3A_473 = tpu.memref_squeeze %swap3A_472 : memref<1x512xi32, #tpu.memory_space<vmem>> -> memref<512xi32, #tpu.memory_space<vmem>>
      %swap3A_474 = arith.constant 336 : index
      %swap3A_475 = tpu.vector_load %swap3A_473[%swap3A_474] {strides = array<i32>} : memref<512xi32, #tpu.memory_space<vmem>>, vector<16xi32>,
      tpu.vector_store %swap3A_473[%swap3A_474], %select_n3A_469 {strides = array<i32>} : memref<512xi32, #tpu.memory_space<vmem>>, vector<16xi32>,
      %convert_element_type3A_476 = arith.extui %ge3A_466 : vector<16xi1> to vector<16xi32>
      %add3A_477 = arith.addi %add3A_457, %convert_element_type3A_476 : vector<16xi32>
      %get3A_478 = arith.constant 0 : i32
      %get3A_479 = arith.constant 0 : i32
      %get3A_480 = tpu.memref_slice %arg7[%get3A_478, %get3A_479] : memref<2x512xi32, #tpu.memory_space<vmem>> -> memref<1x512xi32, #tpu.memory_space<vmem>>
      %get3A_481 = tpu.memref_squeeze %get3A_480 : memref<1x512xi32, #tpu.memory_space<vmem>> -> memref<512xi32, #tpu.memory_space<vmem>>
      %get3A_482 = arith.constant 352 : index
      %get3A_483 = tpu.vector_load %get3A_481[%get3A_482] {strides = array<i32>} : memref<512xi32, #tpu.memory_space<vmem>>, vector<16xi32>,
      %ge3A_484 = arith.constant 100000 : i32
      %ge3A_485 = vector.broadcast %ge3A_484 : i32 to vector<16xi32>
      %ge3A_486 = arith.cmpi sge, %get3A_483, %ge3A_485 : vector<16xi32>
      %jit3A_487 = arith.constant 0 : i32
      %broadcast_in_dim3A_488 = vector.broadcast %jit3A_487 : i32 to vector<16xi32>
      %select_n3A_489 = arith.select %ge3A_486, %broadcast_in_dim3A_488, %get3A_483 : vector<16xi1>, vector<16xi32>
      %swap3A_490 = arith.constant 0 : i32
      %swap3A_491 = arith.constant 0 : i32
      %swap3A_492 = tpu.memref_slice %arg8[%swap3A_490, %swap3A_491] : memref<2x512xi32, #tpu.memory_space<vmem>> -> memref<1x512xi32, #tpu.memory_space<vmem>>
      %swap3A_493 = tpu.memref_squeeze %swap3A_492 : memref<1x512xi32, #tpu.memory_space<vmem>> -> memref<512xi32, #tpu.memory_space<vmem>>
      %swap3A_494 = arith.constant 352 : index
      %swap3A_495 = tpu.vector_load %swap3A_493[%swap3A_494] {strides = array<i32>} : memref<512xi32, #tpu.memory_space<vmem>>, vector<16xi32>,
      tpu.vector_store %swap3A_493[%swap3A_494], %select_n3A_489 {strides = array<i32>} : memref<512xi32, #tpu.memory_space<vmem>>, vector<16xi32>,
      %convert_element_type3A_496 = arith.extui %ge3A_486 : vector<16xi1> to vector<16xi32>
      %add3A_497 = arith.addi %add3A_477, %convert_element_type3A_496 : vector<16xi32>
      %get3A_498 = arith.constant 0 : i32
      %get3A_499 = arith.constant 0 : i32
      %get3A_500 = tpu.memref_slice %arg7[%get3A_498, %get3A_499] : memref<2x512xi32, #tpu.memory_space<vmem>> -> memref<1x512xi32, #tpu.memory_space<vmem>>
      %get3A_501 = tpu.memref_squeeze %get3A_500 : memref<1x512xi32, #tpu.memory_space<vmem>> -> memref<512xi32, #tpu.memory_space<vmem>>
      %get3A_502 = arith.constant 368 : index
      %get3A_503 = tpu.vector_load %get3A_501[%get3A_502] {strides = array<i32>} : memref<512xi32, #tpu.memory_space<vmem>>, vector<16xi32>,
      %ge3A_504 = arith.constant 100000 : i32
      %ge3A_505 = vector.broadcast %ge3A_504 : i32 to vector<16xi32>
      %ge3A_506 = arith.cmpi sge, %get3A_503, %ge3A_505 : vector<16xi32>
      %jit3A_507 = arith.constant 0 : i32
      %broadcast_in_dim3A_508 = vector.broadcast %jit3A_507 : i32 to vector<16xi32>
      %select_n3A_509 = arith.select %ge3A_506, %broadcast_in_dim3A_508, %get3A_503 : vector<16xi1>, vector<16xi32>
      %swap3A_510 = arith.constant 0 : i32
      %swap3A_511 = arith.constant 0 : i32
      %swap3A_512 = tpu.memref_slice %arg8[%swap3A_510, %swap3A_511] : memref<2x512xi32, #tpu.memory_space<vmem>> -> memref<1x512xi32, #tpu.memory_space<vmem>>
      %swap3A_513 = tpu.memref_squeeze %swap3A_512 : memref<1x512xi32, #tpu.memory_space<vmem>> -> memref<512xi32, #tpu.memory_space<vmem>>
      %swap3A_514 = arith.constant 368 : index
      %swap3A_515 = tpu.vector_load %swap3A_513[%swap3A_514] {strides = array<i32>} : memref<512xi32, #tpu.memory_space<vmem>>, vector<16xi32>,
      tpu.vector_store %swap3A_513[%swap3A_514], %select_n3A_509 {strides = array<i32>} : memref<512xi32, #tpu.memory_space<vmem>>, vector<16xi32>,
      %convert_element_type3A_516 = arith.extui %ge3A_506 : vector<16xi1> to vector<16xi32>
      %add3A_517 = arith.addi %add3A_497, %convert_element_type3A_516 : vector<16xi32>
      %get3A_518 = arith.constant 0 : i32
      %get3A_519 = arith.constant 0 : i32
      %get3A_520 = tpu.memref_slice %arg7[%get3A_518, %get3A_519] : memref<2x512xi32, #tpu.memory_space<vmem>> -> memref<1x512xi32, #tpu.memory_space<vmem>>
      %get3A_521 = tpu.memref_squeeze %get3A_520 : memref<1x512xi32, #tpu.memory_space<vmem>> -> memref<512xi32, #tpu.memory_space<vmem>>
      %get3A_522 = arith.constant 384 : index
      %get3A_523 = tpu.vector_load %get3A_521[%get3A_522] {strides = array<i32>} : memref<512xi32, #tpu.memory_space<vmem>>, vector<16xi32>,
      %ge3A_524 = arith.constant 100000 : i32
      %ge3A_525 = vector.broadcast %ge3A_524 : i32 to vector<16xi32>
      %ge3A_526 = arith.cmpi sge, %get3A_523, %ge3A_525 : vector<16xi32>
      %jit3A_527 = arith.constant 0 : i32
      %broadcast_in_dim3A_528 = vector.broadcast %jit3A_527 : i32 to vector<16xi32>
      %select_n3A_529 = arith.select %ge3A_526, %broadcast_in_dim3A_528, %get3A_523 : vector<16xi1>, vector<16xi32>
      %swap3A_530 = arith.constant 0 : i32
      %swap3A_531 = arith.constant 0 : i32
      %swap3A_532 = tpu.memref_slice %arg8[%swap3A_530, %swap3A_531] : memref<2x512xi32, #tpu.memory_space<vmem>> -> memref<1x512xi32, #tpu.memory_space<vmem>>
      %swap3A_533 = tpu.memref_squeeze %swap3A_532 : memref<1x512xi32, #tpu.memory_space<vmem>> -> memref<512xi32, #tpu.memory_space<vmem>>
      %swap3A_534 = arith.constant 384 : index
      %swap3A_535 = tpu.vector_load %swap3A_533[%swap3A_534] {strides = array<i32>} : memref<512xi32, #tpu.memory_space<vmem>>, vector<16xi32>,
      tpu.vector_store %swap3A_533[%swap3A_534], %select_n3A_529 {strides = array<i32>} : memref<512xi32, #tpu.memory_space<vmem>>, vector<16xi32>,
      %convert_element_type3A_536 = arith.extui %ge3A_526 : vector<16xi1> to vector<16xi32>
      %add3A_537 = arith.addi %add3A_517, %convert_element_type3A_536 : vector<16xi32>
      %get3A_538 = arith.constant 0 : i32
      %get3A_539 = arith.constant 0 : i32
      %get3A_540 = tpu.memref_slice %arg7[%get3A_538, %get3A_539] : memref<2x512xi32, #tpu.memory_space<vmem>> -> memref<1x512xi32, #tpu.memory_space<vmem>>
      %get3A_541 = tpu.memref_squeeze %get3A_540 : memref<1x512xi32, #tpu.memory_space<vmem>> -> memref<512xi32, #tpu.memory_space<vmem>>
      %get3A_542 = arith.constant 400 : index
      %get3A_543 = tpu.vector_load %get3A_541[%get3A_542] {strides = array<i32>} : memref<512xi32, #tpu.memory_space<vmem>>, vector<16xi32>,
      %ge3A_544 = arith.constant 100000 : i32
      %ge3A_545 = vector.broadcast %ge3A_544 : i32 to vector<16xi32>
      %ge3A_546 = arith.cmpi sge, %get3A_543, %ge3A_545 : vector<16xi32>
      %jit3A_547 = arith.constant 0 : i32
      %broadcast_in_dim3A_548 = vector.broadcast %jit3A_547 : i32 to vector<16xi32>
      %select_n3A_549 = arith.select %ge3A_546, %broadcast_in_dim3A_548, %get3A_543 : vector<16xi1>, vector<16xi32>
      %swap3A_550 = arith.constant 0 : i32
      %swap3A_551 = arith.constant 0 : i32
      %swap3A_552 = tpu.memref_slice %arg8[%swap3A_550, %swap3A_551] : memref<2x512xi32, #tpu.memory_space<vmem>> -> memref<1x512xi32, #tpu.memory_space<vmem>>
      %swap3A_553 = tpu.memref_squeeze %swap3A_552 : memref<1x512xi32, #tpu.memory_space<vmem>> -> memref<512xi32, #tpu.memory_space<vmem>>
      %swap3A_554 = arith.constant 400 : index
      %swap3A_555 = tpu.vector_load %swap3A_553[%swap3A_554] {strides = array<i32>} : memref<512xi32, #tpu.memory_space<vmem>>, vector<16xi32>,
      tpu.vector_store %swap3A_553[%swap3A_554], %select_n3A_549 {strides = array<i32>} : memref<512xi32, #tpu.memory_space<vmem>>, vector<16xi32>,
      %convert_element_type3A_556 = arith.extui %ge3A_546 : vector<16xi1> to vector<16xi32>
      %add3A_557 = arith.addi %add3A_537, %convert_element_type3A_556 : vector<16xi32>
      %get3A_558 = arith.constant 0 : i32
      %get3A_559 = arith.constant 0 : i32
      %get3A_560 = tpu.memref_slice %arg7[%get3A_558, %get3A_559] : memref<2x512xi32, #tpu.memory_space<vmem>> -> memref<1x512xi32, #tpu.memory_space<vmem>>
      %get3A_561 = tpu.memref_squeeze %get3A_560 : memref<1x512xi32, #tpu.memory_space<vmem>> -> memref<512xi32, #tpu.memory_space<vmem>>
      %get3A_562 = arith.constant 416 : index
      %get3A_563 = tpu.vector_load %get3A_561[%get3A_562] {strides = array<i32>} : memref<512xi32, #tpu.memory_space<vmem>>, vector<16xi32>,
      %ge3A_564 = arith.constant 100000 : i32
      %ge3A_565 = vector.broadcast %ge3A_564 : i32 to vector<16xi32>
      %ge3A_566 = arith.cmpi sge, %get3A_563, %ge3A_565 : vector<16xi32>
      %jit3A_567 = arith.constant 0 : i32
      %broadcast_in_dim3A_568 = vector.broadcast %jit3A_567 : i32 to vector<16xi32>
      %select_n3A_569 = arith.select %ge3A_566, %broadcast_in_dim3A_568, %get3A_563 : vector<16xi1>, vector<16xi32>
      %swap3A_570 = arith.constant 0 : i32
      %swap3A_571 = arith.constant 0 : i32
      %swap3A_572 = tpu.memref_slice %arg8[%swap3A_570, %swap3A_571] : memref<2x512xi32, #tpu.memory_space<vmem>> -> memref<1x512xi32, #tpu.memory_space<vmem>>
      %swap3A_573 = tpu.memref_squeeze %swap3A_572 : memref<1x512xi32, #tpu.memory_space<vmem>> -> memref<512xi32, #tpu.memory_space<vmem>>
      %swap3A_574 = arith.constant 416 : index
      %swap3A_575 = tpu.vector_load %swap3A_573[%swap3A_574] {strides = array<i32>} : memref<512xi32, #tpu.memory_space<vmem>>, vector<16xi32>,
      tpu.vector_store %swap3A_573[%swap3A_574], %select_n3A_569 {strides = array<i32>} : memref<512xi32, #tpu.memory_space<vmem>>, vector<16xi32>,
      %convert_element_type3A_576 = arith.extui %ge3A_566 : vector<16xi1> to vector<16xi32>
      %add3A_577 = arith.addi %add3A_557, %convert_element_type3A_576 : vector<16xi32>
      %get3A_578 = arith.constant 0 : i32
      %get3A_579 = arith.constant 0 : i32
      %get3A_580 = tpu.memref_slice %arg7[%get3A_578, %get3A_579] : memref<2x512xi32, #tpu.memory_space<vmem>> -> memref<1x512xi32, #tpu.memory_space<vmem>>
      %get3A_581 = tpu.memref_squeeze %get3A_580 : memref<1x512xi32, #tpu.memory_space<vmem>> -> memref<512xi32, #tpu.memory_space<vmem>>
      %get3A_582 = arith.constant 432 : index
      %get3A_583 = tpu.vector_load %get3A_581[%get3A_582] {strides = array<i32>} : memref<512xi32, #tpu.memory_space<vmem>>, vector<16xi32>,
      %ge3A_584 = arith.constant 100000 : i32
      %ge3A_585 = vector.broadcast %ge3A_584 : i32 to vector<16xi32>
      %ge3A_586 = arith.cmpi sge, %get3A_583, %ge3A_585 : vector<16xi32>
      %jit3A_587 = arith.constant 0 : i32
      %broadcast_in_dim3A_588 = vector.broadcast %jit3A_587 : i32 to vector<16xi32>
      %select_n3A_589 = arith.select %ge3A_586, %broadcast_in_dim3A_588, %get3A_583 : vector<16xi1>, vector<16xi32>
      %swap3A_590 = arith.constant 0 : i32
      %swap3A_591 = arith.constant 0 : i32
      %swap3A_592 = tpu.memref_slice %arg8[%swap3A_590, %swap3A_591] : memref<2x512xi32, #tpu.memory_space<vmem>> -> memref<1x512xi32, #tpu.memory_space<vmem>>
      %swap3A_593 = tpu.memref_squeeze %swap3A_592 : memref<1x512xi32, #tpu.memory_space<vmem>> -> memref<512xi32, #tpu.memory_space<vmem>>
      %swap3A_594 = arith.constant 432 : index
      %swap3A_595 = tpu.vector_load %swap3A_593[%swap3A_594] {strides = array<i32>} : memref<512xi32, #tpu.memory_space<vmem>>, vector<16xi32>,
      tpu.vector_store %swap3A_593[%swap3A_594], %select_n3A_589 {strides = array<i32>} : memref<512xi32, #tpu.memory_space<vmem>>, vector<16xi32>,
      %convert_element_type3A_596 = arith.extui %ge3A_586 : vector<16xi1> to vector<16xi32>
      %add3A_597 = arith.addi %add3A_577, %convert_element_type3A_596 : vector<16xi32>
      %get3A_598 = arith.constant 0 : i32
      %get3A_599 = arith.constant 0 : i32
      %get3A_600 = tpu.memref_slice %arg7[%get3A_598, %get3A_599] : memref<2x512xi32, #tpu.memory_space<vmem>> -> memref<1x512xi32, #tpu.memory_space<vmem>>
      %get3A_601 = tpu.memref_squeeze %get3A_600 : memref<1x512xi32, #tpu.memory_space<vmem>> -> memref<512xi32, #tpu.memory_space<vmem>>
      %get3A_602 = arith.constant 448 : index
      %get3A_603 = tpu.vector_load %get3A_601[%get3A_602] {strides = array<i32>} : memref<512xi32, #tpu.memory_space<vmem>>, vector<16xi32>,
      %ge3A_604 = arith.constant 100000 : i32
      %ge3A_605 = vector.broadcast %ge3A_604 : i32 to vector<16xi32>
      %ge3A_606 = arith.cmpi sge, %get3A_603, %ge3A_605 : vector<16xi32>
      %jit3A_607 = arith.constant 0 : i32
      %broadcast_in_dim3A_608 = vector.broadcast %jit3A_607 : i32 to vector<16xi32>
      %select_n3A_609 = arith.select %ge3A_606, %broadcast_in_dim3A_608, %get3A_603 : vector<16xi1>, vector<16xi32>
      %swap3A_610 = arith.constant 0 : i32
      %swap3A_611 = arith.constant 0 : i32
      %swap3A_612 = tpu.memref_slice %arg8[%swap3A_610, %swap3A_611] : memref<2x512xi32, #tpu.memory_space<vmem>> -> memref<1x512xi32, #tpu.memory_space<vmem>>
      %swap3A_613 = tpu.memref_squeeze %swap3A_612 : memref<1x512xi32, #tpu.memory_space<vmem>> -> memref<512xi32, #tpu.memory_space<vmem>>
      %swap3A_614 = arith.constant 448 : index
      %swap3A_615 = tpu.vector_load %swap3A_613[%swap3A_614] {strides = array<i32>} : memref<512xi32, #tpu.memory_space<vmem>>, vector<16xi32>,
      tpu.vector_store %swap3A_613[%swap3A_614], %select_n3A_609 {strides = array<i32>} : memref<512xi32, #tpu.memory_space<vmem>>, vector<16xi32>,
      %convert_element_type3A_616 = arith.extui %ge3A_606 : vector<16xi1> to vector<16xi32>
      %add3A_617 = arith.addi %add3A_597, %convert_element_type3A_616 : vector<16xi32>
      %get3A_618 = arith.constant 0 : i32
      %get3A_619 = arith.constant 0 : i32
      %get3A_620 = tpu.memref_slice %arg7[%get3A_618, %get3A_619] : memref<2x512xi32, #tpu.memory_space<vmem>> -> memref<1x512xi32, #tpu.memory_space<vmem>>
      %get3A_621 = tpu.memref_squeeze %get3A_620 : memref<1x512xi32, #tpu.memory_space<vmem>> -> memref<512xi32, #tpu.memory_space<vmem>>
      %get3A_622 = arith.constant 464 : index
      %get3A_623 = tpu.vector_load %get3A_621[%get3A_622] {strides = array<i32>} : memref<512xi32, #tpu.memory_space<vmem>>, vector<16xi32>,
      %ge3A_624 = arith.constant 100000 : i32
      %ge3A_625 = vector.broadcast %ge3A_624 : i32 to vector<16xi32>
      %ge3A_626 = arith.cmpi sge, %get3A_623, %ge3A_625 : vector<16xi32>
      %jit3A_627 = arith.constant 0 : i32
      %broadcast_in_dim3A_628 = vector.broadcast %jit3A_627 : i32 to vector<16xi32>
      %select_n3A_629 = arith.select %ge3A_626, %broadcast_in_dim3A_628, %get3A_623 : vector<16xi1>, vector<16xi32>
      %swap3A_630 = arith.constant 0 : i32
      %swap3A_631 = arith.constant 0 : i32
      %swap3A_632 = tpu.memref_slice %arg8[%swap3A_630, %swap3A_631] : memref<2x512xi32, #tpu.memory_space<vmem>> -> memref<1x512xi32, #tpu.memory_space<vmem>>
      %swap3A_633 = tpu.memref_squeeze %swap3A_632 : memref<1x512xi32, #tpu.memory_space<vmem>> -> memref<512xi32, #tpu.memory_space<vmem>>
      %swap3A_634 = arith.constant 464 : index
      %swap3A_635 = tpu.vector_load %swap3A_633[%swap3A_634] {strides = array<i32>} : memref<512xi32, #tpu.memory_space<vmem>>, vector<16xi32>,
      tpu.vector_store %swap3A_633[%swap3A_634], %select_n3A_629 {strides = array<i32>} : memref<512xi32, #tpu.memory_space<vmem>>, vector<16xi32>,
      %convert_element_type3A_636 = arith.extui %ge3A_626 : vector<16xi1> to vector<16xi32>
      %add3A_637 = arith.addi %add3A_617, %convert_element_type3A_636 : vector<16xi32>
      %get3A_638 = arith.constant 0 : i32
      %get3A_639 = arith.constant 0 : i32
      %get3A_640 = tpu.memref_slice %arg7[%get3A_638, %get3A_639] : memref<2x512xi32, #tpu.memory_space<vmem>> -> memref<1x512xi32, #tpu.memory_space<vmem>>
      %get3A_641 = tpu.memref_squeeze %get3A_640 : memref<1x512xi32, #tpu.memory_space<vmem>> -> memref<512xi32, #tpu.memory_space<vmem>>
      %get3A_642 = arith.constant 480 : index
      %get3A_643 = tpu.vector_load %get3A_641[%get3A_642] {strides = array<i32>} : memref<512xi32, #tpu.memory_space<vmem>>, vector<16xi32>,
      %ge3A_644 = arith.constant 100000 : i32
      %ge3A_645 = vector.broadcast %ge3A_644 : i32 to vector<16xi32>
      %ge3A_646 = arith.cmpi sge, %get3A_643, %ge3A_645 : vector<16xi32>
      %jit3A_647 = arith.constant 0 : i32
      %broadcast_in_dim3A_648 = vector.broadcast %jit3A_647 : i32 to vector<16xi32>
      %select_n3A_649 = arith.select %ge3A_646, %broadcast_in_dim3A_648, %get3A_643 : vector<16xi1>, vector<16xi32>
      %swap3A_650 = arith.constant 0 : i32
      %swap3A_651 = arith.constant 0 : i32
      %swap3A_652 = tpu.memref_slice %arg8[%swap3A_650, %swap3A_651] : memref<2x512xi32, #tpu.memory_space<vmem>> -> memref<1x512xi32, #tpu.memory_space<vmem>>
      %swap3A_653 = tpu.memref_squeeze %swap3A_652 : memref<1x512xi32, #tpu.memory_space<vmem>> -> memref<512xi32, #tpu.memory_space<vmem>>
      %swap3A_654 = arith.constant 480 : index
      %swap3A_655 = tpu.vector_load %swap3A_653[%swap3A_654] {strides = array<i32>} : memref<512xi32, #tpu.memory_space<vmem>>, vector<16xi32>,
      tpu.vector_store %swap3A_653[%swap3A_654], %select_n3A_649 {strides = array<i32>} : memref<512xi32, #tpu.memory_space<vmem>>, vector<16xi32>,
      %convert_element_type3A_656 = arith.extui %ge3A_646 : vector<16xi1> to vector<16xi32>
      %add3A_657 = arith.addi %add3A_637, %convert_element_type3A_656 : vector<16xi32>
      %get3A_658 = arith.constant 0 : i32
      %get3A_659 = arith.constant 0 : i32
      %get3A_660 = tpu.memref_slice %arg7[%get3A_658, %get3A_659] : memref<2x512xi32, #tpu.memory_space<vmem>> -> memref<1x512xi32, #tpu.memory_space<vmem>>
      %get3A_661 = tpu.memref_squeeze %get3A_660 : memref<1x512xi32, #tpu.memory_space<vmem>> -> memref<512xi32, #tpu.memory_space<vmem>>
      %get3A_662 = arith.constant 496 : index
      %get3A_663 = tpu.vector_load %get3A_661[%get3A_662] {strides = array<i32>} : memref<512xi32, #tpu.memory_space<vmem>>, vector<16xi32>,
      %ge3A_664 = arith.constant 100000 : i32
      %ge3A_665 = vector.broadcast %ge3A_664 : i32 to vector<16xi32>
      %ge3A_666 = arith.cmpi sge, %get3A_663, %ge3A_665 : vector<16xi32>
      %jit3A_667 = arith.constant 0 : i32
      %broadcast_in_dim3A_668 = vector.broadcast %jit3A_667 : i32 to vector<16xi32>
      %select_n3A_669 = arith.select %ge3A_666, %broadcast_in_dim3A_668, %get3A_663 : vector<16xi1>, vector<16xi32>
      %swap3A_670 = arith.constant 0 : i32
      %swap3A_671 = arith.constant 0 : i32
      %swap3A_672 = tpu.memref_slice %arg8[%swap3A_670, %swap3A_671] : memref<2x512xi32, #tpu.memory_space<vmem>> -> memref<1x512xi32, #tpu.memory_space<vmem>>
      %swap3A_673 = tpu.memref_squeeze %swap3A_672 : memref<1x512xi32, #tpu.memory_space<vmem>> -> memref<512xi32, #tpu.memory_space<vmem>>
      %swap3A_674 = arith.constant 496 : index
      %swap3A_675 = tpu.vector_load %swap3A_673[%swap3A_674] {strides = array<i32>} : memref<512xi32, #tpu.memory_space<vmem>>, vector<16xi32>,
      tpu.vector_store %swap3A_673[%swap3A_674], %select_n3A_669 {strides = array<i32>} : memref<512xi32, #tpu.memory_space<vmem>>, vector<16xi32>,
      %convert_element_type3A_676 = arith.extui %ge3A_666 : vector<16xi1> to vector<16xi32>
      %add3A_677 = arith.addi %add3A_657, %convert_element_type3A_676 : vector<16xi32>
      %broadcast_in_dim3A_678 = arith.constant true
      %broadcast_in_dim3A_679 = vector.broadcast %broadcast_in_dim3A_678 : i1 to vector<16xi1>
      %masked_cumsum3A = tpu.scan <sum>, %add3A_677 masked %broadcast_in_dim3A_679 : vector<16xi32>, vector<16xi1> -> vector<16xi32>
      %slice3A = vector.extract_strided_slice %masked_cumsum3A {offsets = [15], sizes = [1], strides = [1]} : vector<16xi32> to vector<1xi32>
      %squeeze3A = vector.extract %slice3A[0] : i32 from vector<1xi32>
      %gt3A = arith.constant 0 : i32
      %gt3A_680 = arith.cmpi sgt, %squeeze3A, %gt3A : i32
      %dma_start3A = arith.constant 0 : i32
      %dma_start3A_681 = arith.constant 0 : i32
      %dma_start3A_682 = arith.constant 0 : i32
      %dma_start3A_683 = arith.constant 0 : i32
      %dma_start3A_684 = tpu.memref_slice %arg9[%dma_start3A_681, %dma_start3A_682, %dma_start3A_683] : memref<2x512x64xf32, #tpu.memory_space<vmem>> -> memref<1x128x64xf32, #tpu.memory_space<vmem>>
      %dma_start3A_685 = tpu.memref_squeeze %dma_start3A_684 : memref<1x128x64xf32, #tpu.memory_space<vmem>> -> memref<128x64xf32, #tpu.memory_space<vmem>>
      %dma_start3A_686 = arith.constant 0 : i32
      %dma_start3A_687 = tpu.memref_slice %arg8[%dma_start3A, %dma_start3A_686] : memref<2x512xi32, #tpu.memory_space<vmem>> -> memref<1x128xi32, #tpu.memory_space<vmem>>
      %dma_start3A_688 = tpu.memref_squeeze %dma_start3A_687 : memref<1x128xi32, #tpu.memory_space<vmem>> -> memref<128xi32, #tpu.memory_space<vmem>>
      %dma_start3A_689 = arith.constant 0 : i32
      %dma_start3A_690 = arith.constant 0 : i32
      %dma_start3A_691 = tpu.memref_slice %arg2[%dma_start3A_689, %dma_start3A_690] : memref<100000x64xf32, #tpu.memory_space<hbm>> -> memref<100000x64xf32, #tpu.memory_space<hbm>>
      tpu.enqueue_indirect_dma source(%dma_start3A_691 : memref<100000x64xf32, #tpu.memory_space<hbm>>) target(%dma_start3A_685 : memref<128x64xf32, #tpu.memory_space<vmem>>) offsets(%dma_start3A_688 : memref<128xi32, #tpu.memory_space<vmem>>) semaphore(%arg10 : memref<!tpu.dma_semaphore, #tpu.memory_space<semaphore_mem>>)
      %dma_start3A_692 = arith.constant 0 : i32
      %dma_start3A_693 = arith.constant 0 : i32
      %dma_start3A_694 = arith.constant 128 : i32
      %dma_start3A_695 = arith.constant 0 : i32
      %dma_start3A_696 = tpu.memref_slice %arg9[%dma_start3A_693, %dma_start3A_694, %dma_start3A_695] : memref<2x512x64xf32, #tpu.memory_space<vmem>> -> memref<1x128x64xf32, #tpu.memory_space<vmem>>
      %dma_start3A_697 = tpu.memref_squeeze %dma_start3A_696 : memref<1x128x64xf32, #tpu.memory_space<vmem>> -> memref<128x64xf32, #tpu.memory_space<vmem>>
      %dma_start3A_698 = arith.constant 128 : i32
      %dma_start3A_699 = tpu.memref_slice %arg8[%dma_start3A_692, %dma_start3A_698] : memref<2x512xi32, #tpu.memory_space<vmem>> -> memref<1x128xi32, #tpu.memory_space<vmem>>
      %dma_start3A_700 = tpu.memref_squeeze %dma_start3A_699 : memref<1x128xi32, #tpu.memory_space<vmem>> -> memref<128xi32, #tpu.memory_space<vmem>>
      %dma_start3A_701 = arith.constant 0 : i32
      %dma_start3A_702 = arith.constant 0 : i32
      %dma_start3A_703 = tpu.memref_slice %arg2[%dma_start3A_701, %dma_start3A_702] : memref<100000x64xf32, #tpu.memory_space<hbm>> -> memref<100000x64xf32, #tpu.memory_space<hbm>>
      tpu.enqueue_indirect_dma source(%dma_start3A_703 : memref<100000x64xf32, #tpu.memory_space<hbm>>) target(%dma_start3A_697 : memref<128x64xf32, #tpu.memory_space<vmem>>) offsets(%dma_start3A_700 : memref<128xi32, #tpu.memory_space<vmem>>) semaphore(%arg10 : memref<!tpu.dma_semaphore, #tpu.memory_space<semaphore_mem>>)
      %dma_start3A_704 = arith.constant 0 : i32
      %dma_start3A_705 = arith.constant 0 : i32
      %dma_start3A_706 = arith.constant 256 : i32
      %dma_start3A_707 = arith.constant 0 : i32
      %dma_start3A_708 = tpu.memref_slice %arg9[%dma_start3A_705, %dma_start3A_706, %dma_start3A_707] : memref<2x512x64xf32, #tpu.memory_space<vmem>> -> memref<1x128x64xf32, #tpu.memory_space<vmem>>
      %dma_start3A_709 = tpu.memref_squeeze %dma_start3A_708 : memref<1x128x64xf32, #tpu.memory_space<vmem>> -> memref<128x64xf32, #tpu.memory_space<vmem>>
      %dma_start3A_710 = arith.constant 256 : i32
      %dma_start3A_711 = tpu.memref_slice %arg8[%dma_start3A_704, %dma_start3A_710] : memref<2x512xi32, #tpu.memory_space<vmem>> -> memref<1x128xi32, #tpu.memory_space<vmem>>
      %dma_start3A_712 = tpu.memref_squeeze %dma_start3A_711 : memref<1x128xi32, #tpu.memory_space<vmem>> -> memref<128xi32, #tpu.memory_space<vmem>>
      %dma_start3A_713 = arith.constant 0 : i32
      %dma_start3A_714 = arith.constant 0 : i32
      %dma_start3A_715 = tpu.memref_slice %arg2[%dma_start3A_713, %dma_start3A_714] : memref<100000x64xf32, #tpu.memory_space<hbm>> -> memref<100000x64xf32, #tpu.memory_space<hbm>>
      tpu.enqueue_indirect_dma source(%dma_start3A_715 : memref<100000x64xf32, #tpu.memory_space<hbm>>) target(%dma_start3A_709 : memref<128x64xf32, #tpu.memory_space<vmem>>) offsets(%dma_start3A_712 : memref<128xi32, #tpu.memory_space<vmem>>) semaphore(%arg10 : memref<!tpu.dma_semaphore, #tpu.memory_space<semaphore_mem>>)
      %dma_start3A_716 = arith.constant 0 : i32
      %dma_start3A_717 = arith.constant 0 : i32
      %dma_start3A_718 = arith.constant 384 : i32
      %dma_start3A_719 = arith.constant 0 : i32
      %dma_start3A_720 = tpu.memref_slice %arg9[%dma_start3A_717, %dma_start3A_718, %dma_start3A_719] : memref<2x512x64xf32, #tpu.memory_space<vmem>> -> memref<1x128x64xf32, #tpu.memory_space<vmem>>
      %dma_start3A_721 = tpu.memref_squeeze %dma_start3A_720 : memref<1x128x64xf32, #tpu.memory_space<vmem>> -> memref<128x64xf32, #tpu.memory_space<vmem>>
      %dma_start3A_722 = arith.constant 384 : i32
      %dma_start3A_723 = tpu.memref_slice %arg8[%dma_start3A_716, %dma_start3A_722] : memref<2x512xi32, #tpu.memory_space<vmem>> -> memref<1x128xi32, #tpu.memory_space<vmem>>
      %dma_start3A_724 = tpu.memref_squeeze %dma_start3A_723 : memref<1x128xi32, #tpu.memory_space<vmem>> -> memref<128xi32, #tpu.memory_space<vmem>>
      %dma_start3A_725 = arith.constant 0 : i32
      %dma_start3A_726 = arith.constant 0 : i32
      %dma_start3A_727 = tpu.memref_slice %arg2[%dma_start3A_725, %dma_start3A_726] : memref<100000x64xf32, #tpu.memory_space<hbm>> -> memref<100000x64xf32, #tpu.memory_space<hbm>>
      tpu.enqueue_indirect_dma source(%dma_start3A_727 : memref<100000x64xf32, #tpu.memory_space<hbm>>) target(%dma_start3A_721 : memref<128x64xf32, #tpu.memory_space<vmem>>) offsets(%dma_start3A_724 : memref<128xi32, #tpu.memory_space<vmem>>) semaphore(%arg10 : memref<!tpu.dma_semaphore, #tpu.memory_space<semaphore_mem>>)
      %dma_wait3A_728 = arith.constant 0 : i32
      %dma_wait3A_729 = arith.constant 0 : i32
      %dma_wait3A_730 = arith.constant 0 : i32
      %dma_wait3A_731 = arith.constant 0 : i32
      %dma_wait3A_732 = tpu.memref_slice %arg9[%dma_wait3A_729, %dma_wait3A_730, %dma_wait3A_731] : memref<2x512x64xf32, #tpu.memory_space<vmem>> -> memref<1x128x64xf32, #tpu.memory_space<vmem>>
      %dma_wait3A_733 = tpu.memref_squeeze %dma_wait3A_732 : memref<1x128x64xf32, #tpu.memory_space<vmem>> -> memref<128x64xf32, #tpu.memory_space<vmem>>
      %dma_wait3A_734 = arith.constant 0 : i32
      %dma_wait3A_735 = tpu.memref_slice %arg8[%dma_wait3A_728, %dma_wait3A_734] : memref<2x512xi32, #tpu.memory_space<vmem>> -> memref<1x128xi32, #tpu.memory_space<vmem>>
      %dma_wait3A_736 = tpu.memref_squeeze %dma_wait3A_735 : memref<1x128xi32, #tpu.memory_space<vmem>> -> memref<128xi32, #tpu.memory_space<vmem>>
      %dma_wait3A_737 = arith.constant 0 : i32
      %dma_wait3A_738 = arith.constant 0 : i32
      %dma_wait3A_739 = tpu.memref_slice %arg2[%dma_wait3A_737, %dma_wait3A_738] : memref<100000x64xf32, #tpu.memory_space<hbm>> -> memref<100000x64xf32, #tpu.memory_space<hbm>>
      tpu.wait_indirect_dma semaphore(%arg10 : memref<!tpu.dma_semaphore, #tpu.memory_space<semaphore_mem>>) src(%dma_wait3A_739 : memref<100000x64xf32, #tpu.memory_space<hbm>>) dst(%dma_wait3A_733 : memref<128x64xf32, #tpu.memory_space<vmem>>)
      %dma_wait3A_740 = arith.constant 0 : i32
      %dma_wait3A_741 = arith.constant 0 : i32
      %dma_wait3A_742 = arith.constant 128 : i32
      %dma_wait3A_743 = arith.constant 0 : i32
      %dma_wait3A_744 = tpu.memref_slice %arg9[%dma_wait3A_741, %dma_wait3A_742, %dma_wait3A_743] : memref<2x512x64xf32, #tpu.memory_space<vmem>> -> memref<1x128x64xf32, #tpu.memory_space<vmem>>
      %dma_wait3A_745 = tpu.memref_squeeze %dma_wait3A_744 : memref<1x128x64xf32, #tpu.memory_space<vmem>> -> memref<128x64xf32, #tpu.memory_space<vmem>>
      %dma_wait3A_746 = arith.constant 128 : i32
      %dma_wait3A_747 = tpu.memref_slice %arg8[%dma_wait3A_740, %dma_wait3A_746] : memref<2x512xi32, #tpu.memory_space<vmem>> -> memref<1x128xi32, #tpu.memory_space<vmem>>
      %dma_wait3A_748 = tpu.memref_squeeze %dma_wait3A_747 : memref<1x128xi32, #tpu.memory_space<vmem>> -> memref<128xi32, #tpu.memory_space<vmem>>
      %dma_wait3A_749 = arith.constant 0 : i32
      %dma_wait3A_750 = arith.constant 0 : i32
      %dma_wait3A_751 = tpu.memref_slice %arg2[%dma_wait3A_749, %dma_wait3A_750] : memref<100000x64xf32, #tpu.memory_space<hbm>> -> memref<100000x64xf32, #tpu.memory_space<hbm>>
      tpu.wait_indirect_dma semaphore(%arg10 : memref<!tpu.dma_semaphore, #tpu.memory_space<semaphore_mem>>) src(%dma_wait3A_751 : memref<100000x64xf32, #tpu.memory_space<hbm>>) dst(%dma_wait3A_745 : memref<128x64xf32, #tpu.memory_space<vmem>>)
      %dma_wait3A_752 = arith.constant 0 : i32
      %dma_wait3A_753 = arith.constant 0 : i32
      %dma_wait3A_754 = arith.constant 256 : i32
      %dma_wait3A_755 = arith.constant 0 : i32
      %dma_wait3A_756 = tpu.memref_slice %arg9[%dma_wait3A_753, %dma_wait3A_754, %dma_wait3A_755] : memref<2x512x64xf32, #tpu.memory_space<vmem>> -> memref<1x128x64xf32, #tpu.memory_space<vmem>>
      %dma_wait3A_757 = tpu.memref_squeeze %dma_wait3A_756 : memref<1x128x64xf32, #tpu.memory_space<vmem>> -> memref<128x64xf32, #tpu.memory_space<vmem>>
      %dma_wait3A_758 = arith.constant 256 : i32
      %dma_wait3A_759 = tpu.memref_slice %arg8[%dma_wait3A_752, %dma_wait3A_758] : memref<2x512xi32, #tpu.memory_space<vmem>> -> memref<1x128xi32, #tpu.memory_space<vmem>>
      %dma_wait3A_760 = tpu.memref_squeeze %dma_wait3A_759 : memref<1x128xi32, #tpu.memory_space<vmem>> -> memref<128xi32, #tpu.memory_space<vmem>>
      %dma_wait3A_761 = arith.constant 0 : i32
      %dma_wait3A_762 = arith.constant 0 : i32
      %dma_wait3A_763 = tpu.memref_slice %arg2[%dma_wait3A_761, %dma_wait3A_762] : memref<100000x64xf32, #tpu.memory_space<hbm>> -> memref<100000x64xf32, #tpu.memory_space<hbm>>
      tpu.wait_indirect_dma semaphore(%arg10 : memref<!tpu.dma_semaphore, #tpu.memory_space<semaphore_mem>>) src(%dma_wait3A_763 : memref<100000x64xf32, #tpu.memory_space<hbm>>) dst(%dma_wait3A_757 : memref<128x64xf32, #tpu.memory_space<vmem>>)
      %dma_wait3A_764 = arith.constant 0 : i32
      %dma_wait3A_765 = arith.constant 0 : i32
      %dma_wait3A_766 = arith.constant 384 : i32
      %dma_wait3A_767 = arith.constant 0 : i32
      %dma_wait3A_768 = tpu.memref_slice %arg9[%dma_wait3A_765, %dma_wait3A_766, %dma_wait3A_767] : memref<2x512x64xf32, #tpu.memory_space<vmem>> -> memref<1x128x64xf32, #tpu.memory_space<vmem>>
      %dma_wait3A_769 = tpu.memref_squeeze %dma_wait3A_768 : memref<1x128x64xf32, #tpu.memory_space<vmem>> -> memref<128x64xf32, #tpu.memory_space<vmem>>
      %dma_wait3A_770 = arith.constant 384 : i32
      %dma_wait3A_771 = tpu.memref_slice %arg8[%dma_wait3A_764, %dma_wait3A_770] : memref<2x512xi32, #tpu.memory_space<vmem>> -> memref<1x128xi32, #tpu.memory_space<vmem>>
      %dma_wait3A_772 = tpu.memref_squeeze %dma_wait3A_771 : memref<1x128xi32, #tpu.memory_space<vmem>> -> memref<128xi32, #tpu.memory_space<vmem>>
      %dma_wait3A_773 = arith.constant 0 : i32
      %dma_wait3A_774 = arith.constant 0 : i32
      %dma_wait3A_775 = tpu.memref_slice %arg2[%dma_wait3A_773, %dma_wait3A_774] : memref<100000x64xf32, #tpu.memory_space<hbm>> -> memref<100000x64xf32, #tpu.memory_space<hbm>>
      tpu.wait_indirect_dma semaphore(%arg10 : memref<!tpu.dma_semaphore, #tpu.memory_space<semaphore_mem>>) src(%dma_wait3A_775 : memref<100000x64xf32, #tpu.memory_space<hbm>>) dst(%dma_wait3A_769 : memref<128x64xf32, #tpu.memory_space<vmem>>)
      %convert_element_type3A_776 = arith.extui %gt3A_680 : i1 to i32
      %cond3A_777 = arith.constant 0 : i32
      %cond3A_778 = arith.constant 0 : i32
      %cond3A_779 = arith.cmpi ne, %convert_element_type3A_776, %cond3A_778 : i32
      scf.if %cond3A_779 {
        %scan3A_1570 = arith.constant 0 : i32
        %scan3A_1571 = arith.constant 0 : i32
        %scan3A_1572 = arith.constant 32 : i32
        %scan3A_1573 = arith.addi %scan3A_1571, %scan3A_1572 : i32
        %scan3A_1574 = arith.constant 1 : i32
        scf.for %scan3A_1576 = %scan3A_1571 to %scan3A_1573 step %scan3A_1574  : i32 {
          %mul3A_1577 = arith.constant 16 : i32
          %mul3A_1578 = arith.muli %scan3A_1576, %mul3A_1577 : i32
          %get3A_1579 = arith.constant 0 : i32
          %get3A_1580 = arith.constant 0 : i32
          %get3A_1581 = tpu.memref_slice %arg7[%get3A_1579, %get3A_1580] : memref<2x512xi32, #tpu.memory_space<vmem>> -> memref<1x512xi32, #tpu.memory_space<vmem>>
          %get3A_1582 = tpu.memref_squeeze %get3A_1581 : memref<1x512xi32, #tpu.memory_space<vmem>> -> memref<512xi32, #tpu.memory_space<vmem>>
          %get3A_1583 = arith.index_cast %mul3A_1578 : i32 to index
          %get3A_1584 = tpu.vector_load %get3A_1582[%get3A_1583] {strides = array<i32>} : memref<512xi32, #tpu.memory_space<vmem>>, vector<16xi32>,
          %ge3A_1585 = arith.constant 100000 : i32
          %ge3A_1586 = vector.broadcast %ge3A_1585 : i32 to vector<16xi32>
          %ge3A_1587 = arith.cmpi sge, %get3A_1584, %ge3A_1586 : vector<16xi32>
          %convert_element_type3A_1588 = arith.extui %ge3A_1587 : vector<16xi1> to vector<16xi32>
          %broadcast_in_dim3A_1589 = arith.constant true
          %broadcast_in_dim3A_1590 = vector.broadcast %broadcast_in_dim3A_1589 : i1 to vector<16xi1>
          %masked_cumsum3A_1591 = tpu.scan <sum>, %convert_element_type3A_1588 masked %broadcast_in_dim3A_1590 : vector<16xi32>, vector<16xi1> -> vector<16xi32>
          %slice3A_1592 = vector.extract_strided_slice %masked_cumsum3A_1591 {offsets = [15], sizes = [1], strides = [1]} : vector<16xi32> to vector<1xi32>
          %squeeze3A_1593 = vector.extract %slice3A_1592[0] : i32 from vector<1xi32>
          %gt3A_1594 = arith.constant 0 : i32
          %gt3A_1595 = arith.cmpi sgt, %squeeze3A_1593, %gt3A_1594 : i32
          %convert_element_type3A_1596 = arith.extui %gt3A_1595 : i1 to i32
          %cond3A_1597 = arith.constant 0 : i32
          %cond3A_1598 = arith.cmpi ne, %convert_element_type3A_1596, %cond3A_1597 : i32
          scf.if %cond3A_1598 {
            %sub3A = arith.constant 100000 : i32
            %sub3A_1599 = vector.broadcast %sub3A : i32 to vector<16xi32>
            %sub3A_1600 = arith.subi %get3A_1584, %sub3A_1599 : vector<16xi32>
            %jit3A_1601 = arith.constant 0 : i32
            %broadcast_in_dim3A_1602 = vector.broadcast %jit3A_1601 : i32 to vector<16xi32>
            %select_n3A_1603 = arith.select %ge3A_1587, %sub3A_1600, %broadcast_in_dim3A_1602 : vector<16xi1>, vector<16xi32>
            %mul3A_1604 = arith.constant 16 : i32
            %mul3A_1605 = arith.muli %scan3A_1576, %mul3A_1604 : i32
            %add3A_1606 = vector.broadcast %mul3A_1605 : i32 to vector<16xi32>
            %add3A_1607 = arith.addi %add3A_1606, %iota3A : vector<16xi32>
            %scan3A_1608 = arith.constant 0 : i32
            %scan3A_1609 = arith.constant 0 : i32
            %scan3A_1610 = arith.constant 64 : i32
            %scan3A_1611 = arith.addi %scan3A_1609, %scan3A_1610 : i32
            %scan3A_1612 = arith.constant 1 : i32
            scf.for %scan3A_1614 = %scan3A_1609 to %scan3A_1611 step %scan3A_1612  : i32 {
              %broadcast_in_dim3A_1615 = vector.broadcast %scan3A_1614 : i32 to vector<16xi32>
              %gather3A = tpu.vector_load_idx %arg6[%select_n3A_1603, %broadcast_in_dim3A_1615] : memref<16x64xf32, #tpu.memory_space<vmem>>[vector<16xi32>, vector<16xi32>], vector<16xf32>,
              %scatter3A = arith.constant 0 : i32
              %scatter3A_1616 = arith.constant 0 : i32
              %scatter3A_1617 = tpu.memref_slice %arg9[%cond3A_777, %scatter3A, %scatter3A_1616] : memref<2x512x64xf32, #tpu.memory_space<vmem>> -> memref<1x512x64xf32, #tpu.memory_space<vmem>>
              %scatter3A_1618 = tpu.memref_squeeze %scatter3A_1617 : memref<1x512x64xf32, #tpu.memory_space<vmem>> -> memref<512x64xf32, #tpu.memory_space<vmem>>
              tpu.vector_store_idx %scatter3A_1618[%add3A_1607, %broadcast_in_dim3A_1615], %gather3A masked %ge3A_1587 : memref<512x64xf32, #tpu.memory_space<vmem>>[vector<16xi32>, vector<16xi32>], vector<16xf32>, vector<16xi1>
            }
            %scan3A_1613 = arith.constant 64 : i32
          } else {
          }
        }
        %scan3A_1575 = arith.constant 32 : i32
      } else {
      }
      %dma_start3A_780 = arith.constant 0 : i32
      %dma_start3A_781 = arith.constant 0 : i32
      %dma_start3A_782 = arith.constant 0 : i32
      %dma_start3A_783 = tpu.memref_slice %arg9[%dma_start3A_780, %dma_start3A_781, %dma_start3A_782] : memref<2x512x64xf32, #tpu.memory_space<vmem>> -> memref<1x512x64xf32, #tpu.memory_space<vmem>>
      %dma_start3A_784 = tpu.memref_squeeze %dma_start3A_783 : memref<1x512x64xf32, #tpu.memory_space<vmem>> -> memref<512x64xf32, #tpu.memory_space<vmem>>
      %dma_start3A_785 = arith.constant 0 : i32
      %dma_start3A_786 = tpu.memref_slice %arg5[%add3A_41, %dma_start3A_785] : memref<819200x64xf32, #tpu.memory_space<hbm>> -> memref<512x64xf32, #tpu.memory_space<hbm>>
      %dma_start3A_787 = arith.constant 0 : i32
      %dma_start3A_788 = tpu.memref_slice %arg5[%add3A_41, %dma_start3A_787] : memref<819200x64xf32, #tpu.memory_space<hbm>> -> memref<512x64xf32, #tpu.memory_space<hbm>>
      %dma_start3A_789 = arith.constant 0 : i32
      %dma_start3A_790 = arith.constant 0 : i32
      %dma_start3A_791 = tpu.memref_slice %arg9[%dma_start3A_780, %dma_start3A_789, %dma_start3A_790] : memref<2x512x64xf32, #tpu.memory_space<vmem>> -> memref<1x512x64xf32, #tpu.memory_space<vmem>>
      %dma_start3A_792 = tpu.memref_squeeze %dma_start3A_791 : memref<1x512x64xf32, #tpu.memory_space<vmem>> -> memref<512x64xf32, #tpu.memory_space<vmem>>
      tpu.enqueue_dma source(%dma_start3A_792 : memref<512x64xf32, #tpu.memory_space<vmem>>) target(%dma_start3A_788 : memref<512x64xf32, #tpu.memory_space<hbm>>) target_semaphore(%arg12 : memref<!tpu.dma_semaphore, #tpu.memory_space<semaphore_mem>>)
      %mul3A_793 = arith.constant 2 : i32
      %mul3A_794 = arith.muli %mul3A_793, %scan3A_33 : i32
      %add3A_795 = arith.constant 1 : i32
      %add3A_796 = arith.addi %mul3A_794, %add3A_795 : i32
      %eq3A_797 = arith.constant 0 : i32
      %eq3A_798 = arith.cmpi eq, %scan3A_33, %eq3A_797 : i32
      %not3A_799 = arith.constant true
      %not3A_800 = arith.xori %eq3A_798, %not3A_799 : i1
      %convert_element_type3A_801 = arith.extui %not3A_800 : i1 to i32
      %cond3A_802 = arith.constant 0 : i32
      %cond3A_803 = arith.cmpi ne, %convert_element_type3A_801, %cond3A_802 : i32
      scf.if %cond3A_803 {
        %dma_wait3A_1570 = arith.constant 1 : i32
        %dma_wait3A_1571 = arith.constant 0 : i32
        %dma_wait3A_1572 = arith.constant 0 : i32
        %dma_wait3A_1573 = tpu.memref_slice %arg9[%dma_wait3A_1570, %dma_wait3A_1571, %dma_wait3A_1572] : memref<2x512x64xf32, #tpu.memory_space<vmem>> -> memref<1x512x64xf32, #tpu.memory_space<vmem>>
        %dma_wait3A_1574 = tpu.memref_squeeze %dma_wait3A_1573 : memref<1x512x64xf32, #tpu.memory_space<vmem>> -> memref<512x64xf32, #tpu.memory_space<vmem>>
        %dma_wait3A_1575 = arith.constant 0 : i32
        %dma_wait3A_1576 = tpu.memref_slice %arg5[%mul3A_2, %dma_wait3A_1575] : memref<819200x64xf32, #tpu.memory_space<hbm>> -> memref<512x64xf32, #tpu.memory_space<hbm>>
        %dma_wait3A_1577 = arith.constant 0 : i32
        %dma_wait3A_1578 = tpu.memref_slice %arg5[%mul3A_2, %dma_wait3A_1577] : memref<819200x64xf32, #tpu.memory_space<hbm>> -> memref<512x64xf32, #tpu.memory_space<hbm>>
        %dma_wait3A_1579 = arith.constant 0 : i32
        %dma_wait3A_1580 = arith.constant 0 : i32
        %dma_wait3A_1581 = tpu.memref_slice %arg9[%dma_wait3A_1570, %dma_wait3A_1579, %dma_wait3A_1580] : memref<2x512x64xf32, #tpu.memory_space<vmem>> -> memref<1x512x64xf32, #tpu.memory_space<vmem>>
        %dma_wait3A_1582 = tpu.memref_squeeze %dma_wait3A_1581 : memref<1x512x64xf32, #tpu.memory_space<vmem>> -> memref<512x64xf32, #tpu.memory_space<vmem>>
        tpu.wait_dma2 semaphore(%arg13 : memref<!tpu.dma_semaphore, #tpu.memory_space<semaphore_mem>>) src(%dma_wait3A_1582 : memref<512x64xf32, #tpu.memory_space<vmem>>) dst(%dma_wait3A_1578 : memref<512x64xf32, #tpu.memory_space<hbm>>)
      } else {
      }
      %mul3A_804 = arith.constant 512 : i32
      %mul3A_805 = arith.muli %add3A_796, %mul3A_804 : i32
      %add3A_806 = arith.addi %mul3A_2, %mul3A_805 : i32
      %run_scoped3A_807 = arith.constant 1 : i32
      "tpu.region"() ({
        %run_scoped3A_1570 = tpu.sem_alloc : memref<!tpu.dma_semaphore, #tpu.memory_space<semaphore_mem>>
        %dma_start3A_1571 = arith.constant 0 : i32
        %dma_start3A_1572 = tpu.memref_slice %arg7[%run_scoped3A_807, %dma_start3A_1571] : memref<2x512xi32, #tpu.memory_space<vmem>> -> memref<1x512xi32, #tpu.memory_space<vmem>>
        %dma_start3A_1573 = tpu.memref_squeeze %dma_start3A_1572 : memref<1x512xi32, #tpu.memory_space<vmem>> -> memref<512xi32, #tpu.memory_space<vmem>>
        %dma_start3A_1574 = tpu.memref_slice %arg4[%add3A_806] : memref<819200xi32, #tpu.memory_space<hbm>> -> memref<512xi32, #tpu.memory_space<hbm>>
        %dma_start3A_1575 = arith.constant 0 : i32
        %dma_start3A_1576 = tpu.memref_slice %arg7[%run_scoped3A_807, %dma_start3A_1575] : memref<2x512xi32, #tpu.memory_space<vmem>> -> memref<1x512xi32, #tpu.memory_space<vmem>>
        %dma_start3A_1577 = tpu.memref_squeeze %dma_start3A_1576 : memref<1x512xi32, #tpu.memory_space<vmem>> -> memref<512xi32, #tpu.memory_space<vmem>>
        %dma_start3A_1578 = tpu.memref_slice %arg4[%add3A_806] : memref<819200xi32, #tpu.memory_space<hbm>> -> memref<512xi32, #tpu.memory_space<hbm>>
        tpu.enqueue_dma source(%dma_start3A_1578 : memref<512xi32, #tpu.memory_space<hbm>>) target(%dma_start3A_1577 : memref<512xi32, #tpu.memory_space<vmem>>) target_semaphore(%run_scoped3A_1570 : memref<!tpu.dma_semaphore, #tpu.memory_space<semaphore_mem>>)
        %dma_wait3A_1579 = arith.constant 0 : i32
        %dma_wait3A_1580 = tpu.memref_slice %arg7[%run_scoped3A_807, %dma_wait3A_1579] : memref<2x512xi32, #tpu.memory_space<vmem>> -> memref<1x512xi32, #tpu.memory_space<vmem>>
        %dma_wait3A_1581 = tpu.memref_squeeze %dma_wait3A_1580 : memref<1x512xi32, #tpu.memory_space<vmem>> -> memref<512xi32, #tpu.memory_space<vmem>>
        %dma_wait3A_1582 = tpu.memref_slice %arg4[%add3A_806] : memref<819200xi32, #tpu.memory_space<hbm>> -> memref<512xi32, #tpu.memory_space<hbm>>
        %dma_wait3A_1583 = arith.constant 0 : i32
        %dma_wait3A_1584 = tpu.memref_slice %arg7[%run_scoped3A_807, %dma_wait3A_1583] : memref<2x512xi32, #tpu.memory_space<vmem>> -> memref<1x512xi32, #tpu.memory_space<vmem>>
        %dma_wait3A_1585 = tpu.memref_squeeze %dma_wait3A_1584 : memref<1x512xi32, #tpu.memory_space<vmem>> -> memref<512xi32, #tpu.memory_space<vmem>>
        %dma_wait3A_1586 = tpu.memref_slice %arg4[%add3A_806] : memref<819200xi32, #tpu.memory_space<hbm>> -> memref<512xi32, #tpu.memory_space<hbm>>
        tpu.wait_dma2 semaphore(%run_scoped3A_1570 : memref<!tpu.dma_semaphore, #tpu.memory_space<semaphore_mem>>) src(%dma_wait3A_1586 : memref<512xi32, #tpu.memory_space<hbm>>) dst(%dma_wait3A_1585 : memref<512xi32, #tpu.memory_space<vmem>>)
        tpu.yield
      }) : () -> ()
      %broadcast_in_dim3A_808 = arith.constant 0 : i32
      %broadcast_in_dim3A_809 = vector.broadcast %broadcast_in_dim3A_808 : i32 to vector<16xi32>
      %get3A_810 = arith.constant 1 : i32
      %get3A_811 = arith.constant 0 : i32
      %get3A_812 = tpu.memref_slice %arg7[%get3A_810, %get3A_811] : memref<2x512xi32, #tpu.memory_space<vmem>> -> memref<1x512xi32, #tpu.memory_space<vmem>>
      %get3A_813 = tpu.memref_squeeze %get3A_812 : memref<1x512xi32, #tpu.memory_space<vmem>> -> memref<512xi32, #tpu.memory_space<vmem>>
      %get3A_814 = arith.constant 0 : index
      %get3A_815 = tpu.vector_load %get3A_813[%get3A_814] {strides = array<i32>} : memref<512xi32, #tpu.memory_space<vmem>>, vector<16xi32>,
      %ge3A_816 = arith.constant 100000 : i32
      %ge3A_817 = vector.broadcast %ge3A_816 : i32 to vector<16xi32>
      %ge3A_818 = arith.cmpi sge, %get3A_815, %ge3A_817 : vector<16xi32>
      %jit3A_819 = arith.constant 0 : i32
      %broadcast_in_dim3A_820 = vector.broadcast %jit3A_819 : i32 to vector<16xi32>
      %select_n3A_821 = arith.select %ge3A_818, %broadcast_in_dim3A_820, %get3A_815 : vector<16xi1>, vector<16xi32>
      %swap3A_822 = arith.constant 1 : i32
      %swap3A_823 = arith.constant 0 : i32
      %swap3A_824 = tpu.memref_slice %arg8[%swap3A_822, %swap3A_823] : memref<2x512xi32, #tpu.memory_space<vmem>> -> memref<1x512xi32, #tpu.memory_space<vmem>>
      %swap3A_825 = tpu.memref_squeeze %swap3A_824 : memref<1x512xi32, #tpu.memory_space<vmem>> -> memref<512xi32, #tpu.memory_space<vmem>>
      %swap3A_826 = arith.constant 0 : index
      %swap3A_827 = tpu.vector_load %swap3A_825[%swap3A_826] {strides = array<i32>} : memref<512xi32, #tpu.memory_space<vmem>>, vector<16xi32>,
      tpu.vector_store %swap3A_825[%swap3A_826], %select_n3A_821 {strides = array<i32>} : memref<512xi32, #tpu.memory_space<vmem>>, vector<16xi32>,
      %convert_element_type3A_828 = arith.extui %ge3A_818 : vector<16xi1> to vector<16xi32>
      %add3A_829 = arith.addi %broadcast_in_dim3A_809, %convert_element_type3A_828 : vector<16xi32>
      %get3A_830 = arith.constant 1 : i32
      %get3A_831 = arith.constant 0 : i32
      %get3A_832 = tpu.memref_slice %arg7[%get3A_830, %get3A_831] : memref<2x512xi32, #tpu.memory_space<vmem>> -> memref<1x512xi32, #tpu.memory_space<vmem>>
      %get3A_833 = tpu.memref_squeeze %get3A_832 : memref<1x512xi32, #tpu.memory_space<vmem>> -> memref<512xi32, #tpu.memory_space<vmem>>
      %get3A_834 = arith.constant 16 : index
      %get3A_835 = tpu.vector_load %get3A_833[%get3A_834] {strides = array<i32>} : memref<512xi32, #tpu.memory_space<vmem>>, vector<16xi32>,
      %ge3A_836 = arith.constant 100000 : i32
      %ge3A_837 = vector.broadcast %ge3A_836 : i32 to vector<16xi32>
      %ge3A_838 = arith.cmpi sge, %get3A_835, %ge3A_837 : vector<16xi32>
      %jit3A_839 = arith.constant 0 : i32
      %broadcast_in_dim3A_840 = vector.broadcast %jit3A_839 : i32 to vector<16xi32>
      %select_n3A_841 = arith.select %ge3A_838, %broadcast_in_dim3A_840, %get3A_835 : vector<16xi1>, vector<16xi32>
      %swap3A_842 = arith.constant 1 : i32
      %swap3A_843 = arith.constant 0 : i32
      %swap3A_844 = tpu.memref_slice %arg8[%swap3A_842, %swap3A_843] : memref<2x512xi32, #tpu.memory_space<vmem>> -> memref<1x512xi32, #tpu.memory_space<vmem>>
      %swap3A_845 = tpu.memref_squeeze %swap3A_844 : memref<1x512xi32, #tpu.memory_space<vmem>> -> memref<512xi32, #tpu.memory_space<vmem>>
      %swap3A_846 = arith.constant 16 : index
      %swap3A_847 = tpu.vector_load %swap3A_845[%swap3A_846] {strides = array<i32>} : memref<512xi32, #tpu.memory_space<vmem>>, vector<16xi32>,
      tpu.vector_store %swap3A_845[%swap3A_846], %select_n3A_841 {strides = array<i32>} : memref<512xi32, #tpu.memory_space<vmem>>, vector<16xi32>,
      %convert_element_type3A_848 = arith.extui %ge3A_838 : vector<16xi1> to vector<16xi32>
      %add3A_849 = arith.addi %add3A_829, %convert_element_type3A_848 : vector<16xi32>
      %get3A_850 = arith.constant 1 : i32
      %get3A_851 = arith.constant 0 : i32
      %get3A_852 = tpu.memref_slice %arg7[%get3A_850, %get3A_851] : memref<2x512xi32, #tpu.memory_space<vmem>> -> memref<1x512xi32, #tpu.memory_space<vmem>>
      %get3A_853 = tpu.memref_squeeze %get3A_852 : memref<1x512xi32, #tpu.memory_space<vmem>> -> memref<512xi32, #tpu.memory_space<vmem>>
      %get3A_854 = arith.constant 32 : index
      %get3A_855 = tpu.vector_load %get3A_853[%get3A_854] {strides = array<i32>} : memref<512xi32, #tpu.memory_space<vmem>>, vector<16xi32>,
      %ge3A_856 = arith.constant 100000 : i32
      %ge3A_857 = vector.broadcast %ge3A_856 : i32 to vector<16xi32>
      %ge3A_858 = arith.cmpi sge, %get3A_855, %ge3A_857 : vector<16xi32>
      %jit3A_859 = arith.constant 0 : i32
      %broadcast_in_dim3A_860 = vector.broadcast %jit3A_859 : i32 to vector<16xi32>
      %select_n3A_861 = arith.select %ge3A_858, %broadcast_in_dim3A_860, %get3A_855 : vector<16xi1>, vector<16xi32>
      %swap3A_862 = arith.constant 1 : i32
      %swap3A_863 = arith.constant 0 : i32
      %swap3A_864 = tpu.memref_slice %arg8[%swap3A_862, %swap3A_863] : memref<2x512xi32, #tpu.memory_space<vmem>> -> memref<1x512xi32, #tpu.memory_space<vmem>>
      %swap3A_865 = tpu.memref_squeeze %swap3A_864 : memref<1x512xi32, #tpu.memory_space<vmem>> -> memref<512xi32, #tpu.memory_space<vmem>>
      %swap3A_866 = arith.constant 32 : index
      %swap3A_867 = tpu.vector_load %swap3A_865[%swap3A_866] {strides = array<i32>} : memref<512xi32, #tpu.memory_space<vmem>>, vector<16xi32>,
      tpu.vector_store %swap3A_865[%swap3A_866], %select_n3A_861 {strides = array<i32>} : memref<512xi32, #tpu.memory_space<vmem>>, vector<16xi32>,
      %convert_element_type3A_868 = arith.extui %ge3A_858 : vector<16xi1> to vector<16xi32>
      %add3A_869 = arith.addi %add3A_849, %convert_element_type3A_868 : vector<16xi32>
      %get3A_870 = arith.constant 1 : i32
      %get3A_871 = arith.constant 0 : i32
      %get3A_872 = tpu.memref_slice %arg7[%get3A_870, %get3A_871] : memref<2x512xi32, #tpu.memory_space<vmem>> -> memref<1x512xi32, #tpu.memory_space<vmem>>
      %get3A_873 = tpu.memref_squeeze %get3A_872 : memref<1x512xi32, #tpu.memory_space<vmem>> -> memref<512xi32, #tpu.memory_space<vmem>>
      %get3A_874 = arith.constant 48 : index
      %get3A_875 = tpu.vector_load %get3A_873[%get3A_874] {strides = array<i32>} : memref<512xi32, #tpu.memory_space<vmem>>, vector<16xi32>,
      %ge3A_876 = arith.constant 100000 : i32
      %ge3A_877 = vector.broadcast %ge3A_876 : i32 to vector<16xi32>
      %ge3A_878 = arith.cmpi sge, %get3A_875, %ge3A_877 : vector<16xi32>
      %jit3A_879 = arith.constant 0 : i32
      %broadcast_in_dim3A_880 = vector.broadcast %jit3A_879 : i32 to vector<16xi32>
      %select_n3A_881 = arith.select %ge3A_878, %broadcast_in_dim3A_880, %get3A_875 : vector<16xi1>, vector<16xi32>
      %swap3A_882 = arith.constant 1 : i32
      %swap3A_883 = arith.constant 0 : i32
      %swap3A_884 = tpu.memref_slice %arg8[%swap3A_882, %swap3A_883] : memref<2x512xi32, #tpu.memory_space<vmem>> -> memref<1x512xi32, #tpu.memory_space<vmem>>
      %swap3A_885 = tpu.memref_squeeze %swap3A_884 : memref<1x512xi32, #tpu.memory_space<vmem>> -> memref<512xi32, #tpu.memory_space<vmem>>
      %swap3A_886 = arith.constant 48 : index
      %swap3A_887 = tpu.vector_load %swap3A_885[%swap3A_886] {strides = array<i32>} : memref<512xi32, #tpu.memory_space<vmem>>, vector<16xi32>,
      tpu.vector_store %swap3A_885[%swap3A_886], %select_n3A_881 {strides = array<i32>} : memref<512xi32, #tpu.memory_space<vmem>>, vector<16xi32>,
      %convert_element_type3A_888 = arith.extui %ge3A_878 : vector<16xi1> to vector<16xi32>
      %add3A_889 = arith.addi %add3A_869, %convert_element_type3A_888 : vector<16xi32>
      %get3A_890 = arith.constant 1 : i32
      %get3A_891 = arith.constant 0 : i32
      %get3A_892 = tpu.memref_slice %arg7[%get3A_890, %get3A_891] : memref<2x512xi32, #tpu.memory_space<vmem>> -> memref<1x512xi32, #tpu.memory_space<vmem>>
      %get3A_893 = tpu.memref_squeeze %get3A_892 : memref<1x512xi32, #tpu.memory_space<vmem>> -> memref<512xi32, #tpu.memory_space<vmem>>
      %get3A_894 = arith.constant 64 : index
      %get3A_895 = tpu.vector_load %get3A_893[%get3A_894] {strides = array<i32>} : memref<512xi32, #tpu.memory_space<vmem>>, vector<16xi32>,
      %ge3A_896 = arith.constant 100000 : i32
      %ge3A_897 = vector.broadcast %ge3A_896 : i32 to vector<16xi32>
      %ge3A_898 = arith.cmpi sge, %get3A_895, %ge3A_897 : vector<16xi32>
      %jit3A_899 = arith.constant 0 : i32
      %broadcast_in_dim3A_900 = vector.broadcast %jit3A_899 : i32 to vector<16xi32>
      %select_n3A_901 = arith.select %ge3A_898, %broadcast_in_dim3A_900, %get3A_895 : vector<16xi1>, vector<16xi32>
      %swap3A_902 = arith.constant 1 : i32
      %swap3A_903 = arith.constant 0 : i32
      %swap3A_904 = tpu.memref_slice %arg8[%swap3A_902, %swap3A_903] : memref<2x512xi32, #tpu.memory_space<vmem>> -> memref<1x512xi32, #tpu.memory_space<vmem>>
      %swap3A_905 = tpu.memref_squeeze %swap3A_904 : memref<1x512xi32, #tpu.memory_space<vmem>> -> memref<512xi32, #tpu.memory_space<vmem>>
      %swap3A_906 = arith.constant 64 : index
      %swap3A_907 = tpu.vector_load %swap3A_905[%swap3A_906] {strides = array<i32>} : memref<512xi32, #tpu.memory_space<vmem>>, vector<16xi32>,
      tpu.vector_store %swap3A_905[%swap3A_906], %select_n3A_901 {strides = array<i32>} : memref<512xi32, #tpu.memory_space<vmem>>, vector<16xi32>,
      %convert_element_type3A_908 = arith.extui %ge3A_898 : vector<16xi1> to vector<16xi32>
      %add3A_909 = arith.addi %add3A_889, %convert_element_type3A_908 : vector<16xi32>
      %get3A_910 = arith.constant 1 : i32
      %get3A_911 = arith.constant 0 : i32
      %get3A_912 = tpu.memref_slice %arg7[%get3A_910, %get3A_911] : memref<2x512xi32, #tpu.memory_space<vmem>> -> memref<1x512xi32, #tpu.memory_space<vmem>>
      %get3A_913 = tpu.memref_squeeze %get3A_912 : memref<1x512xi32, #tpu.memory_space<vmem>> -> memref<512xi32, #tpu.memory_space<vmem>>
      %get3A_914 = arith.constant 80 : index
      %get3A_915 = tpu.vector_load %get3A_913[%get3A_914] {strides = array<i32>} : memref<512xi32, #tpu.memory_space<vmem>>, vector<16xi32>,
      %ge3A_916 = arith.constant 100000 : i32
      %ge3A_917 = vector.broadcast %ge3A_916 : i32 to vector<16xi32>
      %ge3A_918 = arith.cmpi sge, %get3A_915, %ge3A_917 : vector<16xi32>
      %jit3A_919 = arith.constant 0 : i32
      %broadcast_in_dim3A_920 = vector.broadcast %jit3A_919 : i32 to vector<16xi32>
      %select_n3A_921 = arith.select %ge3A_918, %broadcast_in_dim3A_920, %get3A_915 : vector<16xi1>, vector<16xi32>
      %swap3A_922 = arith.constant 1 : i32
      %swap3A_923 = arith.constant 0 : i32
      %swap3A_924 = tpu.memref_slice %arg8[%swap3A_922, %swap3A_923] : memref<2x512xi32, #tpu.memory_space<vmem>> -> memref<1x512xi32, #tpu.memory_space<vmem>>
      %swap3A_925 = tpu.memref_squeeze %swap3A_924 : memref<1x512xi32, #tpu.memory_space<vmem>> -> memref<512xi32, #tpu.memory_space<vmem>>
      %swap3A_926 = arith.constant 80 : index
      %swap3A_927 = tpu.vector_load %swap3A_925[%swap3A_926] {strides = array<i32>} : memref<512xi32, #tpu.memory_space<vmem>>, vector<16xi32>,
      tpu.vector_store %swap3A_925[%swap3A_926], %select_n3A_921 {strides = array<i32>} : memref<512xi32, #tpu.memory_space<vmem>>, vector<16xi32>,
      %convert_element_type3A_928 = arith.extui %ge3A_918 : vector<16xi1> to vector<16xi32>
      %add3A_929 = arith.addi %add3A_909, %convert_element_type3A_928 : vector<16xi32>
      %get3A_930 = arith.constant 1 : i32
      %get3A_931 = arith.constant 0 : i32
      %get3A_932 = tpu.memref_slice %arg7[%get3A_930, %get3A_931] : memref<2x512xi32, #tpu.memory_space<vmem>> -> memref<1x512xi32, #tpu.memory_space<vmem>>
      %get3A_933 = tpu.memref_squeeze %get3A_932 : memref<1x512xi32, #tpu.memory_space<vmem>> -> memref<512xi32, #tpu.memory_space<vmem>>
      %get3A_934 = arith.constant 96 : index
      %get3A_935 = tpu.vector_load %get3A_933[%get3A_934] {strides = array<i32>} : memref<512xi32, #tpu.memory_space<vmem>>, vector<16xi32>,
      %ge3A_936 = arith.constant 100000 : i32
      %ge3A_937 = vector.broadcast %ge3A_936 : i32 to vector<16xi32>
      %ge3A_938 = arith.cmpi sge, %get3A_935, %ge3A_937 : vector<16xi32>
      %jit3A_939 = arith.constant 0 : i32
      %broadcast_in_dim3A_940 = vector.broadcast %jit3A_939 : i32 to vector<16xi32>
      %select_n3A_941 = arith.select %ge3A_938, %broadcast_in_dim3A_940, %get3A_935 : vector<16xi1>, vector<16xi32>
      %swap3A_942 = arith.constant 1 : i32
      %swap3A_943 = arith.constant 0 : i32
      %swap3A_944 = tpu.memref_slice %arg8[%swap3A_942, %swap3A_943] : memref<2x512xi32, #tpu.memory_space<vmem>> -> memref<1x512xi32, #tpu.memory_space<vmem>>
      %swap3A_945 = tpu.memref_squeeze %swap3A_944 : memref<1x512xi32, #tpu.memory_space<vmem>> -> memref<512xi32, #tpu.memory_space<vmem>>
      %swap3A_946 = arith.constant 96 : index
      %swap3A_947 = tpu.vector_load %swap3A_945[%swap3A_946] {strides = array<i32>} : memref<512xi32, #tpu.memory_space<vmem>>, vector<16xi32>,
      tpu.vector_store %swap3A_945[%swap3A_946], %select_n3A_941 {strides = array<i32>} : memref<512xi32, #tpu.memory_space<vmem>>, vector<16xi32>,
      %convert_element_type3A_948 = arith.extui %ge3A_938 : vector<16xi1> to vector<16xi32>
      %add3A_949 = arith.addi %add3A_929, %convert_element_type3A_948 : vector<16xi32>
      %get3A_950 = arith.constant 1 : i32
      %get3A_951 = arith.constant 0 : i32
      %get3A_952 = tpu.memref_slice %arg7[%get3A_950, %get3A_951] : memref<2x512xi32, #tpu.memory_space<vmem>> -> memref<1x512xi32, #tpu.memory_space<vmem>>
      %get3A_953 = tpu.memref_squeeze %get3A_952 : memref<1x512xi32, #tpu.memory_space<vmem>> -> memref<512xi32, #tpu.memory_space<vmem>>
      %get3A_954 = arith.constant 112 : index
      %get3A_955 = tpu.vector_load %get3A_953[%get3A_954] {strides = array<i32>} : memref<512xi32, #tpu.memory_space<vmem>>, vector<16xi32>,
      %ge3A_956 = arith.constant 100000 : i32
      %ge3A_957 = vector.broadcast %ge3A_956 : i32 to vector<16xi32>
      %ge3A_958 = arith.cmpi sge, %get3A_955, %ge3A_957 : vector<16xi32>
      %jit3A_959 = arith.constant 0 : i32
      %broadcast_in_dim3A_960 = vector.broadcast %jit3A_959 : i32 to vector<16xi32>
      %select_n3A_961 = arith.select %ge3A_958, %broadcast_in_dim3A_960, %get3A_955 : vector<16xi1>, vector<16xi32>
      %swap3A_962 = arith.constant 1 : i32
      %swap3A_963 = arith.constant 0 : i32
      %swap3A_964 = tpu.memref_slice %arg8[%swap3A_962, %swap3A_963] : memref<2x512xi32, #tpu.memory_space<vmem>> -> memref<1x512xi32, #tpu.memory_space<vmem>>
      %swap3A_965 = tpu.memref_squeeze %swap3A_964 : memref<1x512xi32, #tpu.memory_space<vmem>> -> memref<512xi32, #tpu.memory_space<vmem>>
      %swap3A_966 = arith.constant 112 : index
      %swap3A_967 = tpu.vector_load %swap3A_965[%swap3A_966] {strides = array<i32>} : memref<512xi32, #tpu.memory_space<vmem>>, vector<16xi32>,
      tpu.vector_store %swap3A_965[%swap3A_966], %select_n3A_961 {strides = array<i32>} : memref<512xi32, #tpu.memory_space<vmem>>, vector<16xi32>,
      %convert_element_type3A_968 = arith.extui %ge3A_958 : vector<16xi1> to vector<16xi32>
      %add3A_969 = arith.addi %add3A_949, %convert_element_type3A_968 : vector<16xi32>
      %get3A_970 = arith.constant 1 : i32
      %get3A_971 = arith.constant 0 : i32
      %get3A_972 = tpu.memref_slice %arg7[%get3A_970, %get3A_971] : memref<2x512xi32, #tpu.memory_space<vmem>> -> memref<1x512xi32, #tpu.memory_space<vmem>>
      %get3A_973 = tpu.memref_squeeze %get3A_972 : memref<1x512xi32, #tpu.memory_space<vmem>> -> memref<512xi32, #tpu.memory_space<vmem>>
      %get3A_974 = arith.constant 128 : index
      %get3A_975 = tpu.vector_load %get3A_973[%get3A_974] {strides = array<i32>} : memref<512xi32, #tpu.memory_space<vmem>>, vector<16xi32>,
      %ge3A_976 = arith.constant 100000 : i32
      %ge3A_977 = vector.broadcast %ge3A_976 : i32 to vector<16xi32>
      %ge3A_978 = arith.cmpi sge, %get3A_975, %ge3A_977 : vector<16xi32>
      %jit3A_979 = arith.constant 0 : i32
      %broadcast_in_dim3A_980 = vector.broadcast %jit3A_979 : i32 to vector<16xi32>
      %select_n3A_981 = arith.select %ge3A_978, %broadcast_in_dim3A_980, %get3A_975 : vector<16xi1>, vector<16xi32>
      %swap3A_982 = arith.constant 1 : i32
      %swap3A_983 = arith.constant 0 : i32
      %swap3A_984 = tpu.memref_slice %arg8[%swap3A_982, %swap3A_983] : memref<2x512xi32, #tpu.memory_space<vmem>> -> memref<1x512xi32, #tpu.memory_space<vmem>>
      %swap3A_985 = tpu.memref_squeeze %swap3A_984 : memref<1x512xi32, #tpu.memory_space<vmem>> -> memref<512xi32, #tpu.memory_space<vmem>>
      %swap3A_986 = arith.constant 128 : index
      %swap3A_987 = tpu.vector_load %swap3A_985[%swap3A_986] {strides = array<i32>} : memref<512xi32, #tpu.memory_space<vmem>>, vector<16xi32>,
      tpu.vector_store %swap3A_985[%swap3A_986], %select_n3A_981 {strides = array<i32>} : memref<512xi32, #tpu.memory_space<vmem>>, vector<16xi32>,
      %convert_element_type3A_988 = arith.extui %ge3A_978 : vector<16xi1> to vector<16xi32>
      %add3A_989 = arith.addi %add3A_969, %convert_element_type3A_988 : vector<16xi32>
      %get3A_990 = arith.constant 1 : i32
      %get3A_991 = arith.constant 0 : i32
      %get3A_992 = tpu.memref_slice %arg7[%get3A_990, %get3A_991] : memref<2x512xi32, #tpu.memory_space<vmem>> -> memref<1x512xi32, #tpu.memory_space<vmem>>
      %get3A_993 = tpu.memref_squeeze %get3A_992 : memref<1x512xi32, #tpu.memory_space<vmem>> -> memref<512xi32, #tpu.memory_space<vmem>>
      %get3A_994 = arith.constant 144 : index
      %get3A_995 = tpu.vector_load %get3A_993[%get3A_994] {strides = array<i32>} : memref<512xi32, #tpu.memory_space<vmem>>, vector<16xi32>,
      %ge3A_996 = arith.constant 100000 : i32
      %ge3A_997 = vector.broadcast %ge3A_996 : i32 to vector<16xi32>
      %ge3A_998 = arith.cmpi sge, %get3A_995, %ge3A_997 : vector<16xi32>
      %jit3A_999 = arith.constant 0 : i32
      %broadcast_in_dim3A_1000 = vector.broadcast %jit3A_999 : i32 to vector<16xi32>
      %select_n3A_1001 = arith.select %ge3A_998, %broadcast_in_dim3A_1000, %get3A_995 : vector<16xi1>, vector<16xi32>
      %swap3A_1002 = arith.constant 1 : i32
      %swap3A_1003 = arith.constant 0 : i32
      %swap3A_1004 = tpu.memref_slice %arg8[%swap3A_1002, %swap3A_1003] : memref<2x512xi32, #tpu.memory_space<vmem>> -> memref<1x512xi32, #tpu.memory_space<vmem>>
      %swap3A_1005 = tpu.memref_squeeze %swap3A_1004 : memref<1x512xi32, #tpu.memory_space<vmem>> -> memref<512xi32, #tpu.memory_space<vmem>>
      %swap3A_1006 = arith.constant 144 : index
      %swap3A_1007 = tpu.vector_load %swap3A_1005[%swap3A_1006] {strides = array<i32>} : memref<512xi32, #tpu.memory_space<vmem>>, vector<16xi32>,
      tpu.vector_store %swap3A_1005[%swap3A_1006], %select_n3A_1001 {strides = array<i32>} : memref<512xi32, #tpu.memory_space<vmem>>, vector<16xi32>,
      %convert_element_type3A_1008 = arith.extui %ge3A_998 : vector<16xi1> to vector<16xi32>
      %add3A_1009 = arith.addi %add3A_989, %convert_element_type3A_1008 : vector<16xi32>
      %get3A_1010 = arith.constant 1 : i32
      %get3A_1011 = arith.constant 0 : i32
      %get3A_1012 = tpu.memref_slice %arg7[%get3A_1010, %get3A_1011] : memref<2x512xi32, #tpu.memory_space<vmem>> -> memref<1x512xi32, #tpu.memory_space<vmem>>
      %get3A_1013 = tpu.memref_squeeze %get3A_1012 : memref<1x512xi32, #tpu.memory_space<vmem>> -> memref<512xi32, #tpu.memory_space<vmem>>
      %get3A_1014 = arith.constant 160 : index
      %get3A_1015 = tpu.vector_load %get3A_1013[%get3A_1014] {strides = array<i32>} : memref<512xi32, #tpu.memory_space<vmem>>, vector<16xi32>,
      %ge3A_1016 = arith.constant 100000 : i32
      %ge3A_1017 = vector.broadcast %ge3A_1016 : i32 to vector<16xi32>
      %ge3A_1018 = arith.cmpi sge, %get3A_1015, %ge3A_1017 : vector<16xi32>
      %jit3A_1019 = arith.constant 0 : i32
      %broadcast_in_dim3A_1020 = vector.broadcast %jit3A_1019 : i32 to vector<16xi32>
      %select_n3A_1021 = arith.select %ge3A_1018, %broadcast_in_dim3A_1020, %get3A_1015 : vector<16xi1>, vector<16xi32>
      %swap3A_1022 = arith.constant 1 : i32
      %swap3A_1023 = arith.constant 0 : i32
      %swap3A_1024 = tpu.memref_slice %arg8[%swap3A_1022, %swap3A_1023] : memref<2x512xi32, #tpu.memory_space<vmem>> -> memref<1x512xi32, #tpu.memory_space<vmem>>
      %swap3A_1025 = tpu.memref_squeeze %swap3A_1024 : memref<1x512xi32, #tpu.memory_space<vmem>> -> memref<512xi32, #tpu.memory_space<vmem>>
      %swap3A_1026 = arith.constant 160 : index
      %swap3A_1027 = tpu.vector_load %swap3A_1025[%swap3A_1026] {strides = array<i32>} : memref<512xi32, #tpu.memory_space<vmem>>, vector<16xi32>,
      tpu.vector_store %swap3A_1025[%swap3A_1026], %select_n3A_1021 {strides = array<i32>} : memref<512xi32, #tpu.memory_space<vmem>>, vector<16xi32>,
      %convert_element_type3A_1028 = arith.extui %ge3A_1018 : vector<16xi1> to vector<16xi32>
      %add3A_1029 = arith.addi %add3A_1009, %convert_element_type3A_1028 : vector<16xi32>
      %get3A_1030 = arith.constant 1 : i32
      %get3A_1031 = arith.constant 0 : i32
      %get3A_1032 = tpu.memref_slice %arg7[%get3A_1030, %get3A_1031] : memref<2x512xi32, #tpu.memory_space<vmem>> -> memref<1x512xi32, #tpu.memory_space<vmem>>
      %get3A_1033 = tpu.memref_squeeze %get3A_1032 : memref<1x512xi32, #tpu.memory_space<vmem>> -> memref<512xi32, #tpu.memory_space<vmem>>
      %get3A_1034 = arith.constant 176 : index
      %get3A_1035 = tpu.vector_load %get3A_1033[%get3A_1034] {strides = array<i32>} : memref<512xi32, #tpu.memory_space<vmem>>, vector<16xi32>,
      %ge3A_1036 = arith.constant 100000 : i32
      %ge3A_1037 = vector.broadcast %ge3A_1036 : i32 to vector<16xi32>
      %ge3A_1038 = arith.cmpi sge, %get3A_1035, %ge3A_1037 : vector<16xi32>
      %jit3A_1039 = arith.constant 0 : i32
      %broadcast_in_dim3A_1040 = vector.broadcast %jit3A_1039 : i32 to vector<16xi32>
      %select_n3A_1041 = arith.select %ge3A_1038, %broadcast_in_dim3A_1040, %get3A_1035 : vector<16xi1>, vector<16xi32>
      %swap3A_1042 = arith.constant 1 : i32
      %swap3A_1043 = arith.constant 0 : i32
      %swap3A_1044 = tpu.memref_slice %arg8[%swap3A_1042, %swap3A_1043] : memref<2x512xi32, #tpu.memory_space<vmem>> -> memref<1x512xi32, #tpu.memory_space<vmem>>
      %swap3A_1045 = tpu.memref_squeeze %swap3A_1044 : memref<1x512xi32, #tpu.memory_space<vmem>> -> memref<512xi32, #tpu.memory_space<vmem>>
      %swap3A_1046 = arith.constant 176 : index
      %swap3A_1047 = tpu.vector_load %swap3A_1045[%swap3A_1046] {strides = array<i32>} : memref<512xi32, #tpu.memory_space<vmem>>, vector<16xi32>,
      tpu.vector_store %swap3A_1045[%swap3A_1046], %select_n3A_1041 {strides = array<i32>} : memref<512xi32, #tpu.memory_space<vmem>>, vector<16xi32>,
      %convert_element_type3A_1048 = arith.extui %ge3A_1038 : vector<16xi1> to vector<16xi32>
      %add3A_1049 = arith.addi %add3A_1029, %convert_element_type3A_1048 : vector<16xi32>
      %get3A_1050 = arith.constant 1 : i32
      %get3A_1051 = arith.constant 0 : i32
      %get3A_1052 = tpu.memref_slice %arg7[%get3A_1050, %get3A_1051] : memref<2x512xi32, #tpu.memory_space<vmem>> -> memref<1x512xi32, #tpu.memory_space<vmem>>
      %get3A_1053 = tpu.memref_squeeze %get3A_1052 : memref<1x512xi32, #tpu.memory_space<vmem>> -> memref<512xi32, #tpu.memory_space<vmem>>
      %get3A_1054 = arith.constant 192 : index
      %get3A_1055 = tpu.vector_load %get3A_1053[%get3A_1054] {strides = array<i32>} : memref<512xi32, #tpu.memory_space<vmem>>, vector<16xi32>,
      %ge3A_1056 = arith.constant 100000 : i32
      %ge3A_1057 = vector.broadcast %ge3A_1056 : i32 to vector<16xi32>
      %ge3A_1058 = arith.cmpi sge, %get3A_1055, %ge3A_1057 : vector<16xi32>
      %jit3A_1059 = arith.constant 0 : i32
      %broadcast_in_dim3A_1060 = vector.broadcast %jit3A_1059 : i32 to vector<16xi32>
      %select_n3A_1061 = arith.select %ge3A_1058, %broadcast_in_dim3A_1060, %get3A_1055 : vector<16xi1>, vector<16xi32>
      %swap3A_1062 = arith.constant 1 : i32
      %swap3A_1063 = arith.constant 0 : i32
      %swap3A_1064 = tpu.memref_slice %arg8[%swap3A_1062, %swap3A_1063] : memref<2x512xi32, #tpu.memory_space<vmem>> -> memref<1x512xi32, #tpu.memory_space<vmem>>
      %swap3A_1065 = tpu.memref_squeeze %swap3A_1064 : memref<1x512xi32, #tpu.memory_space<vmem>> -> memref<512xi32, #tpu.memory_space<vmem>>
      %swap3A_1066 = arith.constant 192 : index
      %swap3A_1067 = tpu.vector_load %swap3A_1065[%swap3A_1066] {strides = array<i32>} : memref<512xi32, #tpu.memory_space<vmem>>, vector<16xi32>,
      tpu.vector_store %swap3A_1065[%swap3A_1066], %select_n3A_1061 {strides = array<i32>} : memref<512xi32, #tpu.memory_space<vmem>>, vector<16xi32>,
      %convert_element_type3A_1068 = arith.extui %ge3A_1058 : vector<16xi1> to vector<16xi32>
      %add3A_1069 = arith.addi %add3A_1049, %convert_element_type3A_1068 : vector<16xi32>
      %get3A_1070 = arith.constant 1 : i32
      %get3A_1071 = arith.constant 0 : i32
      %get3A_1072 = tpu.memref_slice %arg7[%get3A_1070, %get3A_1071] : memref<2x512xi32, #tpu.memory_space<vmem>> -> memref<1x512xi32, #tpu.memory_space<vmem>>
      %get3A_1073 = tpu.memref_squeeze %get3A_1072 : memref<1x512xi32, #tpu.memory_space<vmem>> -> memref<512xi32, #tpu.memory_space<vmem>>
      %get3A_1074 = arith.constant 208 : index
      %get3A_1075 = tpu.vector_load %get3A_1073[%get3A_1074] {strides = array<i32>} : memref<512xi32, #tpu.memory_space<vmem>>, vector<16xi32>,
      %ge3A_1076 = arith.constant 100000 : i32
      %ge3A_1077 = vector.broadcast %ge3A_1076 : i32 to vector<16xi32>
      %ge3A_1078 = arith.cmpi sge, %get3A_1075, %ge3A_1077 : vector<16xi32>
      %jit3A_1079 = arith.constant 0 : i32
      %broadcast_in_dim3A_1080 = vector.broadcast %jit3A_1079 : i32 to vector<16xi32>
      %select_n3A_1081 = arith.select %ge3A_1078, %broadcast_in_dim3A_1080, %get3A_1075 : vector<16xi1>, vector<16xi32>
      %swap3A_1082 = arith.constant 1 : i32
      %swap3A_1083 = arith.constant 0 : i32
      %swap3A_1084 = tpu.memref_slice %arg8[%swap3A_1082, %swap3A_1083] : memref<2x512xi32, #tpu.memory_space<vmem>> -> memref<1x512xi32, #tpu.memory_space<vmem>>
      %swap3A_1085 = tpu.memref_squeeze %swap3A_1084 : memref<1x512xi32, #tpu.memory_space<vmem>> -> memref<512xi32, #tpu.memory_space<vmem>>
      %swap3A_1086 = arith.constant 208 : index
      %swap3A_1087 = tpu.vector_load %swap3A_1085[%swap3A_1086] {strides = array<i32>} : memref<512xi32, #tpu.memory_space<vmem>>, vector<16xi32>,
      tpu.vector_store %swap3A_1085[%swap3A_1086], %select_n3A_1081 {strides = array<i32>} : memref<512xi32, #tpu.memory_space<vmem>>, vector<16xi32>,
      %convert_element_type3A_1088 = arith.extui %ge3A_1078 : vector<16xi1> to vector<16xi32>
      %add3A_1089 = arith.addi %add3A_1069, %convert_element_type3A_1088 : vector<16xi32>
      %get3A_1090 = arith.constant 1 : i32
      %get3A_1091 = arith.constant 0 : i32
      %get3A_1092 = tpu.memref_slice %arg7[%get3A_1090, %get3A_1091] : memref<2x512xi32, #tpu.memory_space<vmem>> -> memref<1x512xi32, #tpu.memory_space<vmem>>
      %get3A_1093 = tpu.memref_squeeze %get3A_1092 : memref<1x512xi32, #tpu.memory_space<vmem>> -> memref<512xi32, #tpu.memory_space<vmem>>
      %get3A_1094 = arith.constant 224 : index
      %get3A_1095 = tpu.vector_load %get3A_1093[%get3A_1094] {strides = array<i32>} : memref<512xi32, #tpu.memory_space<vmem>>, vector<16xi32>,
      %ge3A_1096 = arith.constant 100000 : i32
      %ge3A_1097 = vector.broadcast %ge3A_1096 : i32 to vector<16xi32>
      %ge3A_1098 = arith.cmpi sge, %get3A_1095, %ge3A_1097 : vector<16xi32>
      %jit3A_1099 = arith.constant 0 : i32
      %broadcast_in_dim3A_1100 = vector.broadcast %jit3A_1099 : i32 to vector<16xi32>
      %select_n3A_1101 = arith.select %ge3A_1098, %broadcast_in_dim3A_1100, %get3A_1095 : vector<16xi1>, vector<16xi32>
      %swap3A_1102 = arith.constant 1 : i32
      %swap3A_1103 = arith.constant 0 : i32
      %swap3A_1104 = tpu.memref_slice %arg8[%swap3A_1102, %swap3A_1103] : memref<2x512xi32, #tpu.memory_space<vmem>> -> memref<1x512xi32, #tpu.memory_space<vmem>>
      %swap3A_1105 = tpu.memref_squeeze %swap3A_1104 : memref<1x512xi32, #tpu.memory_space<vmem>> -> memref<512xi32, #tpu.memory_space<vmem>>
      %swap3A_1106 = arith.constant 224 : index
      %swap3A_1107 = tpu.vector_load %swap3A_1105[%swap3A_1106] {strides = array<i32>} : memref<512xi32, #tpu.memory_space<vmem>>, vector<16xi32>,
      tpu.vector_store %swap3A_1105[%swap3A_1106], %select_n3A_1101 {strides = array<i32>} : memref<512xi32, #tpu.memory_space<vmem>>, vector<16xi32>,
      %convert_element_type3A_1108 = arith.extui %ge3A_1098 : vector<16xi1> to vector<16xi32>
      %add3A_1109 = arith.addi %add3A_1089, %convert_element_type3A_1108 : vector<16xi32>
      %get3A_1110 = arith.constant 1 : i32
      %get3A_1111 = arith.constant 0 : i32
      %get3A_1112 = tpu.memref_slice %arg7[%get3A_1110, %get3A_1111] : memref<2x512xi32, #tpu.memory_space<vmem>> -> memref<1x512xi32, #tpu.memory_space<vmem>>
      %get3A_1113 = tpu.memref_squeeze %get3A_1112 : memref<1x512xi32, #tpu.memory_space<vmem>> -> memref<512xi32, #tpu.memory_space<vmem>>
      %get3A_1114 = arith.constant 240 : index
      %get3A_1115 = tpu.vector_load %get3A_1113[%get3A_1114] {strides = array<i32>} : memref<512xi32, #tpu.memory_space<vmem>>, vector<16xi32>,
      %ge3A_1116 = arith.constant 100000 : i32
      %ge3A_1117 = vector.broadcast %ge3A_1116 : i32 to vector<16xi32>
      %ge3A_1118 = arith.cmpi sge, %get3A_1115, %ge3A_1117 : vector<16xi32>
      %jit3A_1119 = arith.constant 0 : i32
      %broadcast_in_dim3A_1120 = vector.broadcast %jit3A_1119 : i32 to vector<16xi32>
      %select_n3A_1121 = arith.select %ge3A_1118, %broadcast_in_dim3A_1120, %get3A_1115 : vector<16xi1>, vector<16xi32>
      %swap3A_1122 = arith.constant 1 : i32
      %swap3A_1123 = arith.constant 0 : i32
      %swap3A_1124 = tpu.memref_slice %arg8[%swap3A_1122, %swap3A_1123] : memref<2x512xi32, #tpu.memory_space<vmem>> -> memref<1x512xi32, #tpu.memory_space<vmem>>
      %swap3A_1125 = tpu.memref_squeeze %swap3A_1124 : memref<1x512xi32, #tpu.memory_space<vmem>> -> memref<512xi32, #tpu.memory_space<vmem>>
      %swap3A_1126 = arith.constant 240 : index
      %swap3A_1127 = tpu.vector_load %swap3A_1125[%swap3A_1126] {strides = array<i32>} : memref<512xi32, #tpu.memory_space<vmem>>, vector<16xi32>,
      tpu.vector_store %swap3A_1125[%swap3A_1126], %select_n3A_1121 {strides = array<i32>} : memref<512xi32, #tpu.memory_space<vmem>>, vector<16xi32>,
      %convert_element_type3A_1128 = arith.extui %ge3A_1118 : vector<16xi1> to vector<16xi32>
      %add3A_1129 = arith.addi %add3A_1109, %convert_element_type3A_1128 : vector<16xi32>
      %get3A_1130 = arith.constant 1 : i32
      %get3A_1131 = arith.constant 0 : i32
      %get3A_1132 = tpu.memref_slice %arg7[%get3A_1130, %get3A_1131] : memref<2x512xi32, #tpu.memory_space<vmem>> -> memref<1x512xi32, #tpu.memory_space<vmem>>
      %get3A_1133 = tpu.memref_squeeze %get3A_1132 : memref<1x512xi32, #tpu.memory_space<vmem>> -> memref<512xi32, #tpu.memory_space<vmem>>
      %get3A_1134 = arith.constant 256 : index
      %get3A_1135 = tpu.vector_load %get3A_1133[%get3A_1134] {strides = array<i32>} : memref<512xi32, #tpu.memory_space<vmem>>, vector<16xi32>,
      %ge3A_1136 = arith.constant 100000 : i32
      %ge3A_1137 = vector.broadcast %ge3A_1136 : i32 to vector<16xi32>
      %ge3A_1138 = arith.cmpi sge, %get3A_1135, %ge3A_1137 : vector<16xi32>
      %jit3A_1139 = arith.constant 0 : i32
      %broadcast_in_dim3A_1140 = vector.broadcast %jit3A_1139 : i32 to vector<16xi32>
      %select_n3A_1141 = arith.select %ge3A_1138, %broadcast_in_dim3A_1140, %get3A_1135 : vector<16xi1>, vector<16xi32>
      %swap3A_1142 = arith.constant 1 : i32
      %swap3A_1143 = arith.constant 0 : i32
      %swap3A_1144 = tpu.memref_slice %arg8[%swap3A_1142, %swap3A_1143] : memref<2x512xi32, #tpu.memory_space<vmem>> -> memref<1x512xi32, #tpu.memory_space<vmem>>
      %swap3A_1145 = tpu.memref_squeeze %swap3A_1144 : memref<1x512xi32, #tpu.memory_space<vmem>> -> memref<512xi32, #tpu.memory_space<vmem>>
      %swap3A_1146 = arith.constant 256 : index
      %swap3A_1147 = tpu.vector_load %swap3A_1145[%swap3A_1146] {strides = array<i32>} : memref<512xi32, #tpu.memory_space<vmem>>, vector<16xi32>,
      tpu.vector_store %swap3A_1145[%swap3A_1146], %select_n3A_1141 {strides = array<i32>} : memref<512xi32, #tpu.memory_space<vmem>>, vector<16xi32>,
      %convert_element_type3A_1148 = arith.extui %ge3A_1138 : vector<16xi1> to vector<16xi32>
      %add3A_1149 = arith.addi %add3A_1129, %convert_element_type3A_1148 : vector<16xi32>
      %get3A_1150 = arith.constant 1 : i32
      %get3A_1151 = arith.constant 0 : i32
      %get3A_1152 = tpu.memref_slice %arg7[%get3A_1150, %get3A_1151] : memref<2x512xi32, #tpu.memory_space<vmem>> -> memref<1x512xi32, #tpu.memory_space<vmem>>
      %get3A_1153 = tpu.memref_squeeze %get3A_1152 : memref<1x512xi32, #tpu.memory_space<vmem>> -> memref<512xi32, #tpu.memory_space<vmem>>
      %get3A_1154 = arith.constant 272 : index
      %get3A_1155 = tpu.vector_load %get3A_1153[%get3A_1154] {strides = array<i32>} : memref<512xi32, #tpu.memory_space<vmem>>, vector<16xi32>,
      %ge3A_1156 = arith.constant 100000 : i32
      %ge3A_1157 = vector.broadcast %ge3A_1156 : i32 to vector<16xi32>
      %ge3A_1158 = arith.cmpi sge, %get3A_1155, %ge3A_1157 : vector<16xi32>
      %jit3A_1159 = arith.constant 0 : i32
      %broadcast_in_dim3A_1160 = vector.broadcast %jit3A_1159 : i32 to vector<16xi32>
      %select_n3A_1161 = arith.select %ge3A_1158, %broadcast_in_dim3A_1160, %get3A_1155 : vector<16xi1>, vector<16xi32>
      %swap3A_1162 = arith.constant 1 : i32
      %swap3A_1163 = arith.constant 0 : i32
      %swap3A_1164 = tpu.memref_slice %arg8[%swap3A_1162, %swap3A_1163] : memref<2x512xi32, #tpu.memory_space<vmem>> -> memref<1x512xi32, #tpu.memory_space<vmem>>
      %swap3A_1165 = tpu.memref_squeeze %swap3A_1164 : memref<1x512xi32, #tpu.memory_space<vmem>> -> memref<512xi32, #tpu.memory_space<vmem>>
      %swap3A_1166 = arith.constant 272 : index
      %swap3A_1167 = tpu.vector_load %swap3A_1165[%swap3A_1166] {strides = array<i32>} : memref<512xi32, #tpu.memory_space<vmem>>, vector<16xi32>,
      tpu.vector_store %swap3A_1165[%swap3A_1166], %select_n3A_1161 {strides = array<i32>} : memref<512xi32, #tpu.memory_space<vmem>>, vector<16xi32>,
      %convert_element_type3A_1168 = arith.extui %ge3A_1158 : vector<16xi1> to vector<16xi32>
      %add3A_1169 = arith.addi %add3A_1149, %convert_element_type3A_1168 : vector<16xi32>
      %get3A_1170 = arith.constant 1 : i32
      %get3A_1171 = arith.constant 0 : i32
      %get3A_1172 = tpu.memref_slice %arg7[%get3A_1170, %get3A_1171] : memref<2x512xi32, #tpu.memory_space<vmem>> -> memref<1x512xi32, #tpu.memory_space<vmem>>
      %get3A_1173 = tpu.memref_squeeze %get3A_1172 : memref<1x512xi32, #tpu.memory_space<vmem>> -> memref<512xi32, #tpu.memory_space<vmem>>
      %get3A_1174 = arith.constant 288 : index
      %get3A_1175 = tpu.vector_load %get3A_1173[%get3A_1174] {strides = array<i32>} : memref<512xi32, #tpu.memory_space<vmem>>, vector<16xi32>,
      %ge3A_1176 = arith.constant 100000 : i32
      %ge3A_1177 = vector.broadcast %ge3A_1176 : i32 to vector<16xi32>
      %ge3A_1178 = arith.cmpi sge, %get3A_1175, %ge3A_1177 : vector<16xi32>
      %jit3A_1179 = arith.constant 0 : i32
      %broadcast_in_dim3A_1180 = vector.broadcast %jit3A_1179 : i32 to vector<16xi32>
      %select_n3A_1181 = arith.select %ge3A_1178, %broadcast_in_dim3A_1180, %get3A_1175 : vector<16xi1>, vector<16xi32>
      %swap3A_1182 = arith.constant 1 : i32
      %swap3A_1183 = arith.constant 0 : i32
      %swap3A_1184 = tpu.memref_slice %arg8[%swap3A_1182, %swap3A_1183] : memref<2x512xi32, #tpu.memory_space<vmem>> -> memref<1x512xi32, #tpu.memory_space<vmem>>
      %swap3A_1185 = tpu.memref_squeeze %swap3A_1184 : memref<1x512xi32, #tpu.memory_space<vmem>> -> memref<512xi32, #tpu.memory_space<vmem>>
      %swap3A_1186 = arith.constant 288 : index
      %swap3A_1187 = tpu.vector_load %swap3A_1185[%swap3A_1186] {strides = array<i32>} : memref<512xi32, #tpu.memory_space<vmem>>, vector<16xi32>,
      tpu.vector_store %swap3A_1185[%swap3A_1186], %select_n3A_1181 {strides = array<i32>} : memref<512xi32, #tpu.memory_space<vmem>>, vector<16xi32>,
      %convert_element_type3A_1188 = arith.extui %ge3A_1178 : vector<16xi1> to vector<16xi32>
      %add3A_1189 = arith.addi %add3A_1169, %convert_element_type3A_1188 : vector<16xi32>
      %get3A_1190 = arith.constant 1 : i32
      %get3A_1191 = arith.constant 0 : i32
      %get3A_1192 = tpu.memref_slice %arg7[%get3A_1190, %get3A_1191] : memref<2x512xi32, #tpu.memory_space<vmem>> -> memref<1x512xi32, #tpu.memory_space<vmem>>
      %get3A_1193 = tpu.memref_squeeze %get3A_1192 : memref<1x512xi32, #tpu.memory_space<vmem>> -> memref<512xi32, #tpu.memory_space<vmem>>
      %get3A_1194 = arith.constant 304 : index
      %get3A_1195 = tpu.vector_load %get3A_1193[%get3A_1194] {strides = array<i32>} : memref<512xi32, #tpu.memory_space<vmem>>, vector<16xi32>,
      %ge3A_1196 = arith.constant 100000 : i32
      %ge3A_1197 = vector.broadcast %ge3A_1196 : i32 to vector<16xi32>
      %ge3A_1198 = arith.cmpi sge, %get3A_1195, %ge3A_1197 : vector<16xi32>
      %jit3A_1199 = arith.constant 0 : i32
      %broadcast_in_dim3A_1200 = vector.broadcast %jit3A_1199 : i32 to vector<16xi32>
      %select_n3A_1201 = arith.select %ge3A_1198, %broadcast_in_dim3A_1200, %get3A_1195 : vector<16xi1>, vector<16xi32>
      %swap3A_1202 = arith.constant 1 : i32
      %swap3A_1203 = arith.constant 0 : i32
      %swap3A_1204 = tpu.memref_slice %arg8[%swap3A_1202, %swap3A_1203] : memref<2x512xi32, #tpu.memory_space<vmem>> -> memref<1x512xi32, #tpu.memory_space<vmem>>
      %swap3A_1205 = tpu.memref_squeeze %swap3A_1204 : memref<1x512xi32, #tpu.memory_space<vmem>> -> memref<512xi32, #tpu.memory_space<vmem>>
      %swap3A_1206 = arith.constant 304 : index
      %swap3A_1207 = tpu.vector_load %swap3A_1205[%swap3A_1206] {strides = array<i32>} : memref<512xi32, #tpu.memory_space<vmem>>, vector<16xi32>,
      tpu.vector_store %swap3A_1205[%swap3A_1206], %select_n3A_1201 {strides = array<i32>} : memref<512xi32, #tpu.memory_space<vmem>>, vector<16xi32>,
      %convert_element_type3A_1208 = arith.extui %ge3A_1198 : vector<16xi1> to vector<16xi32>
      %add3A_1209 = arith.addi %add3A_1189, %convert_element_type3A_1208 : vector<16xi32>
      %get3A_1210 = arith.constant 1 : i32
      %get3A_1211 = arith.constant 0 : i32
      %get3A_1212 = tpu.memref_slice %arg7[%get3A_1210, %get3A_1211] : memref<2x512xi32, #tpu.memory_space<vmem>> -> memref<1x512xi32, #tpu.memory_space<vmem>>
      %get3A_1213 = tpu.memref_squeeze %get3A_1212 : memref<1x512xi32, #tpu.memory_space<vmem>> -> memref<512xi32, #tpu.memory_space<vmem>>
      %get3A_1214 = arith.constant 320 : index
      %get3A_1215 = tpu.vector_load %get3A_1213[%get3A_1214] {strides = array<i32>} : memref<512xi32, #tpu.memory_space<vmem>>, vector<16xi32>,
      %ge3A_1216 = arith.constant 100000 : i32
      %ge3A_1217 = vector.broadcast %ge3A_1216 : i32 to vector<16xi32>
      %ge3A_1218 = arith.cmpi sge, %get3A_1215, %ge3A_1217 : vector<16xi32>
      %jit3A_1219 = arith.constant 0 : i32
      %broadcast_in_dim3A_1220 = vector.broadcast %jit3A_1219 : i32 to vector<16xi32>
      %select_n3A_1221 = arith.select %ge3A_1218, %broadcast_in_dim3A_1220, %get3A_1215 : vector<16xi1>, vector<16xi32>
      %swap3A_1222 = arith.constant 1 : i32
      %swap3A_1223 = arith.constant 0 : i32
      %swap3A_1224 = tpu.memref_slice %arg8[%swap3A_1222, %swap3A_1223] : memref<2x512xi32, #tpu.memory_space<vmem>> -> memref<1x512xi32, #tpu.memory_space<vmem>>
      %swap3A_1225 = tpu.memref_squeeze %swap3A_1224 : memref<1x512xi32, #tpu.memory_space<vmem>> -> memref<512xi32, #tpu.memory_space<vmem>>
      %swap3A_1226 = arith.constant 320 : index
      %swap3A_1227 = tpu.vector_load %swap3A_1225[%swap3A_1226] {strides = array<i32>} : memref<512xi32, #tpu.memory_space<vmem>>, vector<16xi32>,
      tpu.vector_store %swap3A_1225[%swap3A_1226], %select_n3A_1221 {strides = array<i32>} : memref<512xi32, #tpu.memory_space<vmem>>, vector<16xi32>,
      %convert_element_type3A_1228 = arith.extui %ge3A_1218 : vector<16xi1> to vector<16xi32>
      %add3A_1229 = arith.addi %add3A_1209, %convert_element_type3A_1228 : vector<16xi32>
      %get3A_1230 = arith.constant 1 : i32
      %get3A_1231 = arith.constant 0 : i32
      %get3A_1232 = tpu.memref_slice %arg7[%get3A_1230, %get3A_1231] : memref<2x512xi32, #tpu.memory_space<vmem>> -> memref<1x512xi32, #tpu.memory_space<vmem>>
      %get3A_1233 = tpu.memref_squeeze %get3A_1232 : memref<1x512xi32, #tpu.memory_space<vmem>> -> memref<512xi32, #tpu.memory_space<vmem>>
      %get3A_1234 = arith.constant 336 : index
      %get3A_1235 = tpu.vector_load %get3A_1233[%get3A_1234] {strides = array<i32>} : memref<512xi32, #tpu.memory_space<vmem>>, vector<16xi32>,
      %ge3A_1236 = arith.constant 100000 : i32
      %ge3A_1237 = vector.broadcast %ge3A_1236 : i32 to vector<16xi32>
      %ge3A_1238 = arith.cmpi sge, %get3A_1235, %ge3A_1237 : vector<16xi32>
      %jit3A_1239 = arith.constant 0 : i32
      %broadcast_in_dim3A_1240 = vector.broadcast %jit3A_1239 : i32 to vector<16xi32>
      %select_n3A_1241 = arith.select %ge3A_1238, %broadcast_in_dim3A_1240, %get3A_1235 : vector<16xi1>, vector<16xi32>
      %swap3A_1242 = arith.constant 1 : i32
      %swap3A_1243 = arith.constant 0 : i32
      %swap3A_1244 = tpu.memref_slice %arg8[%swap3A_1242, %swap3A_1243] : memref<2x512xi32, #tpu.memory_space<vmem>> -> memref<1x512xi32, #tpu.memory_space<vmem>>
      %swap3A_1245 = tpu.memref_squeeze %swap3A_1244 : memref<1x512xi32, #tpu.memory_space<vmem>> -> memref<512xi32, #tpu.memory_space<vmem>>
      %swap3A_1246 = arith.constant 336 : index
      %swap3A_1247 = tpu.vector_load %swap3A_1245[%swap3A_1246] {strides = array<i32>} : memref<512xi32, #tpu.memory_space<vmem>>, vector<16xi32>,
      tpu.vector_store %swap3A_1245[%swap3A_1246], %select_n3A_1241 {strides = array<i32>} : memref<512xi32, #tpu.memory_space<vmem>>, vector<16xi32>,
      %convert_element_type3A_1248 = arith.extui %ge3A_1238 : vector<16xi1> to vector<16xi32>
      %add3A_1249 = arith.addi %add3A_1229, %convert_element_type3A_1248 : vector<16xi32>
      %get3A_1250 = arith.constant 1 : i32
      %get3A_1251 = arith.constant 0 : i32
      %get3A_1252 = tpu.memref_slice %arg7[%get3A_1250, %get3A_1251] : memref<2x512xi32, #tpu.memory_space<vmem>> -> memref<1x512xi32, #tpu.memory_space<vmem>>
      %get3A_1253 = tpu.memref_squeeze %get3A_1252 : memref<1x512xi32, #tpu.memory_space<vmem>> -> memref<512xi32, #tpu.memory_space<vmem>>
      %get3A_1254 = arith.constant 352 : index
      %get3A_1255 = tpu.vector_load %get3A_1253[%get3A_1254] {strides = array<i32>} : memref<512xi32, #tpu.memory_space<vmem>>, vector<16xi32>,
      %ge3A_1256 = arith.constant 100000 : i32
      %ge3A_1257 = vector.broadcast %ge3A_1256 : i32 to vector<16xi32>
      %ge3A_1258 = arith.cmpi sge, %get3A_1255, %ge3A_1257 : vector<16xi32>
      %jit3A_1259 = arith.constant 0 : i32
      %broadcast_in_dim3A_1260 = vector.broadcast %jit3A_1259 : i32 to vector<16xi32>
      %select_n3A_1261 = arith.select %ge3A_1258, %broadcast_in_dim3A_1260, %get3A_1255 : vector<16xi1>, vector<16xi32>
      %swap3A_1262 = arith.constant 1 : i32
      %swap3A_1263 = arith.constant 0 : i32
      %swap3A_1264 = tpu.memref_slice %arg8[%swap3A_1262, %swap3A_1263] : memref<2x512xi32, #tpu.memory_space<vmem>> -> memref<1x512xi32, #tpu.memory_space<vmem>>
      %swap3A_1265 = tpu.memref_squeeze %swap3A_1264 : memref<1x512xi32, #tpu.memory_space<vmem>> -> memref<512xi32, #tpu.memory_space<vmem>>
      %swap3A_1266 = arith.constant 352 : index
      %swap3A_1267 = tpu.vector_load %swap3A_1265[%swap3A_1266] {strides = array<i32>} : memref<512xi32, #tpu.memory_space<vmem>>, vector<16xi32>,
      tpu.vector_store %swap3A_1265[%swap3A_1266], %select_n3A_1261 {strides = array<i32>} : memref<512xi32, #tpu.memory_space<vmem>>, vector<16xi32>,
      %convert_element_type3A_1268 = arith.extui %ge3A_1258 : vector<16xi1> to vector<16xi32>
      %add3A_1269 = arith.addi %add3A_1249, %convert_element_type3A_1268 : vector<16xi32>
      %get3A_1270 = arith.constant 1 : i32
      %get3A_1271 = arith.constant 0 : i32
      %get3A_1272 = tpu.memref_slice %arg7[%get3A_1270, %get3A_1271] : memref<2x512xi32, #tpu.memory_space<vmem>> -> memref<1x512xi32, #tpu.memory_space<vmem>>
      %get3A_1273 = tpu.memref_squeeze %get3A_1272 : memref<1x512xi32, #tpu.memory_space<vmem>> -> memref<512xi32, #tpu.memory_space<vmem>>
      %get3A_1274 = arith.constant 368 : index
      %get3A_1275 = tpu.vector_load %get3A_1273[%get3A_1274] {strides = array<i32>} : memref<512xi32, #tpu.memory_space<vmem>>, vector<16xi32>,
      %ge3A_1276 = arith.constant 100000 : i32
      %ge3A_1277 = vector.broadcast %ge3A_1276 : i32 to vector<16xi32>
      %ge3A_1278 = arith.cmpi sge, %get3A_1275, %ge3A_1277 : vector<16xi32>
      %jit3A_1279 = arith.constant 0 : i32
      %broadcast_in_dim3A_1280 = vector.broadcast %jit3A_1279 : i32 to vector<16xi32>
      %select_n3A_1281 = arith.select %ge3A_1278, %broadcast_in_dim3A_1280, %get3A_1275 : vector<16xi1>, vector<16xi32>
      %swap3A_1282 = arith.constant 1 : i32
      %swap3A_1283 = arith.constant 0 : i32
      %swap3A_1284 = tpu.memref_slice %arg8[%swap3A_1282, %swap3A_1283] : memref<2x512xi32, #tpu.memory_space<vmem>> -> memref<1x512xi32, #tpu.memory_space<vmem>>
      %swap3A_1285 = tpu.memref_squeeze %swap3A_1284 : memref<1x512xi32, #tpu.memory_space<vmem>> -> memref<512xi32, #tpu.memory_space<vmem>>
      %swap3A_1286 = arith.constant 368 : index
      %swap3A_1287 = tpu.vector_load %swap3A_1285[%swap3A_1286] {strides = array<i32>} : memref<512xi32, #tpu.memory_space<vmem>>, vector<16xi32>,
      tpu.vector_store %swap3A_1285[%swap3A_1286], %select_n3A_1281 {strides = array<i32>} : memref<512xi32, #tpu.memory_space<vmem>>, vector<16xi32>,
      %convert_element_type3A_1288 = arith.extui %ge3A_1278 : vector<16xi1> to vector<16xi32>
      %add3A_1289 = arith.addi %add3A_1269, %convert_element_type3A_1288 : vector<16xi32>
      %get3A_1290 = arith.constant 1 : i32
      %get3A_1291 = arith.constant 0 : i32
      %get3A_1292 = tpu.memref_slice %arg7[%get3A_1290, %get3A_1291] : memref<2x512xi32, #tpu.memory_space<vmem>> -> memref<1x512xi32, #tpu.memory_space<vmem>>
      %get3A_1293 = tpu.memref_squeeze %get3A_1292 : memref<1x512xi32, #tpu.memory_space<vmem>> -> memref<512xi32, #tpu.memory_space<vmem>>
      %get3A_1294 = arith.constant 384 : index
      %get3A_1295 = tpu.vector_load %get3A_1293[%get3A_1294] {strides = array<i32>} : memref<512xi32, #tpu.memory_space<vmem>>, vector<16xi32>,
      %ge3A_1296 = arith.constant 100000 : i32
      %ge3A_1297 = vector.broadcast %ge3A_1296 : i32 to vector<16xi32>
      %ge3A_1298 = arith.cmpi sge, %get3A_1295, %ge3A_1297 : vector<16xi32>
      %jit3A_1299 = arith.constant 0 : i32
      %broadcast_in_dim3A_1300 = vector.broadcast %jit3A_1299 : i32 to vector<16xi32>
      %select_n3A_1301 = arith.select %ge3A_1298, %broadcast_in_dim3A_1300, %get3A_1295 : vector<16xi1>, vector<16xi32>
      %swap3A_1302 = arith.constant 1 : i32
      %swap3A_1303 = arith.constant 0 : i32
      %swap3A_1304 = tpu.memref_slice %arg8[%swap3A_1302, %swap3A_1303] : memref<2x512xi32, #tpu.memory_space<vmem>> -> memref<1x512xi32, #tpu.memory_space<vmem>>
      %swap3A_1305 = tpu.memref_squeeze %swap3A_1304 : memref<1x512xi32, #tpu.memory_space<vmem>> -> memref<512xi32, #tpu.memory_space<vmem>>
      %swap3A_1306 = arith.constant 384 : index
      %swap3A_1307 = tpu.vector_load %swap3A_1305[%swap3A_1306] {strides = array<i32>} : memref<512xi32, #tpu.memory_space<vmem>>, vector<16xi32>,
      tpu.vector_store %swap3A_1305[%swap3A_1306], %select_n3A_1301 {strides = array<i32>} : memref<512xi32, #tpu.memory_space<vmem>>, vector<16xi32>,
      %convert_element_type3A_1308 = arith.extui %ge3A_1298 : vector<16xi1> to vector<16xi32>
      %add3A_1309 = arith.addi %add3A_1289, %convert_element_type3A_1308 : vector<16xi32>
      %get3A_1310 = arith.constant 1 : i32
      %get3A_1311 = arith.constant 0 : i32
      %get3A_1312 = tpu.memref_slice %arg7[%get3A_1310, %get3A_1311] : memref<2x512xi32, #tpu.memory_space<vmem>> -> memref<1x512xi32, #tpu.memory_space<vmem>>
      %get3A_1313 = tpu.memref_squeeze %get3A_1312 : memref<1x512xi32, #tpu.memory_space<vmem>> -> memref<512xi32, #tpu.memory_space<vmem>>
      %get3A_1314 = arith.constant 400 : index
      %get3A_1315 = tpu.vector_load %get3A_1313[%get3A_1314] {strides = array<i32>} : memref<512xi32, #tpu.memory_space<vmem>>, vector<16xi32>,
      %ge3A_1316 = arith.constant 100000 : i32
      %ge3A_1317 = vector.broadcast %ge3A_1316 : i32 to vector<16xi32>
      %ge3A_1318 = arith.cmpi sge, %get3A_1315, %ge3A_1317 : vector<16xi32>
      %jit3A_1319 = arith.constant 0 : i32
      %broadcast_in_dim3A_1320 = vector.broadcast %jit3A_1319 : i32 to vector<16xi32>
      %select_n3A_1321 = arith.select %ge3A_1318, %broadcast_in_dim3A_1320, %get3A_1315 : vector<16xi1>, vector<16xi32>
      %swap3A_1322 = arith.constant 1 : i32
      %swap3A_1323 = arith.constant 0 : i32
      %swap3A_1324 = tpu.memref_slice %arg8[%swap3A_1322, %swap3A_1323] : memref<2x512xi32, #tpu.memory_space<vmem>> -> memref<1x512xi32, #tpu.memory_space<vmem>>
      %swap3A_1325 = tpu.memref_squeeze %swap3A_1324 : memref<1x512xi32, #tpu.memory_space<vmem>> -> memref<512xi32, #tpu.memory_space<vmem>>
      %swap3A_1326 = arith.constant 400 : index
      %swap3A_1327 = tpu.vector_load %swap3A_1325[%swap3A_1326] {strides = array<i32>} : memref<512xi32, #tpu.memory_space<vmem>>, vector<16xi32>,
      tpu.vector_store %swap3A_1325[%swap3A_1326], %select_n3A_1321 {strides = array<i32>} : memref<512xi32, #tpu.memory_space<vmem>>, vector<16xi32>,
      %convert_element_type3A_1328 = arith.extui %ge3A_1318 : vector<16xi1> to vector<16xi32>
      %add3A_1329 = arith.addi %add3A_1309, %convert_element_type3A_1328 : vector<16xi32>
      %get3A_1330 = arith.constant 1 : i32
      %get3A_1331 = arith.constant 0 : i32
      %get3A_1332 = tpu.memref_slice %arg7[%get3A_1330, %get3A_1331] : memref<2x512xi32, #tpu.memory_space<vmem>> -> memref<1x512xi32, #tpu.memory_space<vmem>>
      %get3A_1333 = tpu.memref_squeeze %get3A_1332 : memref<1x512xi32, #tpu.memory_space<vmem>> -> memref<512xi32, #tpu.memory_space<vmem>>
      %get3A_1334 = arith.constant 416 : index
      %get3A_1335 = tpu.vector_load %get3A_1333[%get3A_1334] {strides = array<i32>} : memref<512xi32, #tpu.memory_space<vmem>>, vector<16xi32>,
      %ge3A_1336 = arith.constant 100000 : i32
      %ge3A_1337 = vector.broadcast %ge3A_1336 : i32 to vector<16xi32>
      %ge3A_1338 = arith.cmpi sge, %get3A_1335, %ge3A_1337 : vector<16xi32>
      %jit3A_1339 = arith.constant 0 : i32
      %broadcast_in_dim3A_1340 = vector.broadcast %jit3A_1339 : i32 to vector<16xi32>
      %select_n3A_1341 = arith.select %ge3A_1338, %broadcast_in_dim3A_1340, %get3A_1335 : vector<16xi1>, vector<16xi32>
      %swap3A_1342 = arith.constant 1 : i32
      %swap3A_1343 = arith.constant 0 : i32
      %swap3A_1344 = tpu.memref_slice %arg8[%swap3A_1342, %swap3A_1343] : memref<2x512xi32, #tpu.memory_space<vmem>> -> memref<1x512xi32, #tpu.memory_space<vmem>>
      %swap3A_1345 = tpu.memref_squeeze %swap3A_1344 : memref<1x512xi32, #tpu.memory_space<vmem>> -> memref<512xi32, #tpu.memory_space<vmem>>
      %swap3A_1346 = arith.constant 416 : index
      %swap3A_1347 = tpu.vector_load %swap3A_1345[%swap3A_1346] {strides = array<i32>} : memref<512xi32, #tpu.memory_space<vmem>>, vector<16xi32>,
      tpu.vector_store %swap3A_1345[%swap3A_1346], %select_n3A_1341 {strides = array<i32>} : memref<512xi32, #tpu.memory_space<vmem>>, vector<16xi32>,
      %convert_element_type3A_1348 = arith.extui %ge3A_1338 : vector<16xi1> to vector<16xi32>
      %add3A_1349 = arith.addi %add3A_1329, %convert_element_type3A_1348 : vector<16xi32>
      %get3A_1350 = arith.constant 1 : i32
      %get3A_1351 = arith.constant 0 : i32
      %get3A_1352 = tpu.memref_slice %arg7[%get3A_1350, %get3A_1351] : memref<2x512xi32, #tpu.memory_space<vmem>> -> memref<1x512xi32, #tpu.memory_space<vmem>>
      %get3A_1353 = tpu.memref_squeeze %get3A_1352 : memref<1x512xi32, #tpu.memory_space<vmem>> -> memref<512xi32, #tpu.memory_space<vmem>>
      %get3A_1354 = arith.constant 432 : index
      %get3A_1355 = tpu.vector_load %get3A_1353[%get3A_1354] {strides = array<i32>} : memref<512xi32, #tpu.memory_space<vmem>>, vector<16xi32>,
      %ge3A_1356 = arith.constant 100000 : i32
      %ge3A_1357 = vector.broadcast %ge3A_1356 : i32 to vector<16xi32>
      %ge3A_1358 = arith.cmpi sge, %get3A_1355, %ge3A_1357 : vector<16xi32>
      %jit3A_1359 = arith.constant 0 : i32
      %broadcast_in_dim3A_1360 = vector.broadcast %jit3A_1359 : i32 to vector<16xi32>
      %select_n3A_1361 = arith.select %ge3A_1358, %broadcast_in_dim3A_1360, %get3A_1355 : vector<16xi1>, vector<16xi32>
      %swap3A_1362 = arith.constant 1 : i32
      %swap3A_1363 = arith.constant 0 : i32
      %swap3A_1364 = tpu.memref_slice %arg8[%swap3A_1362, %swap3A_1363] : memref<2x512xi32, #tpu.memory_space<vmem>> -> memref<1x512xi32, #tpu.memory_space<vmem>>
      %swap3A_1365 = tpu.memref_squeeze %swap3A_1364 : memref<1x512xi32, #tpu.memory_space<vmem>> -> memref<512xi32, #tpu.memory_space<vmem>>
      %swap3A_1366 = arith.constant 432 : index
      %swap3A_1367 = tpu.vector_load %swap3A_1365[%swap3A_1366] {strides = array<i32>} : memref<512xi32, #tpu.memory_space<vmem>>, vector<16xi32>,
      tpu.vector_store %swap3A_1365[%swap3A_1366], %select_n3A_1361 {strides = array<i32>} : memref<512xi32, #tpu.memory_space<vmem>>, vector<16xi32>,
      %convert_element_type3A_1368 = arith.extui %ge3A_1358 : vector<16xi1> to vector<16xi32>
      %add3A_1369 = arith.addi %add3A_1349, %convert_element_type3A_1368 : vector<16xi32>
      %get3A_1370 = arith.constant 1 : i32
      %get3A_1371 = arith.constant 0 : i32
      %get3A_1372 = tpu.memref_slice %arg7[%get3A_1370, %get3A_1371] : memref<2x512xi32, #tpu.memory_space<vmem>> -> memref<1x512xi32, #tpu.memory_space<vmem>>
      %get3A_1373 = tpu.memref_squeeze %get3A_1372 : memref<1x512xi32, #tpu.memory_space<vmem>> -> memref<512xi32, #tpu.memory_space<vmem>>
      %get3A_1374 = arith.constant 448 : index
      %get3A_1375 = tpu.vector_load %get3A_1373[%get3A_1374] {strides = array<i32>} : memref<512xi32, #tpu.memory_space<vmem>>, vector<16xi32>,
      %ge3A_1376 = arith.constant 100000 : i32
      %ge3A_1377 = vector.broadcast %ge3A_1376 : i32 to vector<16xi32>
      %ge3A_1378 = arith.cmpi sge, %get3A_1375, %ge3A_1377 : vector<16xi32>
      %jit3A_1379 = arith.constant 0 : i32
      %broadcast_in_dim3A_1380 = vector.broadcast %jit3A_1379 : i32 to vector<16xi32>
      %select_n3A_1381 = arith.select %ge3A_1378, %broadcast_in_dim3A_1380, %get3A_1375 : vector<16xi1>, vector<16xi32>
      %swap3A_1382 = arith.constant 1 : i32
      %swap3A_1383 = arith.constant 0 : i32
      %swap3A_1384 = tpu.memref_slice %arg8[%swap3A_1382, %swap3A_1383] : memref<2x512xi32, #tpu.memory_space<vmem>> -> memref<1x512xi32, #tpu.memory_space<vmem>>
      %swap3A_1385 = tpu.memref_squeeze %swap3A_1384 : memref<1x512xi32, #tpu.memory_space<vmem>> -> memref<512xi32, #tpu.memory_space<vmem>>
      %swap3A_1386 = arith.constant 448 : index
      %swap3A_1387 = tpu.vector_load %swap3A_1385[%swap3A_1386] {strides = array<i32>} : memref<512xi32, #tpu.memory_space<vmem>>, vector<16xi32>,
      tpu.vector_store %swap3A_1385[%swap3A_1386], %select_n3A_1381 {strides = array<i32>} : memref<512xi32, #tpu.memory_space<vmem>>, vector<16xi32>,
      %convert_element_type3A_1388 = arith.extui %ge3A_1378 : vector<16xi1> to vector<16xi32>
      %add3A_1389 = arith.addi %add3A_1369, %convert_element_type3A_1388 : vector<16xi32>
      %get3A_1390 = arith.constant 1 : i32
      %get3A_1391 = arith.constant 0 : i32
      %get3A_1392 = tpu.memref_slice %arg7[%get3A_1390, %get3A_1391] : memref<2x512xi32, #tpu.memory_space<vmem>> -> memref<1x512xi32, #tpu.memory_space<vmem>>
      %get3A_1393 = tpu.memref_squeeze %get3A_1392 : memref<1x512xi32, #tpu.memory_space<vmem>> -> memref<512xi32, #tpu.memory_space<vmem>>
      %get3A_1394 = arith.constant 464 : index
      %get3A_1395 = tpu.vector_load %get3A_1393[%get3A_1394] {strides = array<i32>} : memref<512xi32, #tpu.memory_space<vmem>>, vector<16xi32>,
      %ge3A_1396 = arith.constant 100000 : i32
      %ge3A_1397 = vector.broadcast %ge3A_1396 : i32 to vector<16xi32>
      %ge3A_1398 = arith.cmpi sge, %get3A_1395, %ge3A_1397 : vector<16xi32>
      %jit3A_1399 = arith.constant 0 : i32
      %broadcast_in_dim3A_1400 = vector.broadcast %jit3A_1399 : i32 to vector<16xi32>
      %select_n3A_1401 = arith.select %ge3A_1398, %broadcast_in_dim3A_1400, %get3A_1395 : vector<16xi1>, vector<16xi32>
      %swap3A_1402 = arith.constant 1 : i32
      %swap3A_1403 = arith.constant 0 : i32
      %swap3A_1404 = tpu.memref_slice %arg8[%swap3A_1402, %swap3A_1403] : memref<2x512xi32, #tpu.memory_space<vmem>> -> memref<1x512xi32, #tpu.memory_space<vmem>>
      %swap3A_1405 = tpu.memref_squeeze %swap3A_1404 : memref<1x512xi32, #tpu.memory_space<vmem>> -> memref<512xi32, #tpu.memory_space<vmem>>
      %swap3A_1406 = arith.constant 464 : index
      %swap3A_1407 = tpu.vector_load %swap3A_1405[%swap3A_1406] {strides = array<i32>} : memref<512xi32, #tpu.memory_space<vmem>>, vector<16xi32>,
      tpu.vector_store %swap3A_1405[%swap3A_1406], %select_n3A_1401 {strides = array<i32>} : memref<512xi32, #tpu.memory_space<vmem>>, vector<16xi32>,
      %convert_element_type3A_1408 = arith.extui %ge3A_1398 : vector<16xi1> to vector<16xi32>
      %add3A_1409 = arith.addi %add3A_1389, %convert_element_type3A_1408 : vector<16xi32>
      %get3A_1410 = arith.constant 1 : i32
      %get3A_1411 = arith.constant 0 : i32
      %get3A_1412 = tpu.memref_slice %arg7[%get3A_1410, %get3A_1411] : memref<2x512xi32, #tpu.memory_space<vmem>> -> memref<1x512xi32, #tpu.memory_space<vmem>>
      %get3A_1413 = tpu.memref_squeeze %get3A_1412 : memref<1x512xi32, #tpu.memory_space<vmem>> -> memref<512xi32, #tpu.memory_space<vmem>>
      %get3A_1414 = arith.constant 480 : index
      %get3A_1415 = tpu.vector_load %get3A_1413[%get3A_1414] {strides = array<i32>} : memref<512xi32, #tpu.memory_space<vmem>>, vector<16xi32>,
      %ge3A_1416 = arith.constant 100000 : i32
      %ge3A_1417 = vector.broadcast %ge3A_1416 : i32 to vector<16xi32>
      %ge3A_1418 = arith.cmpi sge, %get3A_1415, %ge3A_1417 : vector<16xi32>
      %jit3A_1419 = arith.constant 0 : i32
      %broadcast_in_dim3A_1420 = vector.broadcast %jit3A_1419 : i32 to vector<16xi32>
      %select_n3A_1421 = arith.select %ge3A_1418, %broadcast_in_dim3A_1420, %get3A_1415 : vector<16xi1>, vector<16xi32>
      %swap3A_1422 = arith.constant 1 : i32
      %swap3A_1423 = arith.constant 0 : i32
      %swap3A_1424 = tpu.memref_slice %arg8[%swap3A_1422, %swap3A_1423] : memref<2x512xi32, #tpu.memory_space<vmem>> -> memref<1x512xi32, #tpu.memory_space<vmem>>
      %swap3A_1425 = tpu.memref_squeeze %swap3A_1424 : memref<1x512xi32, #tpu.memory_space<vmem>> -> memref<512xi32, #tpu.memory_space<vmem>>
      %swap3A_1426 = arith.constant 480 : index
      %swap3A_1427 = tpu.vector_load %swap3A_1425[%swap3A_1426] {strides = array<i32>} : memref<512xi32, #tpu.memory_space<vmem>>, vector<16xi32>,
      tpu.vector_store %swap3A_1425[%swap3A_1426], %select_n3A_1421 {strides = array<i32>} : memref<512xi32, #tpu.memory_space<vmem>>, vector<16xi32>,
      %convert_element_type3A_1428 = arith.extui %ge3A_1418 : vector<16xi1> to vector<16xi32>
      %add3A_1429 = arith.addi %add3A_1409, %convert_element_type3A_1428 : vector<16xi32>
      %get3A_1430 = arith.constant 1 : i32
      %get3A_1431 = arith.constant 0 : i32
      %get3A_1432 = tpu.memref_slice %arg7[%get3A_1430, %get3A_1431] : memref<2x512xi32, #tpu.memory_space<vmem>> -> memref<1x512xi32, #tpu.memory_space<vmem>>
      %get3A_1433 = tpu.memref_squeeze %get3A_1432 : memref<1x512xi32, #tpu.memory_space<vmem>> -> memref<512xi32, #tpu.memory_space<vmem>>
      %get3A_1434 = arith.constant 496 : index
      %get3A_1435 = tpu.vector_load %get3A_1433[%get3A_1434] {strides = array<i32>} : memref<512xi32, #tpu.memory_space<vmem>>, vector<16xi32>,
      %ge3A_1436 = arith.constant 100000 : i32
      %ge3A_1437 = vector.broadcast %ge3A_1436 : i32 to vector<16xi32>
      %ge3A_1438 = arith.cmpi sge, %get3A_1435, %ge3A_1437 : vector<16xi32>
      %jit3A_1439 = arith.constant 0 : i32
      %broadcast_in_dim3A_1440 = vector.broadcast %jit3A_1439 : i32 to vector<16xi32>
      %select_n3A_1441 = arith.select %ge3A_1438, %broadcast_in_dim3A_1440, %get3A_1435 : vector<16xi1>, vector<16xi32>
      %swap3A_1442 = arith.constant 1 : i32
      %swap3A_1443 = arith.constant 0 : i32
      %swap3A_1444 = tpu.memref_slice %arg8[%swap3A_1442, %swap3A_1443] : memref<2x512xi32, #tpu.memory_space<vmem>> -> memref<1x512xi32, #tpu.memory_space<vmem>>
      %swap3A_1445 = tpu.memref_squeeze %swap3A_1444 : memref<1x512xi32, #tpu.memory_space<vmem>> -> memref<512xi32, #tpu.memory_space<vmem>>
      %swap3A_1446 = arith.constant 496 : index
      %swap3A_1447 = tpu.vector_load %swap3A_1445[%swap3A_1446] {strides = array<i32>} : memref<512xi32, #tpu.memory_space<vmem>>, vector<16xi32>,
      tpu.vector_store %swap3A_1445[%swap3A_1446], %select_n3A_1441 {strides = array<i32>} : memref<512xi32, #tpu.memory_space<vmem>>, vector<16xi32>,
      %convert_element_type3A_1448 = arith.extui %ge3A_1438 : vector<16xi1> to vector<16xi32>
      %add3A_1449 = arith.addi %add3A_1429, %convert_element_type3A_1448 : vector<16xi32>
      %broadcast_in_dim3A_1450 = arith.constant true
      %broadcast_in_dim3A_1451 = vector.broadcast %broadcast_in_dim3A_1450 : i1 to vector<16xi1>
      %masked_cumsum3A_1452 = tpu.scan <sum>, %add3A_1449 masked %broadcast_in_dim3A_1451 : vector<16xi32>, vector<16xi1> -> vector<16xi32>
      %slice3A_1453 = vector.extract_strided_slice %masked_cumsum3A_1452 {offsets = [15], sizes = [1], strides = [1]} : vector<16xi32> to vector<1xi32>
      %squeeze3A_1454 = vector.extract %slice3A_1453[0] : i32 from vector<1xi32>
      %gt3A_1455 = arith.constant 0 : i32
      %gt3A_1456 = arith.cmpi sgt, %squeeze3A_1454, %gt3A_1455 : i32
      %dma_start3A_1457 = arith.constant 1 : i32
      %dma_start3A_1458 = arith.constant 1 : i32
      %dma_start3A_1459 = arith.constant 0 : i32
      %dma_start3A_1460 = arith.constant 0 : i32
      %dma_start3A_1461 = tpu.memref_slice %arg9[%dma_start3A_1458, %dma_start3A_1459, %dma_start3A_1460] : memref<2x512x64xf32, #tpu.memory_space<vmem>> -> memref<1x128x64xf32, #tpu.memory_space<vmem>>
      %dma_start3A_1462 = tpu.memref_squeeze %dma_start3A_1461 : memref<1x128x64xf32, #tpu.memory_space<vmem>> -> memref<128x64xf32, #tpu.memory_space<vmem>>
      %dma_start3A_1463 = arith.constant 0 : i32
      %dma_start3A_1464 = tpu.memref_slice %arg8[%dma_start3A_1457, %dma_start3A_1463] : memref<2x512xi32, #tpu.memory_space<vmem>> -> memref<1x128xi32, #tpu.memory_space<vmem>>
      %dma_start3A_1465 = tpu.memref_squeeze %dma_start3A_1464 : memref<1x128xi32, #tpu.memory_space<vmem>> -> memref<128xi32, #tpu.memory_space<vmem>>
      %dma_start3A_1466 = arith.constant 0 : i32
      %dma_start3A_1467 = arith.constant 0 : i32
      %dma_start3A_1468 = tpu.memref_slice %arg2[%dma_start3A_1466, %dma_start3A_1467] : memref<100000x64xf32, #tpu.memory_space<hbm>> -> memref<100000x64xf32, #tpu.memory_space<hbm>>
      tpu.enqueue_indirect_dma source(%dma_start3A_1468 : memref<100000x64xf32, #tpu.memory_space<hbm>>) target(%dma_start3A_1462 : memref<128x64xf32, #tpu.memory_space<vmem>>) offsets(%dma_start3A_1465 : memref<128xi32, #tpu.memory_space<vmem>>) semaphore(%arg11 : memref<!tpu.dma_semaphore, #tpu.memory_space<semaphore_mem>>)
      %dma_start3A_1469 = arith.constant 1 : i32
      %dma_start3A_1470 = arith.constant 1 : i32
      %dma_start3A_1471 = arith.constant 128 : i32
      %dma_start3A_1472 = arith.constant 0 : i32
      %dma_start3A_1473 = tpu.memref_slice %arg9[%dma_start3A_1470, %dma_start3A_1471, %dma_start3A_1472] : memref<2x512x64xf32, #tpu.memory_space<vmem>> -> memref<1x128x64xf32, #tpu.memory_space<vmem>>
      %dma_start3A_1474 = tpu.memref_squeeze %dma_start3A_1473 : memref<1x128x64xf32, #tpu.memory_space<vmem>> -> memref<128x64xf32, #tpu.memory_space<vmem>>
      %dma_start3A_1475 = arith.constant 128 : i32
      %dma_start3A_1476 = tpu.memref_slice %arg8[%dma_start3A_1469, %dma_start3A_1475] : memref<2x512xi32, #tpu.memory_space<vmem>> -> memref<1x128xi32, #tpu.memory_space<vmem>>
      %dma_start3A_1477 = tpu.memref_squeeze %dma_start3A_1476 : memref<1x128xi32, #tpu.memory_space<vmem>> -> memref<128xi32, #tpu.memory_space<vmem>>
      %dma_start3A_1478 = arith.constant 0 : i32
      %dma_start3A_1479 = arith.constant 0 : i32
      %dma_start3A_1480 = tpu.memref_slice %arg2[%dma_start3A_1478, %dma_start3A_1479] : memref<100000x64xf32, #tpu.memory_space<hbm>> -> memref<100000x64xf32, #tpu.memory_space<hbm>>
      tpu.enqueue_indirect_dma source(%dma_start3A_1480 : memref<100000x64xf32, #tpu.memory_space<hbm>>) target(%dma_start3A_1474 : memref<128x64xf32, #tpu.memory_space<vmem>>) offsets(%dma_start3A_1477 : memref<128xi32, #tpu.memory_space<vmem>>) semaphore(%arg11 : memref<!tpu.dma_semaphore, #tpu.memory_space<semaphore_mem>>)
      %dma_start3A_1481 = arith.constant 1 : i32
      %dma_start3A_1482 = arith.constant 1 : i32
      %dma_start3A_1483 = arith.constant 256 : i32
      %dma_start3A_1484 = arith.constant 0 : i32
      %dma_start3A_1485 = tpu.memref_slice %arg9[%dma_start3A_1482, %dma_start3A_1483, %dma_start3A_1484] : memref<2x512x64xf32, #tpu.memory_space<vmem>> -> memref<1x128x64xf32, #tpu.memory_space<vmem>>
      %dma_start3A_1486 = tpu.memref_squeeze %dma_start3A_1485 : memref<1x128x64xf32, #tpu.memory_space<vmem>> -> memref<128x64xf32, #tpu.memory_space<vmem>>
      %dma_start3A_1487 = arith.constant 256 : i32
      %dma_start3A_1488 = tpu.memref_slice %arg8[%dma_start3A_1481, %dma_start3A_1487] : memref<2x512xi32, #tpu.memory_space<vmem>> -> memref<1x128xi32, #tpu.memory_space<vmem>>
      %dma_start3A_1489 = tpu.memref_squeeze %dma_start3A_1488 : memref<1x128xi32, #tpu.memory_space<vmem>> -> memref<128xi32, #tpu.memory_space<vmem>>
      %dma_start3A_1490 = arith.constant 0 : i32
      %dma_start3A_1491 = arith.constant 0 : i32
      %dma_start3A_1492 = tpu.memref_slice %arg2[%dma_start3A_1490, %dma_start3A_1491] : memref<100000x64xf32, #tpu.memory_space<hbm>> -> memref<100000x64xf32, #tpu.memory_space<hbm>>
      tpu.enqueue_indirect_dma source(%dma_start3A_1492 : memref<100000x64xf32, #tpu.memory_space<hbm>>) target(%dma_start3A_1486 : memref<128x64xf32, #tpu.memory_space<vmem>>) offsets(%dma_start3A_1489 : memref<128xi32, #tpu.memory_space<vmem>>) semaphore(%arg11 : memref<!tpu.dma_semaphore, #tpu.memory_space<semaphore_mem>>)
      %dma_start3A_1493 = arith.constant 1 : i32
      %dma_start3A_1494 = arith.constant 1 : i32
      %dma_start3A_1495 = arith.constant 384 : i32
      %dma_start3A_1496 = arith.constant 0 : i32
      %dma_start3A_1497 = tpu.memref_slice %arg9[%dma_start3A_1494, %dma_start3A_1495, %dma_start3A_1496] : memref<2x512x64xf32, #tpu.memory_space<vmem>> -> memref<1x128x64xf32, #tpu.memory_space<vmem>>
      %dma_start3A_1498 = tpu.memref_squeeze %dma_start3A_1497 : memref<1x128x64xf32, #tpu.memory_space<vmem>> -> memref<128x64xf32, #tpu.memory_space<vmem>>
      %dma_start3A_1499 = arith.constant 384 : i32
      %dma_start3A_1500 = tpu.memref_slice %arg8[%dma_start3A_1493, %dma_start3A_1499] : memref<2x512xi32, #tpu.memory_space<vmem>> -> memref<1x128xi32, #tpu.memory_space<vmem>>
      %dma_start3A_1501 = tpu.memref_squeeze %dma_start3A_1500 : memref<1x128xi32, #tpu.memory_space<vmem>> -> memref<128xi32, #tpu.memory_space<vmem>>
      %dma_start3A_1502 = arith.constant 0 : i32
      %dma_start3A_1503 = arith.constant 0 : i32
      %dma_start3A_1504 = tpu.memref_slice %arg2[%dma_start3A_1502, %dma_start3A_1503] : memref<100000x64xf32, #tpu.memory_space<hbm>> -> memref<100000x64xf32, #tpu.memory_space<hbm>>
      tpu.enqueue_indirect_dma source(%dma_start3A_1504 : memref<100000x64xf32, #tpu.memory_space<hbm>>) target(%dma_start3A_1498 : memref<128x64xf32, #tpu.memory_space<vmem>>) offsets(%dma_start3A_1501 : memref<128xi32, #tpu.memory_space<vmem>>) semaphore(%arg11 : memref<!tpu.dma_semaphore, #tpu.memory_space<semaphore_mem>>)
      %dma_wait3A_1505 = arith.constant 1 : i32
      %dma_wait3A_1506 = arith.constant 1 : i32
      %dma_wait3A_1507 = arith.constant 0 : i32
      %dma_wait3A_1508 = arith.constant 0 : i32
      %dma_wait3A_1509 = tpu.memref_slice %arg9[%dma_wait3A_1506, %dma_wait3A_1507, %dma_wait3A_1508] : memref<2x512x64xf32, #tpu.memory_space<vmem>> -> memref<1x128x64xf32, #tpu.memory_space<vmem>>
      %dma_wait3A_1510 = tpu.memref_squeeze %dma_wait3A_1509 : memref<1x128x64xf32, #tpu.memory_space<vmem>> -> memref<128x64xf32, #tpu.memory_space<vmem>>
      %dma_wait3A_1511 = arith.constant 0 : i32
      %dma_wait3A_1512 = tpu.memref_slice %arg8[%dma_wait3A_1505, %dma_wait3A_1511] : memref<2x512xi32, #tpu.memory_space<vmem>> -> memref<1x128xi32, #tpu.memory_space<vmem>>
      %dma_wait3A_1513 = tpu.memref_squeeze %dma_wait3A_1512 : memref<1x128xi32, #tpu.memory_space<vmem>> -> memref<128xi32, #tpu.memory_space<vmem>>
      %dma_wait3A_1514 = arith.constant 0 : i32
      %dma_wait3A_1515 = arith.constant 0 : i32
      %dma_wait3A_1516 = tpu.memref_slice %arg2[%dma_wait3A_1514, %dma_wait3A_1515] : memref<100000x64xf32, #tpu.memory_space<hbm>> -> memref<100000x64xf32, #tpu.memory_space<hbm>>
      tpu.wait_indirect_dma semaphore(%arg11 : memref<!tpu.dma_semaphore, #tpu.memory_space<semaphore_mem>>) src(%dma_wait3A_1516 : memref<100000x64xf32, #tpu.memory_space<hbm>>) dst(%dma_wait3A_1510 : memref<128x64xf32, #tpu.memory_space<vmem>>)
      %dma_wait3A_1517 = arith.constant 1 : i32
      %dma_wait3A_1518 = arith.constant 1 : i32
      %dma_wait3A_1519 = arith.constant 128 : i32
      %dma_wait3A_1520 = arith.constant 0 : i32
      %dma_wait3A_1521 = tpu.memref_slice %arg9[%dma_wait3A_1518, %dma_wait3A_1519, %dma_wait3A_1520] : memref<2x512x64xf32, #tpu.memory_space<vmem>> -> memref<1x128x64xf32, #tpu.memory_space<vmem>>
      %dma_wait3A_1522 = tpu.memref_squeeze %dma_wait3A_1521 : memref<1x128x64xf32, #tpu.memory_space<vmem>> -> memref<128x64xf32, #tpu.memory_space<vmem>>
      %dma_wait3A_1523 = arith.constant 128 : i32
      %dma_wait3A_1524 = tpu.memref_slice %arg8[%dma_wait3A_1517, %dma_wait3A_1523] : memref<2x512xi32, #tpu.memory_space<vmem>> -> memref<1x128xi32, #tpu.memory_space<vmem>>
      %dma_wait3A_1525 = tpu.memref_squeeze %dma_wait3A_1524 : memref<1x128xi32, #tpu.memory_space<vmem>> -> memref<128xi32, #tpu.memory_space<vmem>>
      %dma_wait3A_1526 = arith.constant 0 : i32
      %dma_wait3A_1527 = arith.constant 0 : i32
      %dma_wait3A_1528 = tpu.memref_slice %arg2[%dma_wait3A_1526, %dma_wait3A_1527] : memref<100000x64xf32, #tpu.memory_space<hbm>> -> memref<100000x64xf32, #tpu.memory_space<hbm>>
      tpu.wait_indirect_dma semaphore(%arg11 : memref<!tpu.dma_semaphore, #tpu.memory_space<semaphore_mem>>) src(%dma_wait3A_1528 : memref<100000x64xf32, #tpu.memory_space<hbm>>) dst(%dma_wait3A_1522 : memref<128x64xf32, #tpu.memory_space<vmem>>)
      %dma_wait3A_1529 = arith.constant 1 : i32
      %dma_wait3A_1530 = arith.constant 1 : i32
      %dma_wait3A_1531 = arith.constant 256 : i32
      %dma_wait3A_1532 = arith.constant 0 : i32
      %dma_wait3A_1533 = tpu.memref_slice %arg9[%dma_wait3A_1530, %dma_wait3A_1531, %dma_wait3A_1532] : memref<2x512x64xf32, #tpu.memory_space<vmem>> -> memref<1x128x64xf32, #tpu.memory_space<vmem>>
      %dma_wait3A_1534 = tpu.memref_squeeze %dma_wait3A_1533 : memref<1x128x64xf32, #tpu.memory_space<vmem>> -> memref<128x64xf32, #tpu.memory_space<vmem>>
      %dma_wait3A_1535 = arith.constant 256 : i32
      %dma_wait3A_1536 = tpu.memref_slice %arg8[%dma_wait3A_1529, %dma_wait3A_1535] : memref<2x512xi32, #tpu.memory_space<vmem>> -> memref<1x128xi32, #tpu.memory_space<vmem>>
      %dma_wait3A_1537 = tpu.memref_squeeze %dma_wait3A_1536 : memref<1x128xi32, #tpu.memory_space<vmem>> -> memref<128xi32, #tpu.memory_space<vmem>>
      %dma_wait3A_1538 = arith.constant 0 : i32
      %dma_wait3A_1539 = arith.constant 0 : i32
      %dma_wait3A_1540 = tpu.memref_slice %arg2[%dma_wait3A_1538, %dma_wait3A_1539] : memref<100000x64xf32, #tpu.memory_space<hbm>> -> memref<100000x64xf32, #tpu.memory_space<hbm>>
      tpu.wait_indirect_dma semaphore(%arg11 : memref<!tpu.dma_semaphore, #tpu.memory_space<semaphore_mem>>) src(%dma_wait3A_1540 : memref<100000x64xf32, #tpu.memory_space<hbm>>) dst(%dma_wait3A_1534 : memref<128x64xf32, #tpu.memory_space<vmem>>)
      %dma_wait3A_1541 = arith.constant 1 : i32
      %dma_wait3A_1542 = arith.constant 1 : i32
      %dma_wait3A_1543 = arith.constant 384 : i32
      %dma_wait3A_1544 = arith.constant 0 : i32
      %dma_wait3A_1545 = tpu.memref_slice %arg9[%dma_wait3A_1542, %dma_wait3A_1543, %dma_wait3A_1544] : memref<2x512x64xf32, #tpu.memory_space<vmem>> -> memref<1x128x64xf32, #tpu.memory_space<vmem>>
      %dma_wait3A_1546 = tpu.memref_squeeze %dma_wait3A_1545 : memref<1x128x64xf32, #tpu.memory_space<vmem>> -> memref<128x64xf32, #tpu.memory_space<vmem>>
      %dma_wait3A_1547 = arith.constant 384 : i32
      %dma_wait3A_1548 = tpu.memref_slice %arg8[%dma_wait3A_1541, %dma_wait3A_1547] : memref<2x512xi32, #tpu.memory_space<vmem>> -> memref<1x128xi32, #tpu.memory_space<vmem>>
      %dma_wait3A_1549 = tpu.memref_squeeze %dma_wait3A_1548 : memref<1x128xi32, #tpu.memory_space<vmem>> -> memref<128xi32, #tpu.memory_space<vmem>>
      %dma_wait3A_1550 = arith.constant 0 : i32
      %dma_wait3A_1551 = arith.constant 0 : i32
      %dma_wait3A_1552 = tpu.memref_slice %arg2[%dma_wait3A_1550, %dma_wait3A_1551] : memref<100000x64xf32, #tpu.memory_space<hbm>> -> memref<100000x64xf32, #tpu.memory_space<hbm>>
      tpu.wait_indirect_dma semaphore(%arg11 : memref<!tpu.dma_semaphore, #tpu.memory_space<semaphore_mem>>) src(%dma_wait3A_1552 : memref<100000x64xf32, #tpu.memory_space<hbm>>) dst(%dma_wait3A_1546 : memref<128x64xf32, #tpu.memory_space<vmem>>)
      %convert_element_type3A_1553 = arith.extui %gt3A_1456 : i1 to i32
      %cond3A_1554 = arith.constant 1 : i32
      %cond3A_1555 = arith.constant 0 : i32
      %cond3A_1556 = arith.cmpi ne, %convert_element_type3A_1553, %cond3A_1555 : i32
      scf.if %cond3A_1556 {
        %scan3A_1570 = arith.constant 0 : i32
        %scan3A_1571 = arith.constant 0 : i32
        %scan3A_1572 = arith.constant 32 : i32
        %scan3A_1573 = arith.addi %scan3A_1571, %scan3A_1572 : i32
        %scan3A_1574 = arith.constant 1 : i32
        scf.for %scan3A_1576 = %scan3A_1571 to %scan3A_1573 step %scan3A_1574  : i32 {
          %mul3A_1577 = arith.constant 16 : i32
          %mul3A_1578 = arith.muli %scan3A_1576, %mul3A_1577 : i32
          %get3A_1579 = arith.constant 1 : i32
          %get3A_1580 = arith.constant 0 : i32
          %get3A_1581 = tpu.memref_slice %arg7[%get3A_1579, %get3A_1580] : memref<2x512xi32, #tpu.memory_space<vmem>> -> memref<1x512xi32, #tpu.memory_space<vmem>>
          %get3A_1582 = tpu.memref_squeeze %get3A_1581 : memref<1x512xi32, #tpu.memory_space<vmem>> -> memref<512xi32, #tpu.memory_space<vmem>>
          %get3A_1583 = arith.index_cast %mul3A_1578 : i32 to index
          %get3A_1584 = tpu.vector_load %get3A_1582[%get3A_1583] {strides = array<i32>} : memref<512xi32, #tpu.memory_space<vmem>>, vector<16xi32>,
          %ge3A_1585 = arith.constant 100000 : i32
          %ge3A_1586 = vector.broadcast %ge3A_1585 : i32 to vector<16xi32>
          %ge3A_1587 = arith.cmpi sge, %get3A_1584, %ge3A_1586 : vector<16xi32>
          %convert_element_type3A_1588 = arith.extui %ge3A_1587 : vector<16xi1> to vector<16xi32>
          %broadcast_in_dim3A_1589 = arith.constant true
          %broadcast_in_dim3A_1590 = vector.broadcast %broadcast_in_dim3A_1589 : i1 to vector<16xi1>
          %masked_cumsum3A_1591 = tpu.scan <sum>, %convert_element_type3A_1588 masked %broadcast_in_dim3A_1590 : vector<16xi32>, vector<16xi1> -> vector<16xi32>
          %slice3A_1592 = vector.extract_strided_slice %masked_cumsum3A_1591 {offsets = [15], sizes = [1], strides = [1]} : vector<16xi32> to vector<1xi32>
          %squeeze3A_1593 = vector.extract %slice3A_1592[0] : i32 from vector<1xi32>
          %gt3A_1594 = arith.constant 0 : i32
          %gt3A_1595 = arith.cmpi sgt, %squeeze3A_1593, %gt3A_1594 : i32
          %convert_element_type3A_1596 = arith.extui %gt3A_1595 : i1 to i32
          %cond3A_1597 = arith.constant 0 : i32
          %cond3A_1598 = arith.cmpi ne, %convert_element_type3A_1596, %cond3A_1597 : i32
          scf.if %cond3A_1598 {
            %sub3A = arith.constant 100000 : i32
            %sub3A_1599 = vector.broadcast %sub3A : i32 to vector<16xi32>
            %sub3A_1600 = arith.subi %get3A_1584, %sub3A_1599 : vector<16xi32>
            %jit3A_1601 = arith.constant 0 : i32
            %broadcast_in_dim3A_1602 = vector.broadcast %jit3A_1601 : i32 to vector<16xi32>
            %select_n3A_1603 = arith.select %ge3A_1587, %sub3A_1600, %broadcast_in_dim3A_1602 : vector<16xi1>, vector<16xi32>
            %mul3A_1604 = arith.constant 16 : i32
            %mul3A_1605 = arith.muli %scan3A_1576, %mul3A_1604 : i32
            %add3A_1606 = vector.broadcast %mul3A_1605 : i32 to vector<16xi32>
            %add3A_1607 = arith.addi %add3A_1606, %iota3A : vector<16xi32>
            %scan3A_1608 = arith.constant 0 : i32
            %scan3A_1609 = arith.constant 0 : i32
            %scan3A_1610 = arith.constant 64 : i32
            %scan3A_1611 = arith.addi %scan3A_1609, %scan3A_1610 : i32
            %scan3A_1612 = arith.constant 1 : i32
            scf.for %scan3A_1614 = %scan3A_1609 to %scan3A_1611 step %scan3A_1612  : i32 {
              %broadcast_in_dim3A_1615 = vector.broadcast %scan3A_1614 : i32 to vector<16xi32>
              %gather3A = tpu.vector_load_idx %arg6[%select_n3A_1603, %broadcast_in_dim3A_1615] : memref<16x64xf32, #tpu.memory_space<vmem>>[vector<16xi32>, vector<16xi32>], vector<16xf32>,
              %scatter3A = arith.constant 0 : i32
              %scatter3A_1616 = arith.constant 0 : i32
              %scatter3A_1617 = tpu.memref_slice %arg9[%cond3A_1554, %scatter3A, %scatter3A_1616] : memref<2x512x64xf32, #tpu.memory_space<vmem>> -> memref<1x512x64xf32, #tpu.memory_space<vmem>>
              %scatter3A_1618 = tpu.memref_squeeze %scatter3A_1617 : memref<1x512x64xf32, #tpu.memory_space<vmem>> -> memref<512x64xf32, #tpu.memory_space<vmem>>
              tpu.vector_store_idx %scatter3A_1618[%add3A_1607, %broadcast_in_dim3A_1615], %gather3A masked %ge3A_1587 : memref<512x64xf32, #tpu.memory_space<vmem>>[vector<16xi32>, vector<16xi32>], vector<16xf32>, vector<16xi1>
            }
            %scan3A_1613 = arith.constant 64 : i32
          } else {
          }
        }
        %scan3A_1575 = arith.constant 32 : i32
      } else {
      }
      %dma_start3A_1557 = arith.constant 1 : i32
      %dma_start3A_1558 = arith.constant 0 : i32
      %dma_start3A_1559 = arith.constant 0 : i32
      %dma_start3A_1560 = tpu.memref_slice %arg9[%dma_start3A_1557, %dma_start3A_1558, %dma_start3A_1559] : memref<2x512x64xf32, #tpu.memory_space<vmem>> -> memref<1x512x64xf32, #tpu.memory_space<vmem>>
      %dma_start3A_1561 = tpu.memref_squeeze %dma_start3A_1560 : memref<1x512x64xf32, #tpu.memory_space<vmem>> -> memref<512x64xf32, #tpu.memory_space<vmem>>
      %dma_start3A_1562 = arith.constant 0 : i32
      %dma_start3A_1563 = tpu.memref_slice %arg5[%add3A_806, %dma_start3A_1562] : memref<819200x64xf32, #tpu.memory_space<hbm>> -> memref<512x64xf32, #tpu.memory_space<hbm>>
      %dma_start3A_1564 = arith.constant 0 : i32
      %dma_start3A_1565 = tpu.memref_slice %arg5[%add3A_806, %dma_start3A_1564] : memref<819200x64xf32, #tpu.memory_space<hbm>> -> memref<512x64xf32, #tpu.memory_space<hbm>>
      %dma_start3A_1566 = arith.constant 0 : i32
      %dma_start3A_1567 = arith.constant 0 : i32
      %dma_start3A_1568 = tpu.memref_slice %arg9[%dma_start3A_1557, %dma_start3A_1566, %dma_start3A_1567] : memref<2x512x64xf32, #tpu.memory_space<vmem>> -> memref<1x512x64xf32, #tpu.memory_space<vmem>>
      %dma_start3A_1569 = tpu.memref_squeeze %dma_start3A_1568 : memref<1x512x64xf32, #tpu.memory_space<vmem>> -> memref<512x64xf32, #tpu.memory_space<vmem>>
      tpu.enqueue_dma source(%dma_start3A_1569 : memref<512x64xf32, #tpu.memory_space<vmem>>) target(%dma_start3A_1565 : memref<512x64xf32, #tpu.memory_space<hbm>>) target_semaphore(%arg13 : memref<!tpu.dma_semaphore, #tpu.memory_space<semaphore_mem>>)
    }
    %scan3A_7 = arith.constant 25 : i32
    %dma_wait3A = arith.constant 0 : i32
    %dma_wait3A_8 = arith.constant 0 : i32
    %dma_wait3A_9 = arith.constant 0 : i32
    %dma_wait3A_10 = tpu.memref_slice %arg9[%dma_wait3A, %dma_wait3A_8, %dma_wait3A_9] : memref<2x512x64xf32, #tpu.memory_space<vmem>> -> memref<1x512x64xf32, #tpu.memory_space<vmem>>
    %dma_wait3A_11 = tpu.memref_squeeze %dma_wait3A_10 : memref<1x512x64xf32, #tpu.memory_space<vmem>> -> memref<512x64xf32, #tpu.memory_space<vmem>>
    %dma_wait3A_12 = arith.constant 0 : i32
    %dma_wait3A_13 = tpu.memref_slice %arg5[%mul3A_2, %dma_wait3A_12] : memref<819200x64xf32, #tpu.memory_space<hbm>> -> memref<512x64xf32, #tpu.memory_space<hbm>>
    %dma_wait3A_14 = arith.constant 0 : i32
    %dma_wait3A_15 = tpu.memref_slice %arg5[%mul3A_2, %dma_wait3A_14] : memref<819200x64xf32, #tpu.memory_space<hbm>> -> memref<512x64xf32, #tpu.memory_space<hbm>>
    %dma_wait3A_16 = arith.constant 0 : i32
    %dma_wait3A_17 = arith.constant 0 : i32
    %dma_wait3A_18 = tpu.memref_slice %arg9[%dma_wait3A, %dma_wait3A_16, %dma_wait3A_17] : memref<2x512x64xf32, #tpu.memory_space<vmem>> -> memref<1x512x64xf32, #tpu.memory_space<vmem>>
    %dma_wait3A_19 = tpu.memref_squeeze %dma_wait3A_18 : memref<1x512x64xf32, #tpu.memory_space<vmem>> -> memref<512x64xf32, #tpu.memory_space<vmem>>
    tpu.wait_dma2 semaphore(%arg12 : memref<!tpu.dma_semaphore, #tpu.memory_space<semaphore_mem>>) src(%dma_wait3A_19 : memref<512x64xf32, #tpu.memory_space<vmem>>) dst(%dma_wait3A_15 : memref<512x64xf32, #tpu.memory_space<hbm>>)
    %dma_wait3A_20 = arith.constant 1 : i32
    %dma_wait3A_21 = arith.constant 0 : i32
    %dma_wait3A_22 = arith.constant 0 : i32
    %dma_wait3A_23 = tpu.memref_slice %arg9[%dma_wait3A_20, %dma_wait3A_21, %dma_wait3A_22] : memref<2x512x64xf32, #tpu.memory_space<vmem>> -> memref<1x512x64xf32, #tpu.memory_space<vmem>>
    %dma_wait3A_24 = tpu.memref_squeeze %dma_wait3A_23 : memref<1x512x64xf32, #tpu.memory_space<vmem>> -> memref<512x64xf32, #tpu.memory_space<vmem>>
    %dma_wait3A_25 = arith.constant 0 : i32
    %dma_wait3A_26 = tpu.memref_slice %arg5[%mul3A_2, %dma_wait3A_25] : memref<819200x64xf32, #tpu.memory_space<hbm>> -> memref<512x64xf32, #tpu.memory_space<hbm>>
    %dma_wait3A_27 = arith.constant 0 : i32
    %dma_wait3A_28 = tpu.memref_slice %arg5[%mul3A_2, %dma_wait3A_27] : memref<819200x64xf32, #tpu.memory_space<hbm>> -> memref<512x64xf32, #tpu.memory_space<hbm>>
    %dma_wait3A_29 = arith.constant 0 : i32
    %dma_wait3A_30 = arith.constant 0 : i32
    %dma_wait3A_31 = tpu.memref_slice %arg9[%dma_wait3A_20, %dma_wait3A_29, %dma_wait3A_30] : memref<2x512x64xf32, #tpu.memory_space<vmem>> -> memref<1x512x64xf32, #tpu.memory_space<vmem>>
    %dma_wait3A_32 = tpu.memref_squeeze %dma_wait3A_31 : memref<1x512x64xf32, #tpu.memory_space<vmem>> -> memref<512x64xf32, #tpu.memory_space<vmem>>
    tpu.wait_dma2 semaphore(%arg13 : memref<!tpu.dma_semaphore, #tpu.memory_space<semaphore_mem>>) src(%dma_wait3A_32 : memref<512x64xf32, #tpu.memory_space<vmem>>) dst(%dma_wait3A_28 : memref<512x64xf32, #tpu.memory_space<hbm>>)
    return
  }
}

</mosaic_0001>

<sc_bundles>
// kernel: kernel.3.cloned.1.call-start
scs
__scs_entry_jumppad:
0x0: {  	(pc) =	sbr.rel $0x88, $3  }
0x1: {  	(tag) =	ssettag $0x0;
	lr =	simm.s32 $0x1  }
0x2: {  	[smem:$0x3F9E] =	sst lr;
	_ =	strace $0xD0000000  }
0x3: {  	_ = 	snop  }
0x4: {  	_ = 	snop  }
0x5: {  	_ = 	snop  }
0x6: {  	_ = 	snop  }
0x7: {  	_ = 	snop  }
__scs_overlays_trampoline_lowered:
0x8: {  	[smem:$0x3FAD] =	sst s0  }
0x9: {  	[smem:$0x3FAE] =	sst s1  }
0xa: {  	[smem:$0x3FAF] =	sst s2  }
0xb: {  	[smem:$0x3FB0] =	sst s3  }
0xc: {  	[smem:$0x3FB1] =	sst s4  }
0xd: {  	[smem:$0x3FB2] =	sst s5  }
0xe: {  	[smem:$0x3FB3] =	sst s6  }
0xf: {  	[smem:$0x3FB4] =	sst s7  }
0x10: {  	[smem:$0x3FB5] =	sst s8  }
0x11: {  	[smem:$0x3FB6] =	sst s9;
	s0 =	simm.s32 @!p0 $0x0  }
0x12: {  	s1 =	sld [smem:$0x3F9C];
	s0 =	simm.s32 @p0 $0x1  }
0x13: {  	[smem:$0x3FB7] =	sst s0;
	s0 =	simm.s32 @!p1 $0x0  }
0x14: {  	s2 =	sld [smem:$0x3F9B];
	s0 =	simm.s32 @p1 $0x1  }
0x15: {  	[smem:$0x3FB8] =	sst s0;
	s0 =	simm.s32 @!p2 $0x0  }
0x16: {  	s3 =	sld [smem:$0x3FDB];
	s0 =	simm.s32 @p2 $0x1  }
0x17: {  	s4 =	simm.s32 $0x1BF5;
	[smem:$0x3FBA] =	sst s0  }
0x18: {  	s0 =	sld [smem:$0x3F9D];
	_ =	swait.ge [sflag:s4], $0x0  }
0x19: {  	s7 =	sld [smem:$0x3F9E]  }
0x1a: {  	s8 =	sadd.s32 $0xFFFFE003, lr  }
0x1b: {  	s9 =	sadd.s32 $0xFFFFFEF7, lr;
	s5 =	simm.s32 $0xFFFFFFFF;
	p2 =	slt.u32 s8, $0xFFFFF086  }
0x1c: {  	p1 =	slt.u32 s9, $0xF7A;
	s5 =	simm.s32 @!p2 $0x0  }
0x1d: {  	s5 =	simm.s32 @p1 $0x1;
	p0 =	seq.s32 s7, s2  }
0x1e: {  	s7 =	smul.u32 @!p0 $0xF7A, s2;
	p2 =	seq.s32 @!p0 s5, $0x0  }
0x1f: {  	s9 =	smul.u32 $0xF7A, s1;
	s8 =	simm.s32 @!p0 $0x1BF5;
	p2 =	por !p2, p0  }
0x20: {  	[sflag:s8] =	ssyncset.s32 @!p0 $0xFFFFF086;
	s6 =	sadd.s32 @!p0 s3, s7;
	s7 =	simm.s32 @!p0 $0x108  }
0x21: {  	s3 =	sadd.s32 s3, s9;
	s6 =	sadd.s32 @!p0 $0x88, s6;
	s7 =	simm.s32 @p2 $0x1082  }
0x22: {  	[simem:s7], [sflag:s8] =	dma.local @!p0 [hbm:s6], $0xF7A  }
0x23: {  	s9 =	sor.u32 $0xD0000000, s2;
	s6 =	simm.s32 $0x108;
	_ =	swait.ge @!p0 [sflag:s8], $0x0  }
0x24: {  	s3 =	sadd.s32 $0x88, s3;
	s6 =	simm.s32 @!p1 $0x1082;
	[sflag:s4] =	ssyncset.s32 $0xFFFFF086  }
0x25: {  	[simem:s6], [sflag:s4] =	dma.local [hbm:s3], $0xF7A  }
0x26: {  	[smem:$0x3F9E] =	sst s1;
	(tag) =	ssettag s2;
	_ =	strace s9  }
0x27: {  	s1 =	sld [smem:$0x3FAE]  }
0x28: {  	s2 =	sld [smem:$0x3FAF]  }
0x29: {  	s4 =	sld [smem:$0x3FB1]  }
0x2a: {  	p0 =	seq.s32 s5, $0x0;
	s5 =	sld [smem:$0x3FB2]  }
0x2b: {  	s6 =	sld [smem:$0x3FB3]  }
0x2c: {  	s7 =	sld [smem:$0x3FB4]  }
0x2d: {  	s3 =	simm.s32 $0x108;
	s8 =	sld [smem:$0x3FB5]  }
0x2e: {  	s3 =	simm.s32 @!p0 $0x1082;
	s9 =	sld [smem:$0x3FB6]  }
0x2f: {  	lr =	sadd.s32 s0, s3;
	s0 =	sld [smem:$0x3FAD]  }
0x30: {  	s3 =	sld [smem:$0x3FB0]  }
0x31: {  	[smem:$0x3FB9] =	sst s10  }
0x32: {  	s10 =	sld [smem:$0x3FB7];
	_ =	sdelay $0x3  }
0x33: {  	p0 =	seq.s32 s10, $0x1;
	s10 =	sld [smem:$0x3FB9];
	_ =	sdelay $0x3  }
0x34: {  	[smem:$0x3FB9] =	sst s10  }
0x35: {  	s10 =	sld [smem:$0x3FB8];
	_ =	sdelay $0x3  }
0x36: {  	p1 =	seq.s32 s10, $0x1;
	s10 =	sld [smem:$0x3FB9];
	_ =	sdelay $0x3  }
0x37: {  	[smem:$0x3FB9] =	sst s10  }
0x38: {  	s10 =	sld [smem:$0x3FBA]  }
0x39: {  	_ = 	snop;
	(pc) =	sbr.ind lr, $3  }
0x3a: {  	_ = 	snop  }
0x3b: {  	_ = 	snop  }
0x3c: {  	p2 =	seq.s32 s10, $0x1;
	s10 =	sld [smem:$0x3FB9]  }
0x3d: {  	_ =	shalt  }
0x3e: {  	_ =	shalt  }
0x3f: {  	_ =	shalt  }
0x40: {  	_ =	shalt  }
0x41: {  	_ =	shalt  }
0x42: {  	_ =	shalt  }
0x43: {  	_ =	shalt  }
0x44: {  	_ =	shalt  }
0x45: {  	_ =	shalt  }
0x46: {  	_ =	shalt  }
0x47: {  	_ =	shalt  }
0x48: {  	_ =	shalt  }
0x49: {  	_ =	shalt  }
0x4a: {  	_ =	shalt  }
0x4b: {  	_ =	shalt  }
0x4c: {  	_ =	shalt  }
0x4d: {  	_ =	shalt  }
0x4e: {  	_ =	shalt  }
0x4f: {  	_ =	shalt  }
0x50: {  	_ =	shalt  }
0x51: {  	_ =	shalt  }
0x52: {  	_ =	shalt  }
0x53: {  	_ =	shalt  }
0x54: {  	_ =	shalt  }
0x55: {  	_ =	shalt  }
0x56: {  	_ =	shalt  }
0x57: {  	_ =	shalt  }
0x58: {  	_ =	shalt  }
0x59: {  	_ =	shalt  }
0x5a: {  	_ =	shalt  }
0x5b: {  	_ =	shalt  }
0x5c: {  	_ =	shalt  }
0x5d: {  	_ =	shalt  }
0x5e: {  	_ =	shalt  }
0x5f: {  	_ =	shalt  }
0x60: {  	_ =	shalt  }
0x61: {  	_ =	shalt  }
0x62: {  	_ =	shalt  }
0x63: {  	_ =	shalt  }
0x64: {  	_ =	shalt  }
0x65: {  	_ =	shalt  }
0x66: {  	_ =	shalt  }
0x67: {  	_ =	shalt  }
0x68: {  	_ =	shalt  }
0x69: {  	_ =	shalt  }
0x6a: {  	_ =	shalt  }
0x6b: {  	_ =	shalt  }
0x6c: {  	_ =	shalt  }
0x6d: {  	_ =	shalt  }
0x6e: {  	_ =	shalt  }
0x6f: {  	_ =	shalt  }
0x70: {  	_ =	shalt  }
0x71: {  	_ =	shalt  }
0x72: {  	_ =	shalt  }
0x73: {  	_ =	shalt  }
0x74: {  	_ =	shalt  }
0x75: {  	_ =	shalt  }
0x76: {  	_ =	shalt  }
0x77: {  	_ =	shalt  }
0x78: {  	_ =	shalt  }
0x79: {  	_ =	shalt  }
0x7a: {  	_ =	shalt  }
0x7b: {  	_ =	shalt  }
0x7c: {  	_ =	shalt  }
0x7d: {  	_ =	shalt  }
0x7e: {  	_ =	shalt  }
0x7f: {  	_ =	shalt  }
0x80: {  	_ =	shalt  }
0x81: {  	_ =	shalt  }
0x82: {  	_ =	shalt  }
0x83: {  	_ =	shalt  }
0x84: {  	_ =	shalt  }
0x85: {  	_ =	shalt  }
0x86: {  	_ =	shalt  }
0x87: {  	_ =	shalt  }
.Lfunc_end0:
.L_simem_size_0:
called_computation.1_lowered:
.L_overlay_start_0:
0x88: {  	s2 =	sld [smem:$0x3FD9]  }
0x89: {  	s3 =	sld [smem:$0x3FFE];
	_ =	sdelay $0x1  }
0x8a: {  	s1 =	srdreg.scid  }
0x8b: {  	s0 =	sand.u32 $0x1, s1  }
0x8c: {  	s17 =	sshll.u32 s0, $0xA;
	s2 =	sadd.s32 s3, s2  }
0x8d: {  	s2 =	sadd.s32 s2, s17  }
0x8e: {  	[smem:$0x3FC5] =	sst s2  }
0x8f: {  	_ = 	snop  }
0x90: {  	s2 =	sld [smem:$0x3FD0];
	(tm) =	ssettm $0x1  }
0x91: {  	s18 =	sld [smem:$0x3FFB];
	_ =	sdelay $0x3  }
0x92: {  	_ =	strace s18  }
0x93: {  	s3 =	sld [smem:$0x3FFC];
	_ =	sdelay $0x3  }
0x94: {  	_ =	strace s3  }
0x95: {  	s3 =	sld [smem:$0x3FFD];
	_ =	sdelay $0x3  }
0x96: {  	_ =	strace s3  }
0x97: {  	_ =	strace $0x8FFFFFFF  }
0x98: {  	s19 =	sld [smem:$0x3FDB];
	_ =	sdelay $0x1  }
0x99: {  	s4 =	simm.s32 $_scs_section_size  }
0x9a: {  	s5 =	simm.s32 $_size__tile_overlayer_lowered;
	s6 =	simm.s32 $_tile_overlayer_lowered  }
0x9b: {  	s22 =	simm.s32 $0x1BFF;
	s21 =	sshll.u32 s6, $0x1;
	s3 =	sadd.s32 s4, s19  }
0x9c: {  	s7 =	simm.s32 $0x0;
	s20 =	sshll.u32 s5, $0x1;
	s5 =	sadd.s32 s21, s3  }
0x9d: {  	[timem:s7], [sflag:s22] =	dma.local [hbm:s5], s20  }
0x9e: {  	_ =	swait.ge [sflag:s22], s20  }
0x9f: {  	s4 =	ssub.s32 $0x0, s20;
	[sflag:s22] =	ssyncset.done $0x0  }
0xa0: {  	[sflag:s22] =	ssyncadd.s32 s4;
	_ =	sdelay $0x1  }
0xa1: {  	s23 =	simm.s32 $0x1B8B  }
0xa2: {  	_ =	swait.ge [sflag:s23], $0x1  }
0xa3: {  	[sflag:s23] =	ssyncset.done $0x0  }
0xa4: {  	s25 =	simm.s32 $0x1B8E;
	s24 =	sld [smem:$0x3FFE];
	[sflag:s23] =	ssyncadd.s32 $0xFFFFFFFF  }
0xa5: {  	s26 =	simm.s32 $execute0_lowered;
	[smem:$0x3FD2] =	sst s25  }
0xa6: {  	s5 =	sshll.u32 s26, $0x1;
	_ =	strace $0x80000046;
	[dreg:$0x1] =	wrdreg $0xFFFFFFFF  }
0xa7: {  	s28 =	simm.s32 $_size_execute0_lowered;
	s3 =	sadd.s32 s3, s5;
	[dreg:$0x0] =	wrdreg $0x0  }
0xa8: {  	s5 =	sshll.u32 s28, $0x1;
	[dreg:$0x2] =	wrdreg s3  }
0xa9: {  	[dreg:$0x3] =	wrdreg s5  }
0xaa: {  	[dreg:$0x4] =	wrdreg $0xC0  }
0xab: {  	_ =	task [dreg:s7], $0x5FFFF  }
0xac: {  	[dreg:$0x1] =	wrdreg $0xFFFFFFFF  }
0xad: {  	[dreg:$0x0] =	wrdreg $0x60  }
0xae: {  	[dreg:$0x2] =	wrdreg s24  }
0xaf: {  	[dreg:$0x3] =	wrdreg s2  }
0xb0: {  	[dreg:$0x4] =	wrdreg $0x9  }
0xb1: {  	_ =	task.clear_ibuf [dreg:s7], $0x5FFFF;
	_ =	strace $0x90000046  }
0xb2: {  	s29 =	simm.s32 $0x9;
	_ =	strace $0x80000048  }
0xb3: {  	_ =	swait.ge [sflag:s29], $0x1  }
0xb4: {  	[sflag:s29] =	ssyncadd.s32 $0xFFFFFFFF  }
0xb5: {  	_ =	strace $0x90000048  }
0xb6: {  	_ =	sfence  }
0xb7: {  	s30 =	sld [smem:$0x0];
	_ =	sdelay $0x2  }
0xb8: {  	s31 =	sshll.u32 s1, $0xD;
	s1 =	sshrl.u32 s1, $0x2  }
0xb9: {  	s3 =	sand.u32 $0x4000, s31;
	s1 =	sadd.s32 s1, s30  }
0xba: {  	s0 =	sor.u32 s3, s0;
	s1 =	sshll.u32 s1, $0x11  }
0xbb: {  	s0 =	sor.u32 s1, s0  }
0xbc: {  	s0 =	sadd.s32 $0x8F2B, s0  }
0xbd: {  	[sflag:s0] =	ssyncadd.remote.s32 $0x1  }
0xbe: {  	_ =	sfence.sel $0xFFFF  }
0xbf: {  	[dreg:$0x0] =	wrdreg $0xFFFFFFFF;
	(pc) =	sbr.abs _section_cstart, $3  }
0xc0: {  	[dreg:$0x1] =	wrdreg $0xFFFFFFFF  }
0xc1: {  	_ =	task.clear_ibuf [dreg:s7], $0x2FFFF;
	_ =	strace $0x9FFFFFFF  }
0xc2: {  	(tm) =	ssettm $0x7FFFFFFF  }
0xc3: {  	_ =	shalt  }
tec
execute0_lowered:
.L_overlay_start_1:
0x0: {  	(tag) =	ssettag $0x1  }
0x1: {  	s0 =	rddreg [dreg:$0x0]  }
0x2: {  	s1 =	rddreg [dreg:$0x1];
	s2 =	simm.s32 $0x0  }
0x3: {  	s3 =	srdreg.scid;
	s6 =	stileid.u32;
	s9 =	simm.s32 $0x5  }
0x4: {  	s11 =	simm.s32 $0x80;
	s13 =	simm.s32 $0xC00;
	s14 =	simm.s32 $0x880  }
0x5: {  	s15 =	simm.s32 $0x2C00;
	s16 =	simm.s32 $0x900;
	s17 =	simm.s32 $0x4C00  }
0x6: {  	s18 =	simm.s32 $0x980;
	s19 =	simm.s32 $0x6C00;
	s20 =	simm.s32 $0x1  }
0x7: {  	s21 =	simm.s32 $0x600;
	s22 =	simm.s32 $0xA00;
	s23 =	simm.s32 $0x8C00  }
0x8: {  	s24 =	simm.s32 $0xA80;
	s28 =	simm.s32 $0xCC00;
	s29 =	simm.s32 $0xB80  }
0x9: {  	s30 =	simm.s32 $0xEC00;
	s31 =	simm.s32 $0x2;
	[smem:$0x7FF] =	sst s2  }
0xa: {  	s3 =	sand.u32 $0x1, s3;
	s4 =	sadd.s32 $0x19A00, s0;
	s7 =	sadd.s32 $0x800, s0  }
.Ltmp0:
0xb: {  	s8 =	sshll.u32 s6, $0x1;
	s5 =	ssub.s32 $0x2, s3;
	(pc) =	sbr.rel .LBB2_1-.Ltmp0, $4  }
0xc: {  	s6 =	sadd.s32 $0xA00, s0;
	_ =	strace $0x80000047;
	s25 =	sshrl.u32 s5, $0x1  }
0xd: {  	[dreg:$0x3] =	wrdreg s7;
	s3 =	sor.u32 s3, s8;
	s26 =	ssub.s32 s5, s25  }
0xe: {  	v1 =	vlaneseq.u32;
	s7 =	smul.u32 $0x6400, s3;
	s25 =	simm.s32 $0xAC00;
	s0 =	smax.u32 s26, $0x1  }
0xf: {  	v0 =	vimm.s32 $0x0;
	v1 =	vmul.u32 $0x40, v1;
	s5 =	simm.s32 $0x0;
	s26 =	simm.s32 $0xB00;
	[dreg:$0x4] =	wrdreg s0  }
.LBB2_15:
0x10: {  	s0 =	simm.s32 $0x3  }
0x11: {  	_ =	swait.ge [sflag:s0], $0x8000  }
0x12: {  	[sflag:s0] =	ssyncset.done $0x0  }
0x13: {  	s3 =	simm.s32 $0x4;
	[sflag:s0] =	ssyncadd.s32 $0xFFFF8000  }
0x14: {  	_ =	swait.ge [sflag:s3], $0x8000  }
0x15: {  	s5 =	rddreg [dreg:$0x5]  }
0x16: {  	s12 =	rddreg [dreg:$0x4];
	s5 =	sadd.s32 $0x1, s5  }
0x17: {  	p0 =	sne.s32 s5, s12  }
.Ltmp1:
0x18: {  	_ = 	snop;
	(pc) =	sbr.rel @!p0 .LBB2_16-.Ltmp1, $3  }
0x19: {  	_ =	sdelay $0x1  }
0x1a: {  	[sflag:s3] =	ssyncset.done $0x0  }
0x1b: {  	[sflag:s3] =	ssyncadd.s32 $0xFFFF8000  }
.LBB2_1:
0x1c: {  	[dreg:$0x5] =	wrdreg s5  }
.Ltmp2:
0x1d: {  	s0 =	rddreg [dreg:$0x3];
	(pc) =	sbr.rel .LBB2_2-.Ltmp2, $4  }
0x1e: {  	[tilespmem:s2], [sflag:$0x5] =	stream.linear.gather [hbm4b:s0+s2], $0x400, $0x38;
	[tilespmem:$0x10C00] =	vst v63  }
0x1f: {  	_ =	swait.ge [sflag:s9], $0x400  }
0x20: {  	[sflag:s9] =	ssyncset.done $0x0  }
0x21: {  	s8 =	simm.s32 $0x0;
	[sflag:s9] =	ssyncadd.s32 $0xFFFFFC00  }
.LBB2_14:
0x22: {  	s8 =	sadd.s32 $0x1, s8  }
0x23: {  	p0 =	sne.s32 s8, $0x19  }
.Ltmp3:
0x24: {  	_ = 	snop;
	(pc) =	sbr.rel @!p0 .LBB2_15-.Ltmp3, $4  }
0x25: {  	s0 =	sshll.u32 s0, $0x3  }
0x26: {  	s0 =	sand.u32 $0x1FFFF000, s0  }
0x27: {  	s0 =	sadd.s32 s1, s0  }
0x28: {  	[hbm4b:s0+s2] =	stream.linear.scatter [tilespmem:s23], [sflag:$0x4], $0x8000, $0x38;
	[tilespmem:$0x10C00] =	vst v63  }
.LBB2_2:
0x29: {  	p0 =	seq.s32 s8, $0x0  }
0x2a: {  	s0 =	sshll.u32 s8, $0xA;
	s5 =	simm.s32 @!p0 $0x3  }
0x2b: {  	s3 =	sadd.s32 s7, s0;
	_ =	swait.ge @!p0 [sflag:s5], $0x8000  }
0x2c: {  	s12 =	simm.s32 $0x400;
	s10 =	sshrl.u32 s3, $0x3;
	[sflag:s5] =	ssyncset.done @!p0 $0x0  }
0x2d: {  	s10 =	sadd.s32 s6, s10;
	[sflag:s5] =	ssyncadd.s32 @!p0 $0xFFFF8000;
	s5 =	simm.s32 $0x0  }
0x2e: {  	[tilespmem:s12], [sflag:$0x5] =	stream.linear.gather [hbm4b:s10+s5], $0x200, $0x38;
	[tilespmem:$0x10C00] =	vst v63  }
0x2f: {  	_ =	swait.ge [sflag:s9], $0x200  }
0x30: {  	[sflag:s9] =	ssyncset.done $0x0  }
0x31: {  	[sflag:s9] =	ssyncadd.s32 $0xFFFFFE00  }
0x32: {  	v2 =	vld [tilespmem:$0x400]  }
0x33: {  	v3 =	vld [tilespmem:$0x410]  }
0x34: {  	v4 =	vld [tilespmem:$0x420]  }
0x35: {  	v5 =	vld [tilespmem:$0x430]  }
0x36: {  	v6 =	vld [tilespmem:$0x440]  }
0x37: {  	v8 =	vld [tilespmem:$0x450]  }
0x38: {  	v10 =	vld [tilespmem:$0x460]  }
0x39: {  	v11 =	vld [tilespmem:$0x470]  }
0x3a: {  	v35 =	vld [tilespmem:$0x480]  }
0x3b: {  	v13 =	vld [tilespmem:$0x490]  }
0x3c: {  	v14 =	vld [tilespmem:$0x4A0]  }
0x3d: {  	v38 =	vld [tilespmem:$0x4B0]  }
0x3e: {  	v16 =	vld [tilespmem:$0x4C0]  }
0x3f: {  	v23 =	vimm.s32 $0x0;
	v17 =	vld [tilespmem:$0x4D0]  }
0x40: {  	v24 =	vimm.s32 $0x0;
	v25 =	vimm.s32 $0x0;
	v21 =	vld [tilespmem:$0x510];
	vm0 =	vgt.s32 v2, $0x1869F  }
0x41: {  	vm13 =	vgt.s32 v3, $0x1869F;
	vm14 =	vgt.s32 v4, $0x1869F;
	vm1 =	vgt.s32 v5, $0x1869F  }
0x42: {  	vm15 =	vgt.s32 v6, $0x1869F;
	vm4 =	vgt.s32 v8, $0x1869F;
	vm5 =	vgt.s32 v10, $0x1869F  }
0x43: {  	vm6 =	vgt.s32 v11, $0x1869F;
	vm7 =	vgt.s32 v35, $0x1869F;
	vm8 =	vgt.s32 v13, $0x1869F  }
0x44: {  	vm9 =	vgt.s32 v14, $0x1869F;
	vm10 =	vgt.s32 v38, $0x1869F;
	vm11 =	vgt.s32 v16, $0x1869F  }
0x45: {  	vm12 =	vgt.s32 v17, $0x1869F;
	vm3 =	vgt.s32 v21, $0x1869F;
	v2 =	vsel vm0, $0x0, v2  }
0x46: {  	v7 =	vsel vm0, $0x1, v0;
	v3 =	vsel vm13, $0x0, v3;
	v9 =	vsel vm13, $0x1, v0  }
0x47: {  	v33 =	vsel vm14, $0x1, v0;
	v4 =	vsel vm14, $0x0, v4;
	v34 =	vsel vm1, $0x1, v0  }
0x48: {  	v5 =	vsel vm1, $0x0, v5;
	v6 =	vsel vm15, $0x0, v6;
	v7 =	vadd.s32 v7, v9  }
0x49: {  	v12 =	vsel vm15, $0x1, v0;
	v36 =	vsel vm4, $0x1, v0;
	v7 =	vadd.s32 v33, v7  }
0x4a: {  	v41 =	vld [tilespmem:$0x4E0];
	v8 =	vsel vm4, $0x0, v8;
	v37 =	vsel vm5, $0x1, v0;
	v7 =	vadd.s32 v34, v7  }
0x4b: {  	v19 =	vld [tilespmem:$0x4F0];
	v10 =	vsel vm5, $0x0, v10;
	v11 =	vsel vm6, $0x0, v11;
	v7 =	vadd.s32 v12, v7  }
0x4c: {  	v20 =	vld [tilespmem:$0x500];
	v15 =	vsel vm6, $0x1, v0;
	v39 =	vsel vm7, $0x1, v0;
	v7 =	vadd.s32 v36, v7  }
0x4d: {  	v44 =	vld [tilespmem:$0x520];
	v40 =	vsel vm8, $0x1, v0;
	v13 =	vsel vm8, $0x0, v13;
	v7 =	vadd.s32 v37, v7  }
0x4e: {  	v45 =	vld [tilespmem:$0x530];
	v14 =	vsel vm9, $0x0, v14;
	v18 =	vsel vm9, $0x1, v0;
	v7 =	vadd.s32 v15, v7  }
0x4f: {  	v47 =	vld [tilespmem:$0x540];
	v42 =	vsel vm10, $0x1, v0;
	v43 =	vsel vm11, $0x1, v0;
	v7 =	vadd.s32 v39, v7  }
0x50: {  	v26 =	vld [tilespmem:$0x560];
	v16 =	vsel vm11, $0x0, v16;
	v17 =	vsel vm12, $0x0, v17;
	v7 =	vadd.s32 v40, v7  }
0x51: {  	v27 =	vld [tilespmem:$0x570];
	v22 =	vsel vm12, $0x1, v0;
	vm13 =	vgt.s32 v41, $0x1869F;
	v7 =	vadd.s32 v18, v7  }
0x52: {  	v54 =	vld [tilespmem:$0x590];
	vm14 =	vgt.s32 v19, $0x1869F;
	vm15 =	vgt.s32 v20, $0x1869F;
	v7 =	vadd.s32 v42, v7  }
0x53: {  	v55 =	vld [tilespmem:$0x5A0];
	v51 =	vsel vm3, $0x1, v0;
	vm4 =	vgt.s32 v44, $0x1869F;
	v7 =	vadd.s32 v43, v7  }
0x54: {  	vm5 =	vgt.s32 v45, $0x1869F;
	v46 =	vsel vm13, $0x1, v0;
	v7 =	vadd.s32 v22, v7  }
0x55: {  	v49 =	vld [tilespmem:$0x550];
	vm6 =	vgt.s32 v47, $0x1869F;
	v48 =	vsel vm14, $0x1, v0;
	v7 =	vadd.s32 v46, v7  }
0x56: {  	vm8 =	vgt.s32 v26, $0x1869F;
	v50 =	vsel vm15, $0x1, v0;
	[tilespmem:$0x800] =	vst v2;
	v7 =	vadd.s32 v48, v7  }
0x57: {  	vm9 =	vgt.s32 v27, $0x1869F;
	vm11 =	vgt.s32 v54, $0x1869F;
	[tilespmem:$0x810] =	vst v3;
	v7 =	vadd.s32 v50, v7  }
0x58: {  	v53 =	vld [tilespmem:$0x580];
	vm12 =	vgt.s32 v55, $0x1869F;
	v52 =	vsel vm4, $0x1, v0;
	[tilespmem:$0x820] =	vst v4;
	v2 =	vadd.s32 v51, v7  }
0x59: {  	v9 =	vsel vm7, $0x0, v35;
	v3 =	vsel vm5, $0x1, v0;
	[tilespmem:$0x830] =	vst v5;
	v2 =	vadd.s32 v52, v2  }
0x5a: {  	vm7 =	vgt.s32 v49, $0x1869F;
	[tilespmem:$0x840] =	vst v6;
	v2 =	vadd.s32 v3, v2;
	v3 =	vsel vm6, $0x1, v0  }
0x5b: {  	v56 =	vld [tilespmem:$0x5B0];
	v23 =	vsel vm13, $0xFFFFFFFF, v23;
	[tilespmem:$0x850] =	vst v8;
	v2 =	vadd.s32 v3, v2;
	v3 =	vsel vm7, $0x1, v0  }
0x5c: {  	v57 =	vld [tilespmem:$0x5C0];
	[tilespmem:$0x860] =	vst v10;
	v12 =	vsel vm10, $0x0, v38;
	v2 =	vadd.s32 v3, v2;
	v3 =	vsel vm8, $0x1, v0  }
0x5d: {  	v58 =	vld [tilespmem:$0x5D0];
	[tilespmem:$0x870] =	vst v11;
	vm10 =	vgt.s32 v53, $0x1869F;
	v2 =	vadd.s32 v3, v2;
	v3 =	vsel vm9, $0x1, v0  }
0x5e: {  	v59 =	vld [tilespmem:$0x5E0];
	v24 =	vsel vm14, $0xFFFFFFFF, v24;
	[tilespmem:$0x890] =	vst v13;
	v2 =	vadd.s32 v3, v2;
	v3 =	vsel vm10, $0x1, v0  }
0x5f: {  	v60 =	vld [tilespmem:$0x5F0];
	v25 =	vsel vm15, $0xFFFFFFFF, v25;
	[tilespmem:$0x8A0] =	vst v14;
	v2 =	vadd.s32 v3, v2;
	v3 =	vsel vm11, $0x1, v0  }
0x60: {  	vm13 =	vgt.s32 v56, $0x1869F;
	[tilespmem:$0x1FFD0] =	vst v23;
	v2 =	vadd.s32 v3, v2;
	v3 =	vsel vm12, $0x1, v0  }
0x61: {  	vm14 =	vgt.s32 v57, $0x1869F;
	[tilespmem:$0x1FFE0] =	vst v24;
	v61 =	vld [tilespmem:$0x1FFD0];
	v2 =	vadd.s32 v3, v2;
	v3 =	vsel vm13, $0x1, v0  }
0x62: {  	vm15 =	vgt.s32 v58, $0x1869F;
	[tilespmem:$0x8C0] =	vst v16;
	v62 =	vld [tilespmem:$0x1FFE0];
	v2 =	vadd.s32 v3, v2;
	v3 =	vsel vm14, $0x1, v0  }
0x63: {  	vm1 =	vgt.s32 v59, $0x1869F;
	[tilespmem:$0x8D0] =	vst v17;
	v2 =	vadd.s32 v3, v2;
	v3 =	vsel vm15, $0x1, v0  }
0x64: {  	vm0 =	vgt.s32 v60, $0x1869F;
	[tilespmem:$0x1FFF0] =	vst v25;
	v2 =	vadd.s32 v3, v2;
	v3 =	vsel vm1, $0x1, v0  }
0x65: {  	v63 =	vsel vm9, $0x0, v27;
	[tilespmem:$0x880] =	vst v9;
	v2 =	vadd.s32 v3, v2;
	v3 =	vsel vm0, $0x1, v0  }
0x66: {  	[tilespmem:$0x970] =	vst v63;
	vm2 =	vnez.u8 v61;
	v2 =	vadd.s32 v3, v2;
	v3 =	vld [tilespmem:$0x1FFF0]  }
0x67: {  	[tilespmem:$0x8B0] =	vst v12;
	v9 =	vsel vm2, $0x0, v41;
	vm2 =	vnez.u8 v62  }
0x68: {  	v12 =	vsel vm2, $0x0, v19;
	[tilespmem:$0x8E0] =	vst v9;
	(xrf0) =	vadd.scan.msk.s32 $0xffff, v2  }
0x69: {  	[tilespmem:$0x8F0] =	vst v12;
	v2 =	vsel vm3, $0x0, v21  }
0x6a: {  	[tilespmem:$0x910] =	vst v2;
	v2 =	vsel vm5, $0x0, v45  }
0x6b: {  	[tilespmem:$0x930] =	vst v2;
	v2 =	vsel vm7, $0x0, v49;
	vm2 =	vnez.u8 v3  }
0x6c: {  	[tilespmem:$0x950] =	vst v2;
	v3 =	vsel vm2, $0x0, v20  }
0x6d: {  	[tilespmem:$0x900] =	vst v3;
	v3 =	vsel vm4, $0x0, v44  }
0x6e: {  	v2, _, _ =	vpop (xrf0);
	[tilespmem:$0x920] =	vst v3;
	v3 =	vsel vm6, $0x0, v47  }
0x6f: {  	(v2sf) =	vpush v2, $0xF;
	v2 =	vsel vm10, $0x0, v53;
	[tilespmem:$0x940] =	vst v3  }
0x70: {  	v3 =	vsel vm8, $0x0, v26;
	[tilespmem:$0x980] =	vst v2  }
0x71: {  	v2 =	vsel vm12, $0x0, v55;
	[tilespmem:$0x960] =	vst v3  }
0x72: {  	v3 =	vsel vm11, $0x0, v54;
	[tilespmem:$0x9A0] =	vst v2  }
0x73: {  	v2 =	vsel vm14, $0x0, v57;
	[tilespmem:$0x990] =	vst v3  }
0x74: {  	v3 =	vsel vm13, $0x0, v56;
	[tilespmem:$0x9C0] =	vst v2  }
0x75: {  	v2 =	vsel vm1, $0x0, v59;
	[tilespmem:$0x9B0] =	vst v3  }
0x76: {  	v3 =	vsel vm15, $0x0, v58;
	[tilespmem:$0x9E0] =	vst v2  }
0x77: {  	v2 =	vsel vm0, $0x0, v60;
	[tilespmem:$0x9D0] =	vst v3  }
0x78: {  	s12 =	simm.s32 $0x800;
	[tilespmem:$0x9F0] =	vst v2  }
0x79: {  	[tilespmem:s13], [sflag:$0x1] =	stream.indirect.gather [hbm4b:s4+s11], $0x40, s12, s11, $0xb8;
	[tilespmem:$0x10C00] =	vst v63  }
0x7a: {  	_ = 	snop  }
0x7b: {  	[tilespmem:s15], [sflag:$0x1] =	stream.indirect.gather [hbm4b:s4+s11], $0x40, s14, s11, $0xb8;
	[tilespmem:$0x10C00] =	vst v63  }
0x7c: {  	_ = 	snop  }
0x7d: {  	[tilespmem:s17], [sflag:$0x1] =	stream.indirect.gather [hbm4b:s4+s11], $0x40, s16, s11, $0xb8;
	[tilespmem:$0x10C00] =	vst v63  }
0x7e: {  	_ = 	snop  }
0x7f: {  	[tilespmem:s19], [sflag:$0x1] =	stream.indirect.gather [hbm4b:s4+s11], $0x40, s18, s11, $0xb8;
	[tilespmem:$0x10C00] =	vst v63  }
0x80: {  	s12 =	spop (v2sf)  }
0x81: {  	_ =	swait.ge [sflag:s20], $0x2000  }
0x82: {  	[sflag:s20] =	ssyncset.done $0x0  }
0x83: {  	[sflag:s20] =	ssyncadd.s32 $0xFFFFE000  }
0x84: {  	_ =	swait.ge [sflag:s20], $0x2000  }
0x85: {  	[sflag:s20] =	ssyncset.done $0x0  }
0x86: {  	[sflag:s20] =	ssyncadd.s32 $0xFFFFE000  }
0x87: {  	p1 =	slt.s32 s12, $0x1;
	_ =	swait.ge [sflag:s20], $0x2000  }
.Ltmp4:
0x88: {  	[sflag:s20] =	ssyncset.done $0x0;
	(pc) =	sbr.rel @!p1 .LBB2_3-.Ltmp4, $4  }
0x89: {  	[sflag:s20] =	ssyncadd.s32 $0xFFFFE000  }
0x8a: {  	_ =	swait.ge [sflag:s20], $0x2000  }
0x8b: {  	[sflag:s20] =	ssyncset.done $0x0  }
0x8c: {  	[sflag:s20] =	ssyncadd.s32 $0xFFFFE000  }
.LBB2_8:
0x8d: {  	s3 =	sshll.u32 s3, $0x3  }
0x8e: {  	s3 =	sadd.s32 s1, s3  }
0x8f: {  	[hbm4b:s3+s2] =	stream.linear.scatter [tilespmem:s13], [sflag:$0x3], $0x8000, $0x38;
	[tilespmem:$0x10C00] =	vst v63  }
0x90: {  	s0 =	sor.u32 $0x200, s0;
	s3 =	simm.s32 @!p0 $0x4  }
0x91: {  	s0 =	sadd.s32 s7, s0;
	_ =	swait.ge @!p0 [sflag:s3], $0x8000  }
0x92: {  	s5 =	sshrl.u32 s0, $0x3;
	[sflag:s3] =	ssyncset.done @!p0 $0x0  }
0x93: {  	s5 =	sadd.s32 s6, s5;
	[sflag:s3] =	ssyncadd.s32 @!p0 $0xFFFF8000;
	s3 =	simm.s32 $0x0  }
0x94: {  	[tilespmem:s21], [sflag:$0x5] =	stream.linear.gather [hbm4b:s5+s3], $0x200, $0x38;
	[tilespmem:$0x10C00] =	vst v63  }
0x95: {  	_ =	swait.ge [sflag:s9], $0x200  }
0x96: {  	[sflag:s9] =	ssyncset.done $0x0  }
0x97: {  	[sflag:s9] =	ssyncadd.s32 $0xFFFFFE00  }
0x98: {  	v2 =	vld [tilespmem:$0x600]  }
0x99: {  	v3 =	vld [tilespmem:$0x610]  }
0x9a: {  	v4 =	vld [tilespmem:$0x620]  }
0x9b: {  	v5 =	vld [tilespmem:$0x630]  }
0x9c: {  	v6 =	vld [tilespmem:$0x640]  }
0x9d: {  	v8 =	vld [tilespmem:$0x650]  }
0x9e: {  	v10 =	vld [tilespmem:$0x660]  }
0x9f: {  	v11 =	vld [tilespmem:$0x670]  }
0xa0: {  	v35 =	vld [tilespmem:$0x680]  }
0xa1: {  	v13 =	vld [tilespmem:$0x690]  }
0xa2: {  	v14 =	vld [tilespmem:$0x6A0]  }
0xa3: {  	v38 =	vld [tilespmem:$0x6B0]  }
0xa4: {  	v16 =	vld [tilespmem:$0x6C0]  }
0xa5: {  	v23 =	vimm.s32 $0x0;
	v17 =	vld [tilespmem:$0x6D0]  }
0xa6: {  	v24 =	vimm.s32 $0x0;
	v25 =	vimm.s32 $0x0;
	v21 =	vld [tilespmem:$0x710];
	vm0 =	vgt.s32 v2, $0x1869F  }
0xa7: {  	vm13 =	vgt.s32 v3, $0x1869F;
	vm14 =	vgt.s32 v4, $0x1869F;
	vm1 =	vgt.s32 v5, $0x1869F  }
0xa8: {  	vm15 =	vgt.s32 v6, $0x1869F;
	vm4 =	vgt.s32 v8, $0x1869F;
	vm5 =	vgt.s32 v10, $0x1869F  }
0xa9: {  	vm6 =	vgt.s32 v11, $0x1869F;
	vm7 =	vgt.s32 v35, $0x1869F;
	vm8 =	vgt.s32 v13, $0x1869F  }
0xaa: {  	vm9 =	vgt.s32 v14, $0x1869F;
	vm10 =	vgt.s32 v38, $0x1869F;
	vm11 =	vgt.s32 v16, $0x1869F  }
0xab: {  	vm12 =	vgt.s32 v17, $0x1869F;
	vm3 =	vgt.s32 v21, $0x1869F;
	v2 =	vsel vm0, $0x0, v2  }
0xac: {  	v7 =	vsel vm0, $0x1, v0;
	v3 =	vsel vm13, $0x0, v3;
	v9 =	vsel vm13, $0x1, v0  }
0xad: {  	v33 =	vsel vm14, $0x1, v0;
	v4 =	vsel vm14, $0x0, v4;
	v34 =	vsel vm1, $0x1, v0  }
0xae: {  	v5 =	vsel vm1, $0x0, v5;
	v6 =	vsel vm15, $0x0, v6;
	v7 =	vadd.s32 v7, v9  }
0xaf: {  	v12 =	vsel vm15, $0x1, v0;
	v36 =	vsel vm4, $0x1, v0;
	v7 =	vadd.s32 v33, v7  }
0xb0: {  	v41 =	vld [tilespmem:$0x6E0];
	v8 =	vsel vm4, $0x0, v8;
	v37 =	vsel vm5, $0x1, v0;
	v7 =	vadd.s32 v34, v7  }
0xb1: {  	v19 =	vld [tilespmem:$0x6F0];
	v10 =	vsel vm5, $0x0, v10;
	v11 =	vsel vm6, $0x0, v11;
	v7 =	vadd.s32 v12, v7  }
0xb2: {  	v20 =	vld [tilespmem:$0x700];
	v15 =	vsel vm6, $0x1, v0;
	v39 =	vsel vm7, $0x1, v0;
	v7 =	vadd.s32 v36, v7  }
0xb3: {  	v44 =	vld [tilespmem:$0x720];
	v40 =	vsel vm8, $0x1, v0;
	v13 =	vsel vm8, $0x0, v13;
	v7 =	vadd.s32 v37, v7  }
0xb4: {  	v45 =	vld [tilespmem:$0x730];
	v14 =	vsel vm9, $0x0, v14;
	v18 =	vsel vm9, $0x1, v0;
	v7 =	vadd.s32 v15, v7  }
0xb5: {  	v47 =	vld [tilespmem:$0x740];
	v42 =	vsel vm10, $0x1, v0;
	v43 =	vsel vm11, $0x1, v0;
	v7 =	vadd.s32 v39, v7  }
0xb6: {  	v26 =	vld [tilespmem:$0x760];
	v16 =	vsel vm11, $0x0, v16;
	v17 =	vsel vm12, $0x0, v17;
	v7 =	vadd.s32 v40, v7  }
0xb7: {  	v27 =	vld [tilespmem:$0x770];
	v22 =	vsel vm12, $0x1, v0;
	vm13 =	vgt.s32 v41, $0x1869F;
	v7 =	vadd.s32 v18, v7  }
0xb8: {  	v54 =	vld [tilespmem:$0x790];
	vm14 =	vgt.s32 v19, $0x1869F;
	vm15 =	vgt.s32 v20, $0x1869F;
	v7 =	vadd.s32 v42, v7  }
0xb9: {  	v55 =	vld [tilespmem:$0x7A0];
	v51 =	vsel vm3, $0x1, v0;
	vm4 =	vgt.s32 v44, $0x1869F;
	v7 =	vadd.s32 v43, v7  }
0xba: {  	vm5 =	vgt.s32 v45, $0x1869F;
	v46 =	vsel vm13, $0x1, v0;
	v7 =	vadd.s32 v22, v7  }
0xbb: {  	v49 =	vld [tilespmem:$0x750];
	vm6 =	vgt.s32 v47, $0x1869F;
	v48 =	vsel vm14, $0x1, v0;
	v7 =	vadd.s32 v46, v7  }
0xbc: {  	vm8 =	vgt.s32 v26, $0x1869F;
	v50 =	vsel vm15, $0x1, v0;
	[tilespmem:$0xA00] =	vst v2;
	v7 =	vadd.s32 v48, v7  }
0xbd: {  	vm9 =	vgt.s32 v27, $0x1869F;
	vm11 =	vgt.s32 v54, $0x1869F;
	[tilespmem:$0xA10] =	vst v3;
	v7 =	vadd.s32 v50, v7  }
0xbe: {  	v53 =	vld [tilespmem:$0x780];
	vm12 =	vgt.s32 v55, $0x1869F;
	v52 =	vsel vm4, $0x1, v0;
	[tilespmem:$0xA20] =	vst v4;
	v2 =	vadd.s32 v51, v7  }
0xbf: {  	v9 =	vsel vm7, $0x0, v35;
	v3 =	vsel vm5, $0x1, v0;
	[tilespmem:$0xA30] =	vst v5;
	v2 =	vadd.s32 v52, v2  }
0xc0: {  	vm7 =	vgt.s32 v49, $0x1869F;
	[tilespmem:$0xA40] =	vst v6;
	v2 =	vadd.s32 v3, v2;
	v3 =	vsel vm6, $0x1, v0  }
0xc1: {  	v56 =	vld [tilespmem:$0x7B0];
	v23 =	vsel vm13, $0xFFFFFFFF, v23;
	[tilespmem:$0xA50] =	vst v8;
	v2 =	vadd.s32 v3, v2;
	v3 =	vsel vm7, $0x1, v0  }
0xc2: {  	v57 =	vld [tilespmem:$0x7C0];
	[tilespmem:$0xA60] =	vst v10;
	v12 =	vsel vm10, $0x0, v38;
	v2 =	vadd.s32 v3, v2;
	v3 =	vsel vm8, $0x1, v0  }
0xc3: {  	v58 =	vld [tilespmem:$0x7D0];
	[tilespmem:$0xA70] =	vst v11;
	vm10 =	vgt.s32 v53, $0x1869F;
	v2 =	vadd.s32 v3, v2;
	v3 =	vsel vm9, $0x1, v0  }
0xc4: {  	v59 =	vld [tilespmem:$0x7E0];
	v24 =	vsel vm14, $0xFFFFFFFF, v24;
	[tilespmem:$0xA90] =	vst v13;
	v2 =	vadd.s32 v3, v2;
	v3 =	vsel vm10, $0x1, v0  }
0xc5: {  	v60 =	vld [tilespmem:$0x7F0];
	v25 =	vsel vm15, $0xFFFFFFFF, v25;
	[tilespmem:$0xAA0] =	vst v14;
	v2 =	vadd.s32 v3, v2;
	v3 =	vsel vm11, $0x1, v0  }
0xc6: {  	vm13 =	vgt.s32 v56, $0x1869F;
	[tilespmem:$0x1FFA0] =	vst v23;
	v2 =	vadd.s32 v3, v2;
	v3 =	vsel vm12, $0x1, v0  }
0xc7: {  	vm14 =	vgt.s32 v57, $0x1869F;
	[tilespmem:$0x1FFB0] =	vst v24;
	v61 =	vld [tilespmem:$0x1FFA0];
	v2 =	vadd.s32 v3, v2;
	v3 =	vsel vm13, $0x1, v0  }
0xc8: {  	vm15 =	vgt.s32 v58, $0x1869F;
	[tilespmem:$0xAC0] =	vst v16;
	v62 =	vld [tilespmem:$0x1FFB0];
	v2 =	vadd.s32 v3, v2;
	v3 =	vsel vm14, $0x1, v0  }
0xc9: {  	vm1 =	vgt.s32 v59, $0x1869F;
	[tilespmem:$0xAD0] =	vst v17;
	v2 =	vadd.s32 v3, v2;
	v3 =	vsel vm15, $0x1, v0  }
0xca: {  	vm0 =	vgt.s32 v60, $0x1869F;
	[tilespmem:$0x1FFC0] =	vst v25;
	v2 =	vadd.s32 v3, v2;
	v3 =	vsel vm1, $0x1, v0  }
0xcb: {  	v63 =	vsel vm9, $0x0, v27;
	[tilespmem:$0xA80] =	vst v9;
	v2 =	vadd.s32 v3, v2;
	v3 =	vsel vm0, $0x1, v0  }
0xcc: {  	[tilespmem:$0xB70] =	vst v63;
	vm2 =	vnez.u8 v61;
	v2 =	vadd.s32 v3, v2;
	v3 =	vld [tilespmem:$0x1FFC0]  }
0xcd: {  	[tilespmem:$0xAB0] =	vst v12;
	v9 =	vsel vm2, $0x0, v41;
	vm2 =	vnez.u8 v62  }
0xce: {  	v12 =	vsel vm2, $0x0, v19;
	[tilespmem:$0xAE0] =	vst v9;
	(xrf0) =	vadd.scan.msk.s32 $0xffff, v2  }
0xcf: {  	[tilespmem:$0xAF0] =	vst v12;
	v2 =	vsel vm3, $0x0, v21  }
0xd0: {  	[tilespmem:$0xB10] =	vst v2;
	v2 =	vsel vm5, $0x0, v45  }
0xd1: {  	[tilespmem:$0xB30] =	vst v2;
	v2 =	vsel vm7, $0x0, v49;
	vm2 =	vnez.u8 v3  }
0xd2: {  	[tilespmem:$0xB50] =	vst v2;
	v3 =	vsel vm2, $0x0, v20  }
0xd3: {  	[tilespmem:$0xB00] =	vst v3;
	v3 =	vsel vm4, $0x0, v44  }
0xd4: {  	v2, _, _ =	vpop (xrf0);
	[tilespmem:$0xB20] =	vst v3;
	v3 =	vsel vm6, $0x0, v47  }
0xd5: {  	(v2sf) =	vpush v2, $0xF;
	v2 =	vsel vm10, $0x0, v53;
	[tilespmem:$0xB40] =	vst v3  }
0xd6: {  	v3 =	vsel vm8, $0x0, v26;
	[tilespmem:$0xB80] =	vst v2  }
0xd7: {  	v2 =	vsel vm12, $0x0, v55;
	[tilespmem:$0xB60] =	vst v3  }
0xd8: {  	v3 =	vsel vm11, $0x0, v54;
	[tilespmem:$0xBA0] =	vst v2  }
0xd9: {  	v2 =	vsel vm14, $0x0, v57;
	[tilespmem:$0xB90] =	vst v3  }
0xda: {  	v3 =	vsel vm13, $0x0, v56;
	[tilespmem:$0xBC0] =	vst v2  }
0xdb: {  	v2 =	vsel vm1, $0x0, v59;
	[tilespmem:$0xBB0] =	vst v3  }
0xdc: {  	v3 =	vsel vm15, $0x0, v58;
	[tilespmem:$0xBE0] =	vst v2  }
0xdd: {  	v2 =	vsel vm0, $0x0, v60;
	[tilespmem:$0xBD0] =	vst v3  }
0xde: {  	[tilespmem:$0xBF0] =	vst v2  }
0xdf: {  	[tilespmem:s23], [sflag:$0x2] =	stream.indirect.gather [hbm4b:s4+s11], $0x40, s22, s11, $0xb8;
	[tilespmem:$0x10C00] =	vst v63  }
0xe0: {  	_ = 	snop  }
0xe1: {  	[tilespmem:s25], [sflag:$0x2] =	stream.indirect.gather [hbm4b:s4+s11], $0x40, s24, s11, $0xb8;
	[tilespmem:$0x10C00] =	vst v63  }
0xe2: {  	_ = 	snop  }
0xe3: {  	[tilespmem:s28], [sflag:$0x2] =	stream.indirect.gather [hbm4b:s4+s11], $0x40, s26, s11, $0xb8;
	[tilespmem:$0x10C00] =	vst v63  }
0xe4: {  	_ = 	snop  }
0xe5: {  	[tilespmem:s30], [sflag:$0x2] =	stream.indirect.gather [hbm4b:s4+s11], $0x40, s29, s11, $0xb8;
	[tilespmem:$0x10C00] =	vst v63  }
0xe6: {  	s12 =	spop (v2sf)  }
0xe7: {  	_ =	swait.ge [sflag:s31], $0x2000  }
0xe8: {  	[sflag:s31] =	ssyncset.done $0x0  }
0xe9: {  	[sflag:s31] =	ssyncadd.s32 $0xFFFFE000  }
0xea: {  	_ =	swait.ge [sflag:s31], $0x2000  }
0xeb: {  	[sflag:s31] =	ssyncset.done $0x0  }
0xec: {  	[sflag:s31] =	ssyncadd.s32 $0xFFFFE000  }
0xed: {  	p0 =	slt.s32 s12, $0x1;
	_ =	swait.ge [sflag:s31], $0x2000  }
.Ltmp5:
0xee: {  	[sflag:s31] =	ssyncset.done $0x0;
	(pc) =	sbr.rel @!p0 .LBB2_9-.Ltmp5, $4  }
.Ltmp6:
0xef: {  	[sflag:s31] =	ssyncadd.s32 $0xFFFFE000;
	(pc) =	sbr.rel @p0 .LBB2_14-.Ltmp6, $4  }
0xf0: {  	_ =	swait.ge [sflag:s31], $0x2000  }
0xf1: {  	[sflag:s31] =	ssyncset.done $0x0  }
0xf2: {  	[sflag:s31] =	ssyncadd.s32 $0xFFFFE000  }
0xf3: {  	_ = 	snop  }
.LBB2_7:
0xf4: {  	s5 =	sadd.s32 $0x1, s5  }
0xf5: {  	p1 =	sne.s32 s5, $0x20  }
.Ltmp7:
0xf6: {  	_ = 	snop;
	(pc) =	sbr.rel @!p1 .LBB2_8-.Ltmp7, $1  }
0xf7: {  	_ =	sdelay $0x3  }
.LBB2_3:
0xf8: {  	s10 =	sshll.u32 s5, $0x4  }
0xf9: {  	v2 =	vld [tilespmem:s10+$0x400];
	_ =	sdelay $0x4  }
0xfa: {  	vm0 =	vgt.s32 v2, $0x1869F  }
0xfb: {  	v3 =	vsel vm0, $0x1, v0  }
0xfc: {  	(xrf0) =	vadd.scan.msk.s32 $0xffff, v3;
	_ =	sdelay $0x5  }
0xfd: {  	v3, _, _ =	vpop (xrf0)  }
0xfe: {  	(v2sf) =	vpush v3, $0xF;
	_ =	sdelay $0xe  }
0xff: {  	s12 =	spop (v2sf)  }
0x100: {  	p1 =	slt.s32 s12, $0x1  }
.Ltmp8:
0x101: {  	_ = 	snop;
	(pc) =	sbr.rel @p1 .LBB2_7-.Ltmp8, $1  }
0x102: {  	_ =	sdelay $0x3  }
0x103: {  	vm1 =	vgt.s32 v2, $0x186A0  }
0x104: {  	s12 =	simm.s32 $0x0;
	v2 =	vnsel vm1, $0x186A0, v2  }
0x105: {  	v3 =	vmov s12;
	v2 =	vshll.u32 v2, $0x6  }
0x106: {  	v4 =	vmov s10;
	v5 =	vand.u32 $0x38, v3;
	v2 =	vadd.s32 $0xFF9E5800, v2  }
0x107: {  	v6 =	vshll.u32 v4, $0x6;
	v4 =	vand.u32 $0x7, v3;
	v7 =	vor.u32 v2, v5  }
0x108: {  	v7 =	vor.u32 v4, v7;
	_ =	sdelay $0x2  }
0x109: {  	s12 =	simm.s32 $0x1  }
0x10a: {  	s10 =	simm.s32 $0x2;
	v3 =	vor.u32 v1, v6;
	v6 =	vmov s12  }
.LBB2_5:
0x10b: {  	p1 =	sne.s32 s10, $0x3F;
	v8 =	vld.idx.msk [tilespmem:v7+s2+$0x0], $0xffff;
	v7 =	vor.u32 v3, v5;
	v5 =	vand.u32 $0x38, v6  }
0x10c: {  	v9 =	vor.u32 v2, v5;
	v10 =	vor.u32 v4, v7;
	v4 =	vand.u32 $0x7, v6  }
.Ltmp9:
0x10d: {  	v7 =	vor.u32 v4, v9;
	(pc) =	sbr.rel @p1 .LBB2_5-.Ltmp9, $2  }
0x10e: {  	_ =	sdelay $0x2  }
0x10f: {  	v6 =	vmov s10;
	s10 =	sadd.s32 $0x1, s10;
	[tilespmem:v10+s13+$0x0] =	vst.idx.msk vm0, v8  }
0x110: {  	_ =	sdelay $0x2  }
0x111: {  	v8 =	vand.u32 $0x38, v6;
	v5 =	vor.u32 v3, v5  }
0x112: {  	v7 =	vld.idx.msk [tilespmem:v7+s2+$0x0], $0xffff;
	v63 =	vand.u32 $0x7, v6;
	v2 =	vor.u32 v2, v8;
	v4 =	vor.u32 v4, v5  }
0x113: {  	v2 =	vor.u32 v63, v2;
	_ =	sdelay $0x3  }
0x114: {  	v3 =	vor.u32 v3, v8;
	[tilespmem:v4+s13+$0x0] =	vst.idx.msk vm0, v7  }
0x115: {  	v3 =	vor.u32 v63, v3;
	v2 =	vld.idx.msk [tilespmem:v2+s2+$0x0], $0xffff  }
.Ltmp10:
0x116: {  	_ = 	snop;
	(pc) =	sbr.rel .LBB2_7-.Ltmp10, $2  }
0x117: {  	_ =	sdelay $0x2  }
0x118: {  	[tilespmem:v3+s13+$0x0] =	vst.idx.msk vm0, v2  }
.LBB2_13:
0x119: {  	s3 =	sadd.s32 $0x1, s3  }
0x11a: {  	p0 =	sne.s32 s3, $0x20  }
.Ltmp11:
0x11b: {  	_ = 	snop;
	(pc) =	sbr.rel @!p0 .LBB2_14-.Ltmp11, $1  }
0x11c: {  	_ =	sdelay $0x3  }
.LBB2_9:
0x11d: {  	s5 =	sshll.u32 s3, $0x4  }
0x11e: {  	v2 =	vld [tilespmem:s5+$0x600];
	_ =	sdelay $0x4  }
0x11f: {  	vm0 =	vgt.s32 v2, $0x1869F  }
0x120: {  	v3 =	vsel vm0, $0x1, v0  }
0x121: {  	(xrf0) =	vadd.scan.msk.s32 $0xffff, v3;
	_ =	sdelay $0x5  }
0x122: {  	v3, _, _ =	vpop (xrf0)  }
0x123: {  	(v2sf) =	vpush v3, $0xF;
	_ =	sdelay $0xe  }
0x124: {  	s10 =	spop (v2sf)  }
0x125: {  	p0 =	slt.s32 s10, $0x1  }
.Ltmp12:
0x126: {  	_ = 	snop;
	(pc) =	sbr.rel @p0 .LBB2_13-.Ltmp12, $1  }
0x127: {  	_ =	sdelay $0x3  }
0x128: {  	vm1 =	vgt.s32 v2, $0x186A0  }
0x129: {  	s10 =	simm.s32 $0x0;
	v2 =	vnsel vm1, $0x186A0, v2  }
0x12a: {  	v3 =	vmov s10;
	v2 =	vshll.u32 v2, $0x6  }
0x12b: {  	v4 =	vmov s5;
	v5 =	vand.u32 $0x38, v3;
	v2 =	vadd.s32 $0xFF9E5800, v2  }
0x12c: {  	v6 =	vshll.u32 v4, $0x6;
	v4 =	vand.u32 $0x7, v3;
	v7 =	vor.u32 v2, v5  }
0x12d: {  	v7 =	vor.u32 v4, v7;
	_ =	sdelay $0x2  }
0x12e: {  	s12 =	simm.s32 $0x1  }
0x12f: {  	s5 =	simm.s32 $0x2;
	v3 =	vor.u32 v1, v6;
	v6 =	vmov s12  }
.LBB2_11:
0x130: {  	p0 =	sne.s32 s5, $0x3F;
	v8 =	vld.idx.msk [tilespmem:v7+s2+$0x0], $0xffff;
	v7 =	vor.u32 v3, v5;
	v5 =	vand.u32 $0x38, v6  }
0x131: {  	v9 =	vor.u32 v2, v5;
	v10 =	vor.u32 v4, v7;
	v4 =	vand.u32 $0x7, v6  }
.Ltmp13:
0x132: {  	v7 =	vor.u32 v4, v9;
	(pc) =	sbr.rel @p0 .LBB2_11-.Ltmp13, $2  }
0x133: {  	_ =	sdelay $0x2  }
0x134: {  	v6 =	vmov s5;
	s5 =	sadd.s32 $0x1, s5;
	[tilespmem:v10+s23+$0x0] =	vst.idx.msk vm0, v8  }
0x135: {  	_ =	sdelay $0x2  }
0x136: {  	v8 =	vand.u32 $0x38, v6;
	v5 =	vor.u32 v3, v5  }
0x137: {  	v7 =	vld.idx.msk [tilespmem:v7+s2+$0x0], $0xffff;
	v63 =	vand.u32 $0x7, v6;
	v2 =	vor.u32 v2, v8;
	v4 =	vor.u32 v4, v5  }
0x138: {  	v2 =	vor.u32 v63, v2;
	_ =	sdelay $0x3  }
0x139: {  	v3 =	vor.u32 v3, v8;
	[tilespmem:v4+s23+$0x0] =	vst.idx.msk vm0, v7  }
0x13a: {  	v3 =	vor.u32 v63, v3;
	v2 =	vld.idx.msk [tilespmem:v2+s2+$0x0], $0xffff  }
.Ltmp14:
0x13b: {  	_ = 	snop;
	(pc) =	sbr.rel .LBB2_13-.Ltmp14, $2  }
0x13c: {  	_ =	sdelay $0x2  }
0x13d: {  	[tilespmem:v3+s23+$0x0] =	vst.idx.msk vm0, v2  }
.LBB2_16:
0x13e: {  	_ =	sfence.sel $0x180000  }
0x13f: {  	[bflag:$0x0] =	sbarrier.arrive $0xFFFF  }
0x140: {  	_ =	strace $0x90000047  }
0x141: {  	s0 =	stileid.u32;
	[bflag:$0x2] =	sbarrier.arrive $0xFFFF  }
0x142: {  	p0 =	sne.s32 s0, $0x0;
	s0 =	rddreg [dreg:$0x2]  }
0x143: {  	s0 =	sadd.s32 @!p0 $0x100000, s0  }
0x144: {  	[sflag:s0] =	ssyncadd.tile.s32 @!p0 $0x1;
	_ =	shalt  }
.Lfunc_end2:
_tile_overlayer_lowered:
.L_overlay_start_2:
0x145: {  	(tag) =	ssettag $0x2  }
0x146: {  	s0 =	rddreg [dreg:$0x0];
	s2 =	stileid.u32  }
0x147: {  	s1 =	rddreg [dreg:$0x1];
	p0 =	sne.s32 s2, $0x0  }
0x148: {  	s3 =	rddreg [dreg:$0x2];
	[bflag:$0x3] =	sbarrier.arrive $0xFFFF;
	s2 =	simm.s32 @!p0 $0x1C05  }
0x149: {  	[timem:s3], [sflag:s2] =	dma.local @!p0 [hbm:s0], s1  }
0x14a: {  	s0 =	simm.s32 @!p0 $0x5  }
0x14b: {  	_ =	swait.ge @!p0 [sflag:s0], s1  }
0x14c: {  	s1 =	ssub.s32 @!p0 $0x0, s1;
	[sflag:s0] =	ssyncset.done @!p0 $0x0  }
0x14d: {  	[sflag:s0] =	ssyncadd.s32 @!p0 s1  }
0x14e: {  	[bflag:$0x3] =	sbarrier.arrive $0xFFFF  }
0x14f: {  	_ =	shalt  }

// kernel: sparse-core-data-format-call.cloned.1.call-start
scs
called_computation_lowered:
.L_overlay_start_0:
0x0: {  	s2 =	sld [smem:$0x3FD9]  }
0x1: {  	s3 =	sld [smem:$0x3FFE];
	_ =	sdelay $0x1  }
0x2: {  	s1 =	srdreg.scid  }
0x3: {  	s0 =	sand.u32 $0x1, s1  }
0x4: {  	s18 =	sshll.u32 s0, $0xA;
	s2 =	sadd.s32 s3, s2  }
0x5: {  	s2 =	sadd.s32 s2, s18  }
0x6: {  	[smem:$0x3FC5] =	sst s2  }
0x7: {  	_ = 	snop  }
0x8: {  	s2 =	sld [smem:$0x3FD0];
	(tm) =	ssettm $0x1  }
0x9: {  	s19 =	sld [smem:$0x3FFB];
	_ =	sdelay $0x3  }
0xa: {  	_ =	strace s19  }
0xb: {  	s3 =	sld [smem:$0x3FFC];
	_ =	sdelay $0x3  }
0xc: {  	_ =	strace s3  }
0xd: {  	s3 =	sld [smem:$0x3FFD];
	_ =	sdelay $0x3  }
0xe: {  	_ =	strace s3  }
0xf: {  	_ =	strace $0x8FFFFFFF  }
0x10: {  	s20 =	sld [smem:$0x3FDB];
	_ =	sdelay $0x1  }
0x11: {  	s4 =	simm.s32 $_scs_section_size  }
0x12: {  	s5 =	simm.s32 $_size__tile_overlayer_lowered;
	s6 =	simm.s32 $_tile_overlayer_lowered  }
0x13: {  	s23 =	simm.s32 $0x1BFF;
	s22 =	sshll.u32 s6, $0x1;
	s3 =	sadd.s32 s4, s20  }
0x14: {  	s7 =	simm.s32 $0x0;
	s21 =	sshll.u32 s5, $0x1;
	s5 =	sadd.s32 s22, s3  }
0x15: {  	[timem:s7], [sflag:s23] =	dma.local [hbm:s5], s21  }
0x16: {  	_ =	swait.ge [sflag:s23], s21  }
0x17: {  	s4 =	ssub.s32 $0x0, s21;
	[sflag:s23] =	ssyncset.done $0x0  }
0x18: {  	[sflag:s23] =	ssyncadd.s32 s4;
	_ =	sdelay $0x1  }
0x19: {  	s24 =	simm.s32 $0x1B8B  }
0x1a: {  	_ =	swait.ge [sflag:s24], $0x1  }
0x1b: {  	[sflag:s24] =	ssyncset.done $0x0  }
0x1c: {  	s26 =	simm.s32 $0x1B8E;
	s25 =	sld [smem:$0x3FFE];
	[sflag:s24] =	ssyncadd.s32 $0xFFFFFFFF  }
0x1d: {  	s27 =	simm.s32 $execute0_lowered;
	[smem:$0x3FD2] =	sst s26  }
0x1e: {  	s5 =	sshll.u32 s27, $0x1;
	_ =	strace $0x80000049;
	[dreg:$0x1] =	wrdreg $0xFFFFFFFF  }
0x1f: {  	s28 =	simm.s32 $_size_execute0_lowered;
	s3 =	sadd.s32 s3, s5;
	[dreg:$0x0] =	wrdreg $0x0  }
0x20: {  	s5 =	sshll.u32 s28, $0x1;
	[dreg:$0x2] =	wrdreg s3  }
0x21: {  	[dreg:$0x3] =	wrdreg s5  }
0x22: {  	[dreg:$0x4] =	wrdreg $0xC0  }
0x23: {  	_ =	task [dreg:s7], $0x5FFFF  }
0x24: {  	[dreg:$0x1] =	wrdreg $0xFFFFFFFF  }
0x25: {  	[dreg:$0x0] =	wrdreg $0x60  }
0x26: {  	[dreg:$0x2] =	wrdreg s25  }
0x27: {  	[dreg:$0x3] =	wrdreg s2  }
0x28: {  	[dreg:$0x4] =	wrdreg $0x9  }
0x29: {  	_ =	task.clear_ibuf [dreg:s7], $0x5FFFF;
	_ =	strace $0x90000049  }
0x2a: {  	s29 =	simm.s32 $0x9;
	_ =	strace $0x8000004B  }
0x2b: {  	_ =	swait.ge [sflag:s29], $0x1  }
0x2c: {  	[sflag:s29] =	ssyncadd.s32 $0xFFFFFFFF  }
0x2d: {  	_ =	strace $0x9000004B  }
0x2e: {  	_ =	sfence  }
0x2f: {  	s30 =	sld [smem:$0x0];
	_ =	sdelay $0x2  }
0x30: {  	s31 =	sshll.u32 s1, $0xD;
	s1 =	sshrl.u32 s1, $0x2  }
0x31: {  	s3 =	sand.u32 $0x4000, s31;
	s1 =	sadd.s32 s1, s30  }
0x32: {  	s0 =	sor.u32 s3, s0;
	s1 =	sshll.u32 s1, $0x11  }
0x33: {  	s0 =	sor.u32 s1, s0  }
0x34: {  	s0 =	sadd.s32 $0x8F2B, s0  }
0x35: {  	[sflag:s0] =	ssyncadd.remote.s32 $0x1  }
0x36: {  	_ =	sfence.sel $0xFFFF  }
0x37: {  	[dreg:$0x0] =	wrdreg $0xFFFFFFFF;
	(pc) =	sbr.abs _section_cstart, $3  }
0x38: {  	[dreg:$0x1] =	wrdreg $0xFFFFFFFF  }
0x39: {  	_ =	task.clear_ibuf [dreg:s7], $0x2FFFF;
	_ =	strace $0x9FFFFFFF  }
0x3a: {  	(tm) =	ssettm $0x7FFFFFFF  }
0x3b: {  	_ =	shalt  }
tec
execute0_lowered:
.L_overlay_start_1:
0x0: {  	(tag) =	ssettag $0x1  }
0x1: {  	s0 =	srdreg.scid  }
0x2: {  	s1 =	sshll.u32 s0, $0x4  }
0x3: {  	s0 =	stileid.u32;
	s1 =	sand.u32 $0x10, s1  }
0x4: {  	s1 =	sor.u32 s0, s1  }
0x5: {  	s6 =	rddreg [dreg:$0x0];
	s4 =	simm.s32 $0x1;
	s2 =	sshll.u32 s1, $0x7  }
0x6: {  	s7 =	simm.s32 $0x2;
	s12 =	simm.s32 $0x0;
	s1 =	ssub.s32 $0x4000, s2  }
0x7: {  	s8 =	simm.s32 $0x20000;
	s13 =	simm.s32 $0x0;
	s3 =	sand.u32 $0xF80, s1  }
0x8: {  	s9 =	simm.s32 $0x0;
	s5 =	sshrl.u32 s1, $0xC;
	p0 =	sne.s32 s3, $0x0  }
.Ltmp0:
0x9: {  	s1 =	rddreg [dreg:$0x2];
	s4 =	simm.s32 @!p0 $0x0;
	(pc) =	sbr.rel .LBB1_1-.Ltmp0, $4  }
0xa: {  	s11 =	simm.s32 $0x0;
	s3 =	rddreg [dreg:$0x1];
	s5 =	sadd.s32 s4, s5  }
0xb: {  	_ =	strace $0x8000004A;
	s4 =	simm.s32 $0x1;
	s5 =	smul.u32 $0x32, s5  }
0xc: {  	s6 =	sadd.s32 $0x800, s6;
	s10 =	smov.u32 s2;
	[sflag:s4] =	ssyncpa.u1 $0x0  }
0xd: {  	p0 =	por $0x0, $0x0;
	[sflag:s7] =	ssyncpa.u1 $0x0;
	s7 =	sor.u32 $0x1, s5  }
.LBB1_4:
0xe: {  	s16 =	sshll.u32 s13, $0x3;
	s17 =	sand.u32 $0x78, s13  }
0xf: {  	s30 =	sand.u32 $0x1F800, s13;
	s12 =	sshll.u32 s12, $0x11;
	s16 =	sand.u32 $0x3C00, s16  }
0x10: {  	[tilespmem:s15+$0x810 ss:$0x81] =	vst.msk $0xffff, v2;
	s31 =	sand.u32 $0x7, s13;
	s16 =	sor.u32 s17, s16;
	s17 =	sadd.s32 s3, s30  }
0x11: {  	[tilespmem:s15+$0x1020 ss:$0x81] =	vst.msk $0xffff, v0;
	s13 =	sshll.u32 s31, $0x12;
	s12 =	sadd.s32 s12, s17;
	s16 =	sshrl.u32 s16, $0x3  }
0x12: {  	[tilespmem:s15+$0x0 ss:$0x81] =	vst.msk $0xffff, v1;
	s13 =	sor.u32 $0x400, s13;
	s12 =	sadd.s32 s16, s12  }
0x13: {  	[hbm4b:s12+s13] =	stream.strided.scatter [tilespmem:s14], [sflag:$0x2], $0x2000, s8, s13, $0x20;
	[tilespmem:$0x8080] =	vst v63  }
.LBB1_5:
0x14: {  	s14 =	sadd.s32 $0x1, s9  }
0x15: {  	s12 =	sadd.s32 $0x1000, s10;
	s16 =	smov.u32 s10;
	p2 =	sgt.s32 s14, $0x31  }
0x16: {  	s16 =	smov.u32 @p2 s12  }
0x17: {  	s14 =	simm.s32 @p2 $0x0;
	p2 =	sgt.s32 s16, $0x3FFF  }
0x18: {  	s16 =	smov.u32 @p2 s2;
	p2 =	sne.s32 s11, s7  }
.Ltmp1:
0x19: {  	p1 =	slt.u32 s11, $0x2;
	(pc) =	sbr.rel @!p2 .LBB1_6-.Ltmp1, $4  }
0x1a: {  	s15 =	simm.s32 @!p1 $0x2  }
0x1b: {  	s13 =	smov.u32 s10;
	p0 =	por !p0, !p0;
	_ =	swait.ge @!p1 [sflag:s15], $0x2000  }
0x1c: {  	s12 =	smov.u32 s9;
	[sflag:s15] =	ssyncset.done @!p1 $0x0;
	s9 =	smov.u32 s14  }
0x1d: {  	s11 =	sadd.s32 $0x1, s11;
	[sflag:s15] =	ssyncadd.s32 @!p1 $0xFFFFE000;
	s10 =	smov.u32 s16  }
.LBB1_1:
0x1e: {  	p1 =	sge.u32 s11, s5  }
0x1f: {  	s14 =	sand.u32 @!p1 $0x1FFFFFF, s9  }
0x20: {  	s15 =	smulhi.u32 @!p1 $0x4924925, s14;
	_ =	sdelay $0x1  }
0x21: {  	s15 =	smul.u32 @!p1 $0x38, s15  }
0x22: {  	s16 =	sxor.u32 @!p1 $0xFFFFFFFF, s11;
	s17 =	smul.u32 @!p1 $0x380, s10  }
0x23: {  	s31 =	sadd.s32 $0xFFFFFFFF, s11;
	s16 =	sshll.u32 @!p1 s16, $0xD;
	s14 =	ssub.s32 @!p1 s14, s15  }
0x24: {  	s15 =	sand.u32 @!p1 $0x2000, s16;
	s16 =	sadd.s32 @!p1 s6, s17;
	s14 =	sshll.u32 @!p1 s14, $0x4  }
0x25: {  	s17 =	simm.s32 @!p1 $0x1C00;
	s14 =	sadd.s32 @!p1 s14, s16;
	s16 =	simm.s32 @!p1 $0x40  }
0x26: {  	[tilespmem:s15], [sflag:$0x1] =	stream.strided.gather @!p1 [hbm4b:s14+s16], $0x2000, s17, s16, $0x38;
	[tilespmem:$0x8080] =	vst v63  }
0x27: {  	p1 =	sge.u32 s31, s5  }
.Ltmp2:
0x28: {  	_ = 	snop;
	(pc) =	sbr.rel @p1 .LBB1_5-.Ltmp2, $1  }
0x29: {  	_ =	sdelay $0x3  }
0x2a: {  	s14 =	simm.s32 $0x1  }
0x2b: {  	_ =	swait.ge [sflag:s4], $0x2000;
	s14 =	simm.s32 @!p0 $0x0  }
0x2c: {  	[sflag:s4] =	ssyncset.done $0x0;
	s15 =	sshll.u32 s14, $0xD  }
0x2d: {  	[sflag:s4] =	ssyncadd.s32 $0xFFFFE000;
	s18 =	sor.u32 $0x20, s15  }
0x2e: {  	s14 =	smul.u32 $0x8100, s14;
	v3 =	vld [tilespmem:s18+$0x10]  }
0x2f: {  	s30 =	sand.u32 $0x1, s11;
	v2 =	vld [tilespmem:s18+$0xFFFFFFF0]  }
0x30: {  	s15 =	smul.u32 $0x8100, s30;
	s14 =	sshrl.u32 s14, $0x2;
	v0 =	vld [tilespmem:s18+$0x0]  }
0x31: {  	v1 =	vld [tilespmem:s18+$0xFFFFFFE0];
	s16 =	sor.u32 $0x4000, s14  }
0x32: {  	s31 =	sshrl.u32 s15, $0x2;
	s15 =	sadd.s32 $0x0, s16  }
0x33: {  	s17 =	simm.s32 $0x4;
	s18 =	sadd.s32 $0x40, s18;
	s14 =	sor.u32 $0x4000, s31;
	[tilespmem:s15+$0x1830 ss:$0x81] =	vst.msk $0xffff, v3  }
.LBB1_3:
0x34: {  	v3 =	vld [tilespmem:s18+$0x10];
	p1 =	sne.s32 s17, $0x1FC;
	[tilespmem:s15+$0x810 ss:$0x81] =	vst.msk $0xffff, v2;
	s19 =	smov.u32 s17;
	s17 =	sadd.s32 $0x4, s17  }
.Ltmp3:
0x35: {  	v2 =	vld [tilespmem:s18+$0xFFFFFFF0];
	[tilespmem:s15+$0x1020 ss:$0x81] =	vst.msk $0xffff, v0;
	(pc) =	sbr.rel @p1 .LBB1_3-.Ltmp3, $4  }
0x36: {  	v0 =	vld [tilespmem:s18+$0x0];
	[tilespmem:s15+$0x0 ss:$0x81] =	vst.msk $0xffff, v1  }
0x37: {  	s15 =	sshra.s32 s19, $0x2;
	v1 =	vld [tilespmem:s18+$0xFFFFFFE0]  }
0x38: {  	s15 =	sadd.s32 s15, s16  }
0x39: {  	s18 =	sadd.s32 $0x40, s18;
	[tilespmem:s15+$0x1830 ss:$0x81] =	vst.msk $0xffff, v3  }
.Ltmp4:
0x3a: {  	_ = 	snop;
	(pc) =	sbr.rel .LBB1_4-.Ltmp4, $1  }
0x3b: {  	_ =	sdelay $0x3  }
.LBB1_6:
0x3c: {  	_ =	sfence.sel $0x180000  }
0x3d: {  	s2 =	simm.s32 $0x1;
	[bflag:$0x0] =	sbarrier.arrive $0xFFFF  }
0x3e: {  	s31 =	simm.s32 $0x2;
	[sflag:s2] =	ssyncpa.u1 $0x1  }
0x3f: {  	[sflag:s31] =	ssyncpa.u1 $0x1  }
0x40: {  	p0 =	sne.s32 s0, $0x0;
	_ =	strace $0x9000004A  }
0x41: {  	s0 =	sadd.s32 @!p0 $0x100000, s1;
	[bflag:$0x2] =	sbarrier.arrive $0xFFFF  }
0x42: {  	[sflag:s0] =	ssyncadd.tile.s32 @!p0 $0x1;
	_ =	shalt  }
.Lfunc_end1:
_tile_overlayer_lowered:
.L_overlay_start_2:
0x43: {  	(tag) =	ssettag $0x2  }
0x44: {  	s0 =	rddreg [dreg:$0x0];
	s2 =	stileid.u32  }
0x45: {  	s1 =	rddreg [dreg:$0x1];
	p0 =	sne.s32 s2, $0x0  }
0x46: {  	s3 =	rddreg [dreg:$0x2];
	[bflag:$0x3] =	sbarrier.arrive $0xFFFF;
	s2 =	simm.s32 @!p0 $0x1C01  }
0x47: {  	[timem:s3], [sflag:s2] =	dma.local @!p0 [hbm:s0], s1  }
0x48: {  	s0 =	simm.s32 @!p0 $0x1  }
0x49: {  	_ =	swait.ge @!p0 [sflag:s0], s1  }
0x4a: {  	s1 =	ssub.s32 @!p0 $0x0, s1;
	[sflag:s0] =	ssyncset.done @!p0 $0x0  }
0x4b: {  	[sflag:s0] =	ssyncadd.s32 @!p0 s1  }
0x4c: {  	[bflag:$0x3] =	sbarrier.arrive $0xFFFF  }
0x4d: {  	_ =	shalt  }

</sc_bundles>
